<compile_context>
chip_gen: v7x
topology: tpu7x:2x2x1
jax: 0.10.2.dev20260603
libtpu: 0.0.44.dev20260713+nightly
codegen_flags: <defaults>
</compile_context>

<pallas_src>
import functools

import jax
import jax.numpy as jnp
from jax import lax
from jax.experimental import pallas as pl
from jax.experimental.pallas import tpu as pltpu
from jax.experimental.pallas import tpu_sc as plsc

B = 16384
S = 200
H = 64
NBT = B // 128
NS = 2
NW = 32
BT_PER_W = NBT // NW
NUNIT = S // NS


def _make_kernel():
    info = plsc.get_sparse_core_info()
    nc = info.num_cores
    mesh = plsc.VectorSubcoreMesh(core_axis_name="c", subcore_axis_name="s")

    @functools.partial(
        pl.kernel,
        mesh=mesh,
        out_type=jax.ShapeDtypeStruct((S, H // 8, NBT, 8, 128), jnp.float32),
        scratch_types=[
            pltpu.VMEM((128, S + 1), jnp.int32),
            pltpu.VMEM((2, NS, 128), jnp.int32),
            pltpu.VMEM((2, NS, 128, H), jnp.float32),
            pltpu.VMEM((2, NS, H // 8, 8, 129), jnp.float32),
            pltpu.SemaphoreType.DMA,
            pltpu.SemaphoreType.DMA,
        ],
        compiler_params=pltpu.CompilerParams(
            use_tc_tiling_on_sc=False, needs_layout_passes=False,
            disable_bounds_checks=True
        ),
    )
    def k(table_hbm, idx_hbm, out_hbm, idx_v, sidx, g_v, t_v, sem_g, sem_w):
        wid = lax.axis_index("s") * nc + lax.axis_index("c")
        iota = lax.iota(jnp.int32, 16)

        def stage_and_gather(buf, u):
            for sj in range(NS):
                scol = jnp.full((16,), u * NS + sj, jnp.int32)

                def stage_blk(blk, c, sj=sj):
                    col = plsc.load_gather(idx_v, [blk * 16 + iota, scol])
                    sidx[buf, sj, pl.ds(blk * 16, 16)] = col
                    return c

                lax.fori_loop(0, 8, stage_blk, 0, unroll=8)
            for sj in range(NS):
                pltpu.async_copy(
                    table_hbm.at[sidx.at[buf, sj]], g_v.at[buf, sj], sem_g)

        def wait_gathers(buf):
            for sj in range(NS):
                pltpu.make_async_copy(
                    table_hbm.at[sidx.at[buf, sj]], g_v.at[buf, sj], sem_g).wait()

        hvecs = []
        for h0 in range(0, H, 16):
            hv = h0 + iota
            hvecs.append((hv // 8, hv - (hv // 8) * 8))

        def transpose_unit(buf):
            for sj in range(NS):
                t3 = t_v.at[buf, sj]
                g2d = g_v.at[buf, sj]

                @plsc.parallel_loop(0, 128, unroll=4)
                def do_bl(bl, t3=t3, g2d=g2d):
                    blv = jnp.full((16,), bl, jnp.int32)
                    for k, (htv, hlv) in enumerate(hvecs):
                        v = g2d[bl, pl.ds(k * 16, 16)]
                        plsc.store_scatter(t3, [htv, hlv, blv], v)

        def drain_wb():
            pltpu.make_async_copy(
                t_v.at[0, :, :, :, pl.ds(0, 128)],
                out_hbm.at[pl.ds(0, NS), :, 0], sem_w).wait()

        def run_bt(t, carry):
            bt = wid * BT_PER_W + t
            pltpu.sync_copy(idx_hbm.at[pl.ds(bt * 128, 128)],
                            idx_v.at[:, pl.ds(0, S)])
            stage_and_gather(0, 0)

            def pair(p, carry2):
                for buf in range(2):
                    u = p * 2 + buf
                    wait_gathers(buf)

                    @pl.when(u + 1 < NUNIT)
                    def _(buf=buf, u=u):
                        stage_and_gather(1 - buf, u + 1)

                    @pl.when(u >= 2)
                    def _():
                        drain_wb()

                    transpose_unit(buf)
                    pltpu.async_copy(
                        t_v.at[buf, :, :, :, pl.ds(0, 128)],
                        out_hbm.at[pl.ds(u * NS, NS), :, bt], sem_w)
                return carry2

            lax.fori_loop(0, NUNIT // 2, pair, 0)
            drain_wb()
            drain_wb()
            return carry

        lax.fori_loop(0, BT_PER_W, run_bt, 0)

    return k


def kernel(position_ids, table):
    b, s = position_ids.shape
    idx = position_ids.astype(jnp.int32)
    five = _make_kernel()(table, idx)
    t = five.transpose(2, 4, 0, 1, 3)
    return t.reshape(b, s, H)

# --- scband reference (transcript-rebuilt; emitter-appended) ---
"""Pipeline reference for scband-position-embedding-40295383171626 (READ-ONLY COPY).

The authoritative reference and input builder live on the scoring server;
editing this copy changes nothing except your own understanding.
"""

import jax, jax.numpy as jnp
import numpy as np

MAX_SIZE = 1000
HIDDEN_SIZE = 64
NUM_EMBEDDINGS = MAX_SIZE * MAX_SIZE


def setup_inputs(seed: int = 0) -> dict:
    key = jax.random.key(seed)
    k_idx, k_tab = jax.random.split(key)
    position_ids = jax.random.randint(k_idx, (16384, 200), 0, NUM_EMBEDDINGS, dtype=jnp.int64 if jax.config.jax_enable_x64 else jnp.int32)
    table = jax.random.normal(k_tab, (NUM_EMBEDDINGS, HIDDEN_SIZE), dtype=jnp.float32)
    return {"position_ids": position_ids, "table": table}


def reference(position_ids, table):
    # nn.Embedding forward: gather rows of the embedding table
    return jnp.take(table, position_ids, axis=0)

if __name__ == "__main__":
    import jax
    _d = setup_inputs()
    print(jax.jit(kernel)(*tuple(_d.values())))

</pallas_src>

<mosaic_0001>
#map = affine_map<(d0, d1) -> (0, 0)>
#map1 = affine_map<(d0, d1) -> (0, 0, 0, 0, 0)>
module attributes {stable_mosaic.version = 14 : i64} {
  func.func @k(%arg0: i32, %arg1: i32, %arg2: memref<1000000x64xf32, #tpu.memory_space<hbm>>, %arg3: memref<16384x200xi32, #tpu.memory_space<hbm>>, %arg4: memref<200x8x128x8x128xf32, #tpu.memory_space<hbm>>, %arg5: memref<128x201xi32, #tpu.memory_space<vmem>>, %arg6: memref<2x2x128xi32, #tpu.memory_space<vmem>>, %arg7: memref<2x2x128x64xf32, #tpu.memory_space<vmem>>, %arg8: memref<2x2x8x8x129xf32, #tpu.memory_space<vmem>>, %arg9: memref<!tpu.dma_semaphore, #tpu.memory_space<semaphore_mem>>, %arg10: memref<!tpu.dma_semaphore, #tpu.memory_space<semaphore_mem>>) attributes {dimension_semantics = [#tpu.dimension_semantics<core_parallel>, #tpu.dimension_semantics<subcore_parallel>], iteration_bounds = array<i64: 2, 16>, scalar_prefetch = 0 : i64, scratch_operands = 6 : i64, tpu.core_type = #tpu.core_type<sc_vector_subcore>, window_params = [{transform_indices = #map}, {transform_indices = #map}, {transform_indices = #map1}]} {
    %mul3A = arith.constant 2 : i32
    %mul3A_0 = arith.muli %arg1, %mul3A : i32
    %add3A = arith.addi %mul3A_0, %arg0 : i32
    %iota3A = tpu.iota {dimensions = array<i32: 0>} : vector<16xi32>
    %add3A_1 = arith.constant 0 : i32
    %add3A_2 = vector.broadcast %add3A_1 : i32 to vector<16xi32>
    %add3A_3 = arith.addi %add3A_2, %iota3A : vector<16xi32>
    %jit3A = arith.constant 8 : i32
    %div3A = vector.broadcast %jit3A : i32 to vector<16xi32>
    %div3A_4 = arith.divsi %add3A_3, %div3A : vector<16xi32>
    %sign3A = arith.constant 0 : i32
    %sign3A_5 = vector.broadcast %sign3A : i32 to vector<16xi32>
    %sign3A_6 = arith.cmpi sgt, %add3A_3, %sign3A_5 : vector<16xi32>
    %sign3A_7 = arith.extui %sign3A_6 : vector<16xi1> to vector<16xi32>
    %sign3A_8 = arith.constant 0 : i32
    %sign3A_9 = vector.broadcast %sign3A_8 : i32 to vector<16xi32>
    %sign3A_10 = arith.cmpi slt, %add3A_3, %sign3A_9 : vector<16xi32>
    %sign3A_11 = arith.extui %sign3A_10 : vector<16xi1> to vector<16xi32>
    %sign3A_12 = arith.subi %sign3A_7, %sign3A_11 : vector<16xi32>
    %sign3A_13 = arith.constant 0 : i32
    %sign3A_14 = arith.cmpi sgt, %jit3A, %sign3A_13 : i32
    %sign3A_15 = arith.extui %sign3A_14 : i1 to i32
    %sign3A_16 = arith.constant 0 : i32
    %sign3A_17 = arith.cmpi slt, %jit3A, %sign3A_16 : i32
    %sign3A_18 = arith.extui %sign3A_17 : i1 to i32
    %sign3A_19 = arith.subi %sign3A_15, %sign3A_18 : i32
    %ne3A = vector.broadcast %sign3A_19 : i32 to vector<16xi32>
    %ne3A_20 = arith.cmpi ne, %sign3A_12, %ne3A : vector<16xi32>
    %rem3A = vector.broadcast %jit3A : i32 to vector<16xi32>
    %rem3A_21 = arith.remsi %add3A_3, %rem3A : vector<16xi32>
    %ne3A_22 = arith.constant 0 : i32
    %ne3A_23 = vector.broadcast %ne3A_22 : i32 to vector<16xi32>
    %ne3A_24 = arith.cmpi ne, %rem3A_21, %ne3A_23 : vector<16xi32>
    %and3A = arith.andi %ne3A_20, %ne3A_24 : vector<16xi1>
    %sub3A = arith.constant 1 : i32
    %sub3A_25 = vector.broadcast %sub3A : i32 to vector<16xi32>
    %sub3A_26 = arith.subi %div3A_4, %sub3A_25 : vector<16xi32>
    %select_n3A = arith.select %and3A, %sub3A_26, %div3A_4 : vector<16xi1>, vector<16xi32>
    %jit3A_27 = arith.constant 8 : i32
    %div3A_28 = vector.broadcast %jit3A_27 : i32 to vector<16xi32>
    %div3A_29 = arith.divsi %add3A_3, %div3A_28 : vector<16xi32>
    %sign3A_30 = arith.constant 0 : i32
    %sign3A_31 = vector.broadcast %sign3A_30 : i32 to vector<16xi32>
    %sign3A_32 = arith.cmpi sgt, %add3A_3, %sign3A_31 : vector<16xi32>
    %sign3A_33 = arith.extui %sign3A_32 : vector<16xi1> to vector<16xi32>
    %sign3A_34 = arith.constant 0 : i32
    %sign3A_35 = vector.broadcast %sign3A_34 : i32 to vector<16xi32>
    %sign3A_36 = arith.cmpi slt, %add3A_3, %sign3A_35 : vector<16xi32>
    %sign3A_37 = arith.extui %sign3A_36 : vector<16xi1> to vector<16xi32>
    %sign3A_38 = arith.subi %sign3A_33, %sign3A_37 : vector<16xi32>
    %sign3A_39 = arith.constant 0 : i32
    %sign3A_40 = arith.cmpi sgt, %jit3A_27, %sign3A_39 : i32
    %sign3A_41 = arith.extui %sign3A_40 : i1 to i32
    %sign3A_42 = arith.constant 0 : i32
    %sign3A_43 = arith.cmpi slt, %jit3A_27, %sign3A_42 : i32
    %sign3A_44 = arith.extui %sign3A_43 : i1 to i32
    %sign3A_45 = arith.subi %sign3A_41, %sign3A_44 : i32
    %ne3A_46 = vector.broadcast %sign3A_45 : i32 to vector<16xi32>
    %ne3A_47 = arith.cmpi ne, %sign3A_38, %ne3A_46 : vector<16xi32>
    %rem3A_48 = vector.broadcast %jit3A_27 : i32 to vector<16xi32>
    %rem3A_49 = arith.remsi %add3A_3, %rem3A_48 : vector<16xi32>
    %ne3A_50 = arith.constant 0 : i32
    %ne3A_51 = vector.broadcast %ne3A_50 : i32 to vector<16xi32>
    %ne3A_52 = arith.cmpi ne, %rem3A_49, %ne3A_51 : vector<16xi32>
    %and3A_53 = arith.andi %ne3A_47, %ne3A_52 : vector<16xi1>
    %sub3A_54 = arith.constant 1 : i32
    %sub3A_55 = vector.broadcast %sub3A_54 : i32 to vector<16xi32>
    %sub3A_56 = arith.subi %div3A_29, %sub3A_55 : vector<16xi32>
    %select_n3A_57 = arith.select %and3A_53, %sub3A_56, %div3A_29 : vector<16xi1>, vector<16xi32>
    %mul3A_58 = arith.constant 8 : i32
    %mul3A_59 = vector.broadcast %mul3A_58 : i32 to vector<16xi32>
    %mul3A_60 = arith.muli %select_n3A_57, %mul3A_59 : vector<16xi32>
    %sub3A_61 = arith.subi %add3A_3, %mul3A_60 : vector<16xi32>
    %add3A_62 = arith.constant 16 : i32
    %add3A_63 = vector.broadcast %add3A_62 : i32 to vector<16xi32>
    %add3A_64 = arith.addi %add3A_63, %iota3A : vector<16xi32>
    %jit3A_65 = arith.constant 8 : i32
    %div3A_66 = vector.broadcast %jit3A_65 : i32 to vector<16xi32>
    %div3A_67 = arith.divsi %add3A_64, %div3A_66 : vector<16xi32>
    %sign3A_68 = arith.constant 0 : i32
    %sign3A_69 = vector.broadcast %sign3A_68 : i32 to vector<16xi32>
    %sign3A_70 = arith.cmpi sgt, %add3A_64, %sign3A_69 : vector<16xi32>
    %sign3A_71 = arith.extui %sign3A_70 : vector<16xi1> to vector<16xi32>
    %sign3A_72 = arith.constant 0 : i32
    %sign3A_73 = vector.broadcast %sign3A_72 : i32 to vector<16xi32>
    %sign3A_74 = arith.cmpi slt, %add3A_64, %sign3A_73 : vector<16xi32>
    %sign3A_75 = arith.extui %sign3A_74 : vector<16xi1> to vector<16xi32>
    %sign3A_76 = arith.subi %sign3A_71, %sign3A_75 : vector<16xi32>
    %sign3A_77 = arith.constant 0 : i32
    %sign3A_78 = arith.cmpi sgt, %jit3A_65, %sign3A_77 : i32
    %sign3A_79 = arith.extui %sign3A_78 : i1 to i32
    %sign3A_80 = arith.constant 0 : i32
    %sign3A_81 = arith.cmpi slt, %jit3A_65, %sign3A_80 : i32
    %sign3A_82 = arith.extui %sign3A_81 : i1 to i32
    %sign3A_83 = arith.subi %sign3A_79, %sign3A_82 : i32
    %ne3A_84 = vector.broadcast %sign3A_83 : i32 to vector<16xi32>
    %ne3A_85 = arith.cmpi ne, %sign3A_76, %ne3A_84 : vector<16xi32>
    %rem3A_86 = vector.broadcast %jit3A_65 : i32 to vector<16xi32>
    %rem3A_87 = arith.remsi %add3A_64, %rem3A_86 : vector<16xi32>
    %ne3A_88 = arith.constant 0 : i32
    %ne3A_89 = vector.broadcast %ne3A_88 : i32 to vector<16xi32>
    %ne3A_90 = arith.cmpi ne, %rem3A_87, %ne3A_89 : vector<16xi32>
    %and3A_91 = arith.andi %ne3A_85, %ne3A_90 : vector<16xi1>
    %sub3A_92 = arith.constant 1 : i32
    %sub3A_93 = vector.broadcast %sub3A_92 : i32 to vector<16xi32>
    %sub3A_94 = arith.subi %div3A_67, %sub3A_93 : vector<16xi32>
    %select_n3A_95 = arith.select %and3A_91, %sub3A_94, %div3A_67 : vector<16xi1>, vector<16xi32>
    %jit3A_96 = arith.constant 8 : i32
    %div3A_97 = vector.broadcast %jit3A_96 : i32 to vector<16xi32>
    %div3A_98 = arith.divsi %add3A_64, %div3A_97 : vector<16xi32>
    %sign3A_99 = arith.constant 0 : i32
    %sign3A_100 = vector.broadcast %sign3A_99 : i32 to vector<16xi32>
    %sign3A_101 = arith.cmpi sgt, %add3A_64, %sign3A_100 : vector<16xi32>
    %sign3A_102 = arith.extui %sign3A_101 : vector<16xi1> to vector<16xi32>
    %sign3A_103 = arith.constant 0 : i32
    %sign3A_104 = vector.broadcast %sign3A_103 : i32 to vector<16xi32>
    %sign3A_105 = arith.cmpi slt, %add3A_64, %sign3A_104 : vector<16xi32>
    %sign3A_106 = arith.extui %sign3A_105 : vector<16xi1> to vector<16xi32>
    %sign3A_107 = arith.subi %sign3A_102, %sign3A_106 : vector<16xi32>
    %sign3A_108 = arith.constant 0 : i32
    %sign3A_109 = arith.cmpi sgt, %jit3A_96, %sign3A_108 : i32
    %sign3A_110 = arith.extui %sign3A_109 : i1 to i32
    %sign3A_111 = arith.constant 0 : i32
    %sign3A_112 = arith.cmpi slt, %jit3A_96, %sign3A_111 : i32
    %sign3A_113 = arith.extui %sign3A_112 : i1 to i32
    %sign3A_114 = arith.subi %sign3A_110, %sign3A_113 : i32
    %ne3A_115 = vector.broadcast %sign3A_114 : i32 to vector<16xi32>
    %ne3A_116 = arith.cmpi ne, %sign3A_107, %ne3A_115 : vector<16xi32>
    %rem3A_117 = vector.broadcast %jit3A_96 : i32 to vector<16xi32>
    %rem3A_118 = arith.remsi %add3A_64, %rem3A_117 : vector<16xi32>
    %ne3A_119 = arith.constant 0 : i32
    %ne3A_120 = vector.broadcast %ne3A_119 : i32 to vector<16xi32>
    %ne3A_121 = arith.cmpi ne, %rem3A_118, %ne3A_120 : vector<16xi32>
    %and3A_122 = arith.andi %ne3A_116, %ne3A_121 : vector<16xi1>
    %sub3A_123 = arith.constant 1 : i32
    %sub3A_124 = vector.broadcast %sub3A_123 : i32 to vector<16xi32>
    %sub3A_125 = arith.subi %div3A_98, %sub3A_124 : vector<16xi32>
    %select_n3A_126 = arith.select %and3A_122, %sub3A_125, %div3A_98 : vector<16xi1>, vector<16xi32>
    %mul3A_127 = arith.constant 8 : i32
    %mul3A_128 = vector.broadcast %mul3A_127 : i32 to vector<16xi32>
    %mul3A_129 = arith.muli %select_n3A_126, %mul3A_128 : vector<16xi32>
    %sub3A_130 = arith.subi %add3A_64, %mul3A_129 : vector<16xi32>
    %add3A_131 = arith.constant 32 : i32
    %add3A_132 = vector.broadcast %add3A_131 : i32 to vector<16xi32>
    %add3A_133 = arith.addi %add3A_132, %iota3A : vector<16xi32>
    %jit3A_134 = arith.constant 8 : i32
    %div3A_135 = vector.broadcast %jit3A_134 : i32 to vector<16xi32>
    %div3A_136 = arith.divsi %add3A_133, %div3A_135 : vector<16xi32>
    %sign3A_137 = arith.constant 0 : i32
    %sign3A_138 = vector.broadcast %sign3A_137 : i32 to vector<16xi32>
    %sign3A_139 = arith.cmpi sgt, %add3A_133, %sign3A_138 : vector<16xi32>
    %sign3A_140 = arith.extui %sign3A_139 : vector<16xi1> to vector<16xi32>
    %sign3A_141 = arith.constant 0 : i32
    %sign3A_142 = vector.broadcast %sign3A_141 : i32 to vector<16xi32>
    %sign3A_143 = arith.cmpi slt, %add3A_133, %sign3A_142 : vector<16xi32>
    %sign3A_144 = arith.extui %sign3A_143 : vector<16xi1> to vector<16xi32>
    %sign3A_145 = arith.subi %sign3A_140, %sign3A_144 : vector<16xi32>
    %sign3A_146 = arith.constant 0 : i32
    %sign3A_147 = arith.cmpi sgt, %jit3A_134, %sign3A_146 : i32
    %sign3A_148 = arith.extui %sign3A_147 : i1 to i32
    %sign3A_149 = arith.constant 0 : i32
    %sign3A_150 = arith.cmpi slt, %jit3A_134, %sign3A_149 : i32
    %sign3A_151 = arith.extui %sign3A_150 : i1 to i32
    %sign3A_152 = arith.subi %sign3A_148, %sign3A_151 : i32
    %ne3A_153 = vector.broadcast %sign3A_152 : i32 to vector<16xi32>
    %ne3A_154 = arith.cmpi ne, %sign3A_145, %ne3A_153 : vector<16xi32>
    %rem3A_155 = vector.broadcast %jit3A_134 : i32 to vector<16xi32>
    %rem3A_156 = arith.remsi %add3A_133, %rem3A_155 : vector<16xi32>
    %ne3A_157 = arith.constant 0 : i32
    %ne3A_158 = vector.broadcast %ne3A_157 : i32 to vector<16xi32>
    %ne3A_159 = arith.cmpi ne, %rem3A_156, %ne3A_158 : vector<16xi32>
    %and3A_160 = arith.andi %ne3A_154, %ne3A_159 : vector<16xi1>
    %sub3A_161 = arith.constant 1 : i32
    %sub3A_162 = vector.broadcast %sub3A_161 : i32 to vector<16xi32>
    %sub3A_163 = arith.subi %div3A_136, %sub3A_162 : vector<16xi32>
    %select_n3A_164 = arith.select %and3A_160, %sub3A_163, %div3A_136 : vector<16xi1>, vector<16xi32>
    %jit3A_165 = arith.constant 8 : i32
    %div3A_166 = vector.broadcast %jit3A_165 : i32 to vector<16xi32>
    %div3A_167 = arith.divsi %add3A_133, %div3A_166 : vector<16xi32>
    %sign3A_168 = arith.constant 0 : i32
    %sign3A_169 = vector.broadcast %sign3A_168 : i32 to vector<16xi32>
    %sign3A_170 = arith.cmpi sgt, %add3A_133, %sign3A_169 : vector<16xi32>
    %sign3A_171 = arith.extui %sign3A_170 : vector<16xi1> to vector<16xi32>
    %sign3A_172 = arith.constant 0 : i32
    %sign3A_173 = vector.broadcast %sign3A_172 : i32 to vector<16xi32>
    %sign3A_174 = arith.cmpi slt, %add3A_133, %sign3A_173 : vector<16xi32>
    %sign3A_175 = arith.extui %sign3A_174 : vector<16xi1> to vector<16xi32>
    %sign3A_176 = arith.subi %sign3A_171, %sign3A_175 : vector<16xi32>
    %sign3A_177 = arith.constant 0 : i32
    %sign3A_178 = arith.cmpi sgt, %jit3A_165, %sign3A_177 : i32
    %sign3A_179 = arith.extui %sign3A_178 : i1 to i32
    %sign3A_180 = arith.constant 0 : i32
    %sign3A_181 = arith.cmpi slt, %jit3A_165, %sign3A_180 : i32
    %sign3A_182 = arith.extui %sign3A_181 : i1 to i32
    %sign3A_183 = arith.subi %sign3A_179, %sign3A_182 : i32
    %ne3A_184 = vector.broadcast %sign3A_183 : i32 to vector<16xi32>
    %ne3A_185 = arith.cmpi ne, %sign3A_176, %ne3A_184 : vector<16xi32>
    %rem3A_186 = vector.broadcast %jit3A_165 : i32 to vector<16xi32>
    %rem3A_187 = arith.remsi %add3A_133, %rem3A_186 : vector<16xi32>
    %ne3A_188 = arith.constant 0 : i32
    %ne3A_189 = vector.broadcast %ne3A_188 : i32 to vector<16xi32>
    %ne3A_190 = arith.cmpi ne, %rem3A_187, %ne3A_189 : vector<16xi32>
    %and3A_191 = arith.andi %ne3A_185, %ne3A_190 : vector<16xi1>
    %sub3A_192 = arith.constant 1 : i32
    %sub3A_193 = vector.broadcast %sub3A_192 : i32 to vector<16xi32>
    %sub3A_194 = arith.subi %div3A_167, %sub3A_193 : vector<16xi32>
    %select_n3A_195 = arith.select %and3A_191, %sub3A_194, %div3A_167 : vector<16xi1>, vector<16xi32>
    %mul3A_196 = arith.constant 8 : i32
    %mul3A_197 = vector.broadcast %mul3A_196 : i32 to vector<16xi32>
    %mul3A_198 = arith.muli %select_n3A_195, %mul3A_197 : vector<16xi32>
    %sub3A_199 = arith.subi %add3A_133, %mul3A_198 : vector<16xi32>
    %add3A_200 = arith.constant 48 : i32
    %add3A_201 = vector.broadcast %add3A_200 : i32 to vector<16xi32>
    %add3A_202 = arith.addi %add3A_201, %iota3A : vector<16xi32>
    %jit3A_203 = arith.constant 8 : i32
    %div3A_204 = vector.broadcast %jit3A_203 : i32 to vector<16xi32>
    %div3A_205 = arith.divsi %add3A_202, %div3A_204 : vector<16xi32>
    %sign3A_206 = arith.constant 0 : i32
    %sign3A_207 = vector.broadcast %sign3A_206 : i32 to vector<16xi32>
    %sign3A_208 = arith.cmpi sgt, %add3A_202, %sign3A_207 : vector<16xi32>
    %sign3A_209 = arith.extui %sign3A_208 : vector<16xi1> to vector<16xi32>
    %sign3A_210 = arith.constant 0 : i32
    %sign3A_211 = vector.broadcast %sign3A_210 : i32 to vector<16xi32>
    %sign3A_212 = arith.cmpi slt, %add3A_202, %sign3A_211 : vector<16xi32>
    %sign3A_213 = arith.extui %sign3A_212 : vector<16xi1> to vector<16xi32>
    %sign3A_214 = arith.subi %sign3A_209, %sign3A_213 : vector<16xi32>
    %sign3A_215 = arith.constant 0 : i32
    %sign3A_216 = arith.cmpi sgt, %jit3A_203, %sign3A_215 : i32
    %sign3A_217 = arith.extui %sign3A_216 : i1 to i32
    %sign3A_218 = arith.constant 0 : i32
    %sign3A_219 = arith.cmpi slt, %jit3A_203, %sign3A_218 : i32
    %sign3A_220 = arith.extui %sign3A_219 : i1 to i32
    %sign3A_221 = arith.subi %sign3A_217, %sign3A_220 : i32
    %ne3A_222 = vector.broadcast %sign3A_221 : i32 to vector<16xi32>
    %ne3A_223 = arith.cmpi ne, %sign3A_214, %ne3A_222 : vector<16xi32>
    %rem3A_224 = vector.broadcast %jit3A_203 : i32 to vector<16xi32>
    %rem3A_225 = arith.remsi %add3A_202, %rem3A_224 : vector<16xi32>
    %ne3A_226 = arith.constant 0 : i32
    %ne3A_227 = vector.broadcast %ne3A_226 : i32 to vector<16xi32>
    %ne3A_228 = arith.cmpi ne, %rem3A_225, %ne3A_227 : vector<16xi32>
    %and3A_229 = arith.andi %ne3A_223, %ne3A_228 : vector<16xi1>
    %sub3A_230 = arith.constant 1 : i32
    %sub3A_231 = vector.broadcast %sub3A_230 : i32 to vector<16xi32>
    %sub3A_232 = arith.subi %div3A_205, %sub3A_231 : vector<16xi32>
    %select_n3A_233 = arith.select %and3A_229, %sub3A_232, %div3A_205 : vector<16xi1>, vector<16xi32>
    %jit3A_234 = arith.constant 8 : i32
    %div3A_235 = vector.broadcast %jit3A_234 : i32 to vector<16xi32>
    %div3A_236 = arith.divsi %add3A_202, %div3A_235 : vector<16xi32>
    %sign3A_237 = arith.constant 0 : i32
    %sign3A_238 = vector.broadcast %sign3A_237 : i32 to vector<16xi32>
    %sign3A_239 = arith.cmpi sgt, %add3A_202, %sign3A_238 : vector<16xi32>
    %sign3A_240 = arith.extui %sign3A_239 : vector<16xi1> to vector<16xi32>
    %sign3A_241 = arith.constant 0 : i32
    %sign3A_242 = vector.broadcast %sign3A_241 : i32 to vector<16xi32>
    %sign3A_243 = arith.cmpi slt, %add3A_202, %sign3A_242 : vector<16xi32>
    %sign3A_244 = arith.extui %sign3A_243 : vector<16xi1> to vector<16xi32>
    %sign3A_245 = arith.subi %sign3A_240, %sign3A_244 : vector<16xi32>
    %sign3A_246 = arith.constant 0 : i32
    %sign3A_247 = arith.cmpi sgt, %jit3A_234, %sign3A_246 : i32
    %sign3A_248 = arith.extui %sign3A_247 : i1 to i32
    %sign3A_249 = arith.constant 0 : i32
    %sign3A_250 = arith.cmpi slt, %jit3A_234, %sign3A_249 : i32
    %sign3A_251 = arith.extui %sign3A_250 : i1 to i32
    %sign3A_252 = arith.subi %sign3A_248, %sign3A_251 : i32
    %ne3A_253 = vector.broadcast %sign3A_252 : i32 to vector<16xi32>
    %ne3A_254 = arith.cmpi ne, %sign3A_245, %ne3A_253 : vector<16xi32>
    %rem3A_255 = vector.broadcast %jit3A_234 : i32 to vector<16xi32>
    %rem3A_256 = arith.remsi %add3A_202, %rem3A_255 : vector<16xi32>
    %ne3A_257 = arith.constant 0 : i32
    %ne3A_258 = vector.broadcast %ne3A_257 : i32 to vector<16xi32>
    %ne3A_259 = arith.cmpi ne, %rem3A_256, %ne3A_258 : vector<16xi32>
    %and3A_260 = arith.andi %ne3A_254, %ne3A_259 : vector<16xi1>
    %sub3A_261 = arith.constant 1 : i32
    %sub3A_262 = vector.broadcast %sub3A_261 : i32 to vector<16xi32>
    %sub3A_263 = arith.subi %div3A_236, %sub3A_262 : vector<16xi32>
    %select_n3A_264 = arith.select %and3A_260, %sub3A_263, %div3A_236 : vector<16xi1>, vector<16xi32>
    %mul3A_265 = arith.constant 8 : i32
    %mul3A_266 = vector.broadcast %mul3A_265 : i32 to vector<16xi32>
    %mul3A_267 = arith.muli %select_n3A_264, %mul3A_266 : vector<16xi32>
    %sub3A_268 = arith.subi %add3A_202, %mul3A_267 : vector<16xi32>
    %scan3A = arith.constant 0 : i32
    %scan3A_269 = arith.constant 0 : i32
    %scan3A_270 = arith.constant 4 : i32
    %scan3A_271 = arith.addi %scan3A_269, %scan3A_270 : i32
    %scan3A_272 = arith.constant 1 : i32
    scf.for %scan3A_274 = %scan3A_269 to %scan3A_271 step %scan3A_272  : i32 {
      %mul3A_275 = arith.constant 4 : i32
      %mul3A_276 = arith.muli %add3A, %mul3A_275 : i32
      %add3A_277 = arith.addi %mul3A_276, %scan3A_274 : i32
      %mul3A_278 = arith.constant 128 : i32
      %mul3A_279 = arith.muli %add3A_277, %mul3A_278 : i32
      "tpu.region"() ({
        %run_scoped3A = tpu.sem_alloc : memref<!tpu.dma_semaphore, #tpu.memory_space<semaphore_mem>>
        %dma_start3A_593 = arith.constant 0 : i32
        %dma_start3A_594 = arith.constant 0 : i32
        %dma_start3A_595 = tpu.memref_slice %arg5[%dma_start3A_593, %dma_start3A_594] : memref<128x201xi32, #tpu.memory_space<vmem>> -> memref<128x200xi32, #tpu.memory_space<vmem>>
        %dma_start3A_596 = arith.constant 0 : i32
        %dma_start3A_597 = tpu.memref_slice %arg3[%mul3A_279, %dma_start3A_596] : memref<16384x200xi32, #tpu.memory_space<hbm>> -> memref<128x200xi32, #tpu.memory_space<hbm>>
        %dma_start3A_598 = arith.constant 0 : i32
        %dma_start3A_599 = arith.constant 0 : i32
        %dma_start3A_600 = tpu.memref_slice %arg5[%dma_start3A_598, %dma_start3A_599] : memref<128x201xi32, #tpu.memory_space<vmem>> -> memref<128x200xi32, #tpu.memory_space<vmem>>
        %dma_start3A_601 = arith.constant 0 : i32
        %dma_start3A_602 = tpu.memref_slice %arg3[%mul3A_279, %dma_start3A_601] : memref<16384x200xi32, #tpu.memory_space<hbm>> -> memref<128x200xi32, #tpu.memory_space<hbm>>
        tpu.enqueue_dma source(%dma_start3A_602 : memref<128x200xi32, #tpu.memory_space<hbm>>) target(%dma_start3A_600 : memref<128x200xi32, #tpu.memory_space<vmem>>) target_semaphore(%run_scoped3A : memref<!tpu.dma_semaphore, #tpu.memory_space<semaphore_mem>>)
        %dma_wait3A_603 = arith.constant 0 : i32
        %dma_wait3A_604 = arith.constant 0 : i32
        %dma_wait3A_605 = tpu.memref_slice %arg5[%dma_wait3A_603, %dma_wait3A_604] : memref<128x201xi32, #tpu.memory_space<vmem>> -> memref<128x200xi32, #tpu.memory_space<vmem>>
        %dma_wait3A_606 = arith.constant 0 : i32
        %dma_wait3A_607 = tpu.memref_slice %arg3[%mul3A_279, %dma_wait3A_606] : memref<16384x200xi32, #tpu.memory_space<hbm>> -> memref<128x200xi32, #tpu.memory_space<hbm>>
        %dma_wait3A_608 = arith.constant 0 : i32
        %dma_wait3A_609 = arith.constant 0 : i32
        %dma_wait3A_610 = tpu.memref_slice %arg5[%dma_wait3A_608, %dma_wait3A_609] : memref<128x201xi32, #tpu.memory_space<vmem>> -> memref<128x200xi32, #tpu.memory_space<vmem>>
        %dma_wait3A_611 = arith.constant 0 : i32
        %dma_wait3A_612 = tpu.memref_slice %arg3[%mul3A_279, %dma_wait3A_611] : memref<16384x200xi32, #tpu.memory_space<hbm>> -> memref<128x200xi32, #tpu.memory_space<hbm>>
        tpu.wait_dma2 semaphore(%run_scoped3A : memref<!tpu.dma_semaphore, #tpu.memory_space<semaphore_mem>>) src(%dma_wait3A_612 : memref<128x200xi32, #tpu.memory_space<hbm>>) dst(%dma_wait3A_610 : memref<128x200xi32, #tpu.memory_space<vmem>>)
        tpu.yield
      }) : () -> ()
      %broadcast_in_dim3A = arith.constant 0 : i32
      %broadcast_in_dim3A_280 = vector.broadcast %broadcast_in_dim3A : i32 to vector<16xi32>
      %scan3A_281 = arith.constant 0 : i32
      %scan3A_282 = arith.constant 0 : i32
      %mul3A_283 = arith.constant 16 : i32
      %mul3A_284 = arith.muli %scan3A_282, %mul3A_283 : i32
      %add3A_285 = vector.broadcast %mul3A_284 : i32 to vector<16xi32>
      %add3A_286 = arith.addi %add3A_285, %iota3A : vector<16xi32>
      %gather3A = tpu.vector_load_idx %arg5[%add3A_286, %broadcast_in_dim3A_280] : memref<128x201xi32, #tpu.memory_space<vmem>>[vector<16xi32>, vector<16xi32>], vector<16xi32>,
      %mul3A_287 = arith.constant 16 : i32
      %mul3A_288 = arith.muli %scan3A_282, %mul3A_287 : i32
      %swap3A = arith.constant 0 : i32
      %swap3A_289 = arith.constant 0 : i32
      %swap3A_290 = arith.index_cast %swap3A : i32 to index
      %swap3A_291 = arith.index_cast %swap3A_289 : i32 to index
      %swap3A_292 = arith.index_cast %mul3A_288 : i32 to index
      %swap3A_293 = tpu.vector_load %arg6[%swap3A_290, %swap3A_291, %swap3A_292] {strides = array<i32>} : memref<2x2x128xi32, #tpu.memory_space<vmem>>, vector<16xi32>,
      tpu.vector_store %arg6[%swap3A_290, %swap3A_291, %swap3A_292], %gather3A {strides = array<i32>} : memref<2x2x128xi32, #tpu.memory_space<vmem>>, vector<16xi32>,
      %scan3A_294 = arith.constant 1 : i32
      %mul3A_295 = arith.constant 16 : i32
      %mul3A_296 = arith.muli %scan3A_294, %mul3A_295 : i32
      %add3A_297 = vector.broadcast %mul3A_296 : i32 to vector<16xi32>
      %add3A_298 = arith.addi %add3A_297, %iota3A : vector<16xi32>
      %gather3A_299 = tpu.vector_load_idx %arg5[%add3A_298, %broadcast_in_dim3A_280] : memref<128x201xi32, #tpu.memory_space<vmem>>[vector<16xi32>, vector<16xi32>], vector<16xi32>,
      %mul3A_300 = arith.constant 16 : i32
      %mul3A_301 = arith.muli %scan3A_294, %mul3A_300 : i32
      %swap3A_302 = arith.constant 0 : i32
      %swap3A_303 = arith.constant 0 : i32
      %swap3A_304 = arith.index_cast %swap3A_302 : i32 to index
      %swap3A_305 = arith.index_cast %swap3A_303 : i32 to index
      %swap3A_306 = arith.index_cast %mul3A_301 : i32 to index
      %swap3A_307 = tpu.vector_load %arg6[%swap3A_304, %swap3A_305, %swap3A_306] {strides = array<i32>} : memref<2x2x128xi32, #tpu.memory_space<vmem>>, vector<16xi32>,
      tpu.vector_store %arg6[%swap3A_304, %swap3A_305, %swap3A_306], %gather3A_299 {strides = array<i32>} : memref<2x2x128xi32, #tpu.memory_space<vmem>>, vector<16xi32>,
      %scan3A_308 = arith.constant 2 : i32
      %mul3A_309 = arith.constant 16 : i32
      %mul3A_310 = arith.muli %scan3A_308, %mul3A_309 : i32
      %add3A_311 = vector.broadcast %mul3A_310 : i32 to vector<16xi32>
      %add3A_312 = arith.addi %add3A_311, %iota3A : vector<16xi32>
      %gather3A_313 = tpu.vector_load_idx %arg5[%add3A_312, %broadcast_in_dim3A_280] : memref<128x201xi32, #tpu.memory_space<vmem>>[vector<16xi32>, vector<16xi32>], vector<16xi32>,
      %mul3A_314 = arith.constant 16 : i32
      %mul3A_315 = arith.muli %scan3A_308, %mul3A_314 : i32
      %swap3A_316 = arith.constant 0 : i32
      %swap3A_317 = arith.constant 0 : i32
      %swap3A_318 = arith.index_cast %swap3A_316 : i32 to index
      %swap3A_319 = arith.index_cast %swap3A_317 : i32 to index
      %swap3A_320 = arith.index_cast %mul3A_315 : i32 to index
      %swap3A_321 = tpu.vector_load %arg6[%swap3A_318, %swap3A_319, %swap3A_320] {strides = array<i32>} : memref<2x2x128xi32, #tpu.memory_space<vmem>>, vector<16xi32>,
      tpu.vector_store %arg6[%swap3A_318, %swap3A_319, %swap3A_320], %gather3A_313 {strides = array<i32>} : memref<2x2x128xi32, #tpu.memory_space<vmem>>, vector<16xi32>,
      %scan3A_322 = arith.constant 3 : i32
      %mul3A_323 = arith.constant 16 : i32
      %mul3A_324 = arith.muli %scan3A_322, %mul3A_323 : i32
      %add3A_325 = vector.broadcast %mul3A_324 : i32 to vector<16xi32>
      %add3A_326 = arith.addi %add3A_325, %iota3A : vector<16xi32>
      %gather3A_327 = tpu.vector_load_idx %arg5[%add3A_326, %broadcast_in_dim3A_280] : memref<128x201xi32, #tpu.memory_space<vmem>>[vector<16xi32>, vector<16xi32>], vector<16xi32>,
      %mul3A_328 = arith.constant 16 : i32
      %mul3A_329 = arith.muli %scan3A_322, %mul3A_328 : i32
      %swap3A_330 = arith.constant 0 : i32
      %swap3A_331 = arith.constant 0 : i32
      %swap3A_332 = arith.index_cast %swap3A_330 : i32 to index
      %swap3A_333 = arith.index_cast %swap3A_331 : i32 to index
      %swap3A_334 = arith.index_cast %mul3A_329 : i32 to index
      %swap3A_335 = tpu.vector_load %arg6[%swap3A_332, %swap3A_333, %swap3A_334] {strides = array<i32>} : memref<2x2x128xi32, #tpu.memory_space<vmem>>, vector<16xi32>,
      tpu.vector_store %arg6[%swap3A_332, %swap3A_333, %swap3A_334], %gather3A_327 {strides = array<i32>} : memref<2x2x128xi32, #tpu.memory_space<vmem>>, vector<16xi32>,
      %scan3A_336 = arith.constant 4 : i32
      %mul3A_337 = arith.constant 16 : i32
      %mul3A_338 = arith.muli %scan3A_336, %mul3A_337 : i32
      %add3A_339 = vector.broadcast %mul3A_338 : i32 to vector<16xi32>
      %add3A_340 = arith.addi %add3A_339, %iota3A : vector<16xi32>
      %gather3A_341 = tpu.vector_load_idx %arg5[%add3A_340, %broadcast_in_dim3A_280] : memref<128x201xi32, #tpu.memory_space<vmem>>[vector<16xi32>, vector<16xi32>], vector<16xi32>,
      %mul3A_342 = arith.constant 16 : i32
      %mul3A_343 = arith.muli %scan3A_336, %mul3A_342 : i32
      %swap3A_344 = arith.constant 0 : i32
      %swap3A_345 = arith.constant 0 : i32
      %swap3A_346 = arith.index_cast %swap3A_344 : i32 to index
      %swap3A_347 = arith.index_cast %swap3A_345 : i32 to index
      %swap3A_348 = arith.index_cast %mul3A_343 : i32 to index
      %swap3A_349 = tpu.vector_load %arg6[%swap3A_346, %swap3A_347, %swap3A_348] {strides = array<i32>} : memref<2x2x128xi32, #tpu.memory_space<vmem>>, vector<16xi32>,
      tpu.vector_store %arg6[%swap3A_346, %swap3A_347, %swap3A_348], %gather3A_341 {strides = array<i32>} : memref<2x2x128xi32, #tpu.memory_space<vmem>>, vector<16xi32>,
      %scan3A_350 = arith.constant 5 : i32
      %mul3A_351 = arith.constant 16 : i32
      %mul3A_352 = arith.muli %scan3A_350, %mul3A_351 : i32
      %add3A_353 = vector.broadcast %mul3A_352 : i32 to vector<16xi32>
      %add3A_354 = arith.addi %add3A_353, %iota3A : vector<16xi32>
      %gather3A_355 = tpu.vector_load_idx %arg5[%add3A_354, %broadcast_in_dim3A_280] : memref<128x201xi32, #tpu.memory_space<vmem>>[vector<16xi32>, vector<16xi32>], vector<16xi32>,
      %mul3A_356 = arith.constant 16 : i32
      %mul3A_357 = arith.muli %scan3A_350, %mul3A_356 : i32
      %swap3A_358 = arith.constant 0 : i32
      %swap3A_359 = arith.constant 0 : i32
      %swap3A_360 = arith.index_cast %swap3A_358 : i32 to index
      %swap3A_361 = arith.index_cast %swap3A_359 : i32 to index
      %swap3A_362 = arith.index_cast %mul3A_357 : i32 to index
      %swap3A_363 = tpu.vector_load %arg6[%swap3A_360, %swap3A_361, %swap3A_362] {strides = array<i32>} : memref<2x2x128xi32, #tpu.memory_space<vmem>>, vector<16xi32>,
      tpu.vector_store %arg6[%swap3A_360, %swap3A_361, %swap3A_362], %gather3A_355 {strides = array<i32>} : memref<2x2x128xi32, #tpu.memory_space<vmem>>, vector<16xi32>,
      %scan3A_364 = arith.constant 6 : i32
      %mul3A_365 = arith.constant 16 : i32
      %mul3A_366 = arith.muli %scan3A_364, %mul3A_365 : i32
      %add3A_367 = vector.broadcast %mul3A_366 : i32 to vector<16xi32>
      %add3A_368 = arith.addi %add3A_367, %iota3A : vector<16xi32>
      %gather3A_369 = tpu.vector_load_idx %arg5[%add3A_368, %broadcast_in_dim3A_280] : memref<128x201xi32, #tpu.memory_space<vmem>>[vector<16xi32>, vector<16xi32>], vector<16xi32>,
      %mul3A_370 = arith.constant 16 : i32
      %mul3A_371 = arith.muli %scan3A_364, %mul3A_370 : i32
      %swap3A_372 = arith.constant 0 : i32
      %swap3A_373 = arith.constant 0 : i32
      %swap3A_374 = arith.index_cast %swap3A_372 : i32 to index
      %swap3A_375 = arith.index_cast %swap3A_373 : i32 to index
      %swap3A_376 = arith.index_cast %mul3A_371 : i32 to index
      %swap3A_377 = tpu.vector_load %arg6[%swap3A_374, %swap3A_375, %swap3A_376] {strides = array<i32>} : memref<2x2x128xi32, #tpu.memory_space<vmem>>, vector<16xi32>,
      tpu.vector_store %arg6[%swap3A_374, %swap3A_375, %swap3A_376], %gather3A_369 {strides = array<i32>} : memref<2x2x128xi32, #tpu.memory_space<vmem>>, vector<16xi32>,
      %scan3A_378 = arith.constant 7 : i32
      %mul3A_379 = arith.constant 16 : i32
      %mul3A_380 = arith.muli %scan3A_378, %mul3A_379 : i32
      %add3A_381 = vector.broadcast %mul3A_380 : i32 to vector<16xi32>
      %add3A_382 = arith.addi %add3A_381, %iota3A : vector<16xi32>
      %gather3A_383 = tpu.vector_load_idx %arg5[%add3A_382, %broadcast_in_dim3A_280] : memref<128x201xi32, #tpu.memory_space<vmem>>[vector<16xi32>, vector<16xi32>], vector<16xi32>,
      %mul3A_384 = arith.constant 16 : i32
      %mul3A_385 = arith.muli %scan3A_378, %mul3A_384 : i32
      %swap3A_386 = arith.constant 0 : i32
      %swap3A_387 = arith.constant 0 : i32
      %swap3A_388 = arith.index_cast %swap3A_386 : i32 to index
      %swap3A_389 = arith.index_cast %swap3A_387 : i32 to index
      %swap3A_390 = arith.index_cast %mul3A_385 : i32 to index
      %swap3A_391 = tpu.vector_load %arg6[%swap3A_388, %swap3A_389, %swap3A_390] {strides = array<i32>} : memref<2x2x128xi32, #tpu.memory_space<vmem>>, vector<16xi32>,
      tpu.vector_store %arg6[%swap3A_388, %swap3A_389, %swap3A_390], %gather3A_383 {strides = array<i32>} : memref<2x2x128xi32, #tpu.memory_space<vmem>>, vector<16xi32>,
      %scan3A_392 = arith.constant 8 : i32
      %broadcast_in_dim3A_393 = arith.constant 1 : i32
      %broadcast_in_dim3A_394 = vector.broadcast %broadcast_in_dim3A_393 : i32 to vector<16xi32>
      %scan3A_395 = arith.constant 0 : i32
      %scan3A_396 = arith.constant 0 : i32
      %mul3A_397 = arith.constant 16 : i32
      %mul3A_398 = arith.muli %scan3A_396, %mul3A_397 : i32
      %add3A_399 = vector.broadcast %mul3A_398 : i32 to vector<16xi32>
      %add3A_400 = arith.addi %add3A_399, %iota3A : vector<16xi32>
      %gather3A_401 = tpu.vector_load_idx %arg5[%add3A_400, %broadcast_in_dim3A_394] : memref<128x201xi32, #tpu.memory_space<vmem>>[vector<16xi32>, vector<16xi32>], vector<16xi32>,
      %mul3A_402 = arith.constant 16 : i32
      %mul3A_403 = arith.muli %scan3A_396, %mul3A_402 : i32
      %swap3A_404 = arith.constant 0 : i32
      %swap3A_405 = arith.constant 1 : i32
      %swap3A_406 = arith.index_cast %swap3A_404 : i32 to index
      %swap3A_407 = arith.index_cast %swap3A_405 : i32 to index
      %swap3A_408 = arith.index_cast %mul3A_403 : i32 to index
      %swap3A_409 = tpu.vector_load %arg6[%swap3A_406, %swap3A_407, %swap3A_408] {strides = array<i32>} : memref<2x2x128xi32, #tpu.memory_space<vmem>>, vector<16xi32>,
      tpu.vector_store %arg6[%swap3A_406, %swap3A_407, %swap3A_408], %gather3A_401 {strides = array<i32>} : memref<2x2x128xi32, #tpu.memory_space<vmem>>, vector<16xi32>,
      %scan3A_410 = arith.constant 1 : i32
      %mul3A_411 = arith.constant 16 : i32
      %mul3A_412 = arith.muli %scan3A_410, %mul3A_411 : i32
      %add3A_413 = vector.broadcast %mul3A_412 : i32 to vector<16xi32>
      %add3A_414 = arith.addi %add3A_413, %iota3A : vector<16xi32>
      %gather3A_415 = tpu.vector_load_idx %arg5[%add3A_414, %broadcast_in_dim3A_394] : memref<128x201xi32, #tpu.memory_space<vmem>>[vector<16xi32>, vector<16xi32>], vector<16xi32>,
      %mul3A_416 = arith.constant 16 : i32
      %mul3A_417 = arith.muli %scan3A_410, %mul3A_416 : i32
      %swap3A_418 = arith.constant 0 : i32
      %swap3A_419 = arith.constant 1 : i32
      %swap3A_420 = arith.index_cast %swap3A_418 : i32 to index
      %swap3A_421 = arith.index_cast %swap3A_419 : i32 to index
      %swap3A_422 = arith.index_cast %mul3A_417 : i32 to index
      %swap3A_423 = tpu.vector_load %arg6[%swap3A_420, %swap3A_421, %swap3A_422] {strides = array<i32>} : memref<2x2x128xi32, #tpu.memory_space<vmem>>, vector<16xi32>,
      tpu.vector_store %arg6[%swap3A_420, %swap3A_421, %swap3A_422], %gather3A_415 {strides = array<i32>} : memref<2x2x128xi32, #tpu.memory_space<vmem>>, vector<16xi32>,
      %scan3A_424 = arith.constant 2 : i32
      %mul3A_425 = arith.constant 16 : i32
      %mul3A_426 = arith.muli %scan3A_424, %mul3A_425 : i32
      %add3A_427 = vector.broadcast %mul3A_426 : i32 to vector<16xi32>
      %add3A_428 = arith.addi %add3A_427, %iota3A : vector<16xi32>
      %gather3A_429 = tpu.vector_load_idx %arg5[%add3A_428, %broadcast_in_dim3A_394] : memref<128x201xi32, #tpu.memory_space<vmem>>[vector<16xi32>, vector<16xi32>], vector<16xi32>,
      %mul3A_430 = arith.constant 16 : i32
      %mul3A_431 = arith.muli %scan3A_424, %mul3A_430 : i32
      %swap3A_432 = arith.constant 0 : i32
      %swap3A_433 = arith.constant 1 : i32
      %swap3A_434 = arith.index_cast %swap3A_432 : i32 to index
      %swap3A_435 = arith.index_cast %swap3A_433 : i32 to index
      %swap3A_436 = arith.index_cast %mul3A_431 : i32 to index
      %swap3A_437 = tpu.vector_load %arg6[%swap3A_434, %swap3A_435, %swap3A_436] {strides = array<i32>} : memref<2x2x128xi32, #tpu.memory_space<vmem>>, vector<16xi32>,
      tpu.vector_store %arg6[%swap3A_434, %swap3A_435, %swap3A_436], %gather3A_429 {strides = array<i32>} : memref<2x2x128xi32, #tpu.memory_space<vmem>>, vector<16xi32>,
      %scan3A_438 = arith.constant 3 : i32
      %mul3A_439 = arith.constant 16 : i32
      %mul3A_440 = arith.muli %scan3A_438, %mul3A_439 : i32
      %add3A_441 = vector.broadcast %mul3A_440 : i32 to vector<16xi32>
      %add3A_442 = arith.addi %add3A_441, %iota3A : vector<16xi32>
      %gather3A_443 = tpu.vector_load_idx %arg5[%add3A_442, %broadcast_in_dim3A_394] : memref<128x201xi32, #tpu.memory_space<vmem>>[vector<16xi32>, vector<16xi32>], vector<16xi32>,
      %mul3A_444 = arith.constant 16 : i32
      %mul3A_445 = arith.muli %scan3A_438, %mul3A_444 : i32
      %swap3A_446 = arith.constant 0 : i32
      %swap3A_447 = arith.constant 1 : i32
      %swap3A_448 = arith.index_cast %swap3A_446 : i32 to index
      %swap3A_449 = arith.index_cast %swap3A_447 : i32 to index
      %swap3A_450 = arith.index_cast %mul3A_445 : i32 to index
      %swap3A_451 = tpu.vector_load %arg6[%swap3A_448, %swap3A_449, %swap3A_450] {strides = array<i32>} : memref<2x2x128xi32, #tpu.memory_space<vmem>>, vector<16xi32>,
      tpu.vector_store %arg6[%swap3A_448, %swap3A_449, %swap3A_450], %gather3A_443 {strides = array<i32>} : memref<2x2x128xi32, #tpu.memory_space<vmem>>, vector<16xi32>,
      %scan3A_452 = arith.constant 4 : i32
      %mul3A_453 = arith.constant 16 : i32
      %mul3A_454 = arith.muli %scan3A_452, %mul3A_453 : i32
      %add3A_455 = vector.broadcast %mul3A_454 : i32 to vector<16xi32>
      %add3A_456 = arith.addi %add3A_455, %iota3A : vector<16xi32>
      %gather3A_457 = tpu.vector_load_idx %arg5[%add3A_456, %broadcast_in_dim3A_394] : memref<128x201xi32, #tpu.memory_space<vmem>>[vector<16xi32>, vector<16xi32>], vector<16xi32>,
      %mul3A_458 = arith.constant 16 : i32
      %mul3A_459 = arith.muli %scan3A_452, %mul3A_458 : i32
      %swap3A_460 = arith.constant 0 : i32
      %swap3A_461 = arith.constant 1 : i32
      %swap3A_462 = arith.index_cast %swap3A_460 : i32 to index
      %swap3A_463 = arith.index_cast %swap3A_461 : i32 to index
      %swap3A_464 = arith.index_cast %mul3A_459 : i32 to index
      %swap3A_465 = tpu.vector_load %arg6[%swap3A_462, %swap3A_463, %swap3A_464] {strides = array<i32>} : memref<2x2x128xi32, #tpu.memory_space<vmem>>, vector<16xi32>,
      tpu.vector_store %arg6[%swap3A_462, %swap3A_463, %swap3A_464], %gather3A_457 {strides = array<i32>} : memref<2x2x128xi32, #tpu.memory_space<vmem>>, vector<16xi32>,
      %scan3A_466 = arith.constant 5 : i32
      %mul3A_467 = arith.constant 16 : i32
      %mul3A_468 = arith.muli %scan3A_466, %mul3A_467 : i32
      %add3A_469 = vector.broadcast %mul3A_468 : i32 to vector<16xi32>
      %add3A_470 = arith.addi %add3A_469, %iota3A : vector<16xi32>
      %gather3A_471 = tpu.vector_load_idx %arg5[%add3A_470, %broadcast_in_dim3A_394] : memref<128x201xi32, #tpu.memory_space<vmem>>[vector<16xi32>, vector<16xi32>], vector<16xi32>,
      %mul3A_472 = arith.constant 16 : i32
      %mul3A_473 = arith.muli %scan3A_466, %mul3A_472 : i32
      %swap3A_474 = arith.constant 0 : i32
      %swap3A_475 = arith.constant 1 : i32
      %swap3A_476 = arith.index_cast %swap3A_474 : i32 to index
      %swap3A_477 = arith.index_cast %swap3A_475 : i32 to index
      %swap3A_478 = arith.index_cast %mul3A_473 : i32 to index
      %swap3A_479 = tpu.vector_load %arg6[%swap3A_476, %swap3A_477, %swap3A_478] {strides = array<i32>} : memref<2x2x128xi32, #tpu.memory_space<vmem>>, vector<16xi32>,
      tpu.vector_store %arg6[%swap3A_476, %swap3A_477, %swap3A_478], %gather3A_471 {strides = array<i32>} : memref<2x2x128xi32, #tpu.memory_space<vmem>>, vector<16xi32>,
      %scan3A_480 = arith.constant 6 : i32
      %mul3A_481 = arith.constant 16 : i32
      %mul3A_482 = arith.muli %scan3A_480, %mul3A_481 : i32
      %add3A_483 = vector.broadcast %mul3A_482 : i32 to vector<16xi32>
      %add3A_484 = arith.addi %add3A_483, %iota3A : vector<16xi32>
      %gather3A_485 = tpu.vector_load_idx %arg5[%add3A_484, %broadcast_in_dim3A_394] : memref<128x201xi32, #tpu.memory_space<vmem>>[vector<16xi32>, vector<16xi32>], vector<16xi32>,
      %mul3A_486 = arith.constant 16 : i32
      %mul3A_487 = arith.muli %scan3A_480, %mul3A_486 : i32
      %swap3A_488 = arith.constant 0 : i32
      %swap3A_489 = arith.constant 1 : i32
      %swap3A_490 = arith.index_cast %swap3A_488 : i32 to index
      %swap3A_491 = arith.index_cast %swap3A_489 : i32 to index
      %swap3A_492 = arith.index_cast %mul3A_487 : i32 to index
      %swap3A_493 = tpu.vector_load %arg6[%swap3A_490, %swap3A_491, %swap3A_492] {strides = array<i32>} : memref<2x2x128xi32, #tpu.memory_space<vmem>>, vector<16xi32>,
      tpu.vector_store %arg6[%swap3A_490, %swap3A_491, %swap3A_492], %gather3A_485 {strides = array<i32>} : memref<2x2x128xi32, #tpu.memory_space<vmem>>, vector<16xi32>,
      %scan3A_494 = arith.constant 7 : i32
      %mul3A_495 = arith.constant 16 : i32
      %mul3A_496 = arith.muli %scan3A_494, %mul3A_495 : i32
      %add3A_497 = vector.broadcast %mul3A_496 : i32 to vector<16xi32>
      %add3A_498 = arith.addi %add3A_497, %iota3A : vector<16xi32>
      %gather3A_499 = tpu.vector_load_idx %arg5[%add3A_498, %broadcast_in_dim3A_394] : memref<128x201xi32, #tpu.memory_space<vmem>>[vector<16xi32>, vector<16xi32>], vector<16xi32>,
      %mul3A_500 = arith.constant 16 : i32
      %mul3A_501 = arith.muli %scan3A_494, %mul3A_500 : i32
      %swap3A_502 = arith.constant 0 : i32
      %swap3A_503 = arith.constant 1 : i32
      %swap3A_504 = arith.index_cast %swap3A_502 : i32 to index
      %swap3A_505 = arith.index_cast %swap3A_503 : i32 to index
      %swap3A_506 = arith.index_cast %mul3A_501 : i32 to index
      %swap3A_507 = tpu.vector_load %arg6[%swap3A_504, %swap3A_505, %swap3A_506] {strides = array<i32>} : memref<2x2x128xi32, #tpu.memory_space<vmem>>, vector<16xi32>,
      tpu.vector_store %arg6[%swap3A_504, %swap3A_505, %swap3A_506], %gather3A_499 {strides = array<i32>} : memref<2x2x128xi32, #tpu.memory_space<vmem>>, vector<16xi32>,
      %scan3A_508 = arith.constant 8 : i32
      %dma_start3A = arith.constant 0 : i32
      %dma_start3A_509 = arith.constant 0 : i32
      %dma_start3A_510 = arith.constant 0 : i32
      %dma_start3A_511 = arith.constant 0 : i32
      %dma_start3A_512 = arith.constant 0 : i32
      %dma_start3A_513 = arith.constant 0 : i32
      %dma_start3A_514 = tpu.memref_slice %arg7[%dma_start3A_510, %dma_start3A_511, %dma_start3A_512, %dma_start3A_513] : memref<2x2x128x64xf32, #tpu.memory_space<vmem>> -> memref<1x1x128x64xf32, #tpu.memory_space<vmem>>
      %dma_start3A_515 = tpu.memref_squeeze %dma_start3A_514 : memref<1x1x128x64xf32, #tpu.memory_space<vmem>> -> memref<128x64xf32, #tpu.memory_space<vmem>>
      %dma_start3A_516 = arith.constant 0 : i32
      %dma_start3A_517 = tpu.memref_slice %arg6[%dma_start3A, %dma_start3A_509, %dma_start3A_516] : memref<2x2x128xi32, #tpu.memory_space<vmem>> -> memref<1x1x128xi32, #tpu.memory_space<vmem>>
      %dma_start3A_518 = tpu.memref_squeeze %dma_start3A_517 : memref<1x1x128xi32, #tpu.memory_space<vmem>> -> memref<128xi32, #tpu.memory_space<vmem>>
      %dma_start3A_519 = arith.constant 0 : i32
      %dma_start3A_520 = arith.constant 0 : i32
      %dma_start3A_521 = tpu.memref_slice %arg2[%dma_start3A_519, %dma_start3A_520] : memref<1000000x64xf32, #tpu.memory_space<hbm>> -> memref<1000000x64xf32, #tpu.memory_space<hbm>>
      tpu.enqueue_indirect_dma source(%dma_start3A_521 : memref<1000000x64xf32, #tpu.memory_space<hbm>>) target(%dma_start3A_515 : memref<128x64xf32, #tpu.memory_space<vmem>>) offsets(%dma_start3A_518 : memref<128xi32, #tpu.memory_space<vmem>>) semaphore(%arg9 : memref<!tpu.dma_semaphore, #tpu.memory_space<semaphore_mem>>)
      %dma_start3A_522 = arith.constant 0 : i32
      %dma_start3A_523 = arith.constant 1 : i32
      %dma_start3A_524 = arith.constant 0 : i32
      %dma_start3A_525 = arith.constant 1 : i32
      %dma_start3A_526 = arith.constant 0 : i32
      %dma_start3A_527 = arith.constant 0 : i32
      %dma_start3A_528 = tpu.memref_slice %arg7[%dma_start3A_524, %dma_start3A_525, %dma_start3A_526, %dma_start3A_527] : memref<2x2x128x64xf32, #tpu.memory_space<vmem>> -> memref<1x1x128x64xf32, #tpu.memory_space<vmem>>
      %dma_start3A_529 = tpu.memref_squeeze %dma_start3A_528 : memref<1x1x128x64xf32, #tpu.memory_space<vmem>> -> memref<128x64xf32, #tpu.memory_space<vmem>>
      %dma_start3A_530 = arith.constant 0 : i32
      %dma_start3A_531 = tpu.memref_slice %arg6[%dma_start3A_522, %dma_start3A_523, %dma_start3A_530] : memref<2x2x128xi32, #tpu.memory_space<vmem>> -> memref<1x1x128xi32, #tpu.memory_space<vmem>>
      %dma_start3A_532 = tpu.memref_squeeze %dma_start3A_531 : memref<1x1x128xi32, #tpu.memory_space<vmem>> -> memref<128xi32, #tpu.memory_space<vmem>>
      %dma_start3A_533 = arith.constant 0 : i32
      %dma_start3A_534 = arith.constant 0 : i32
      %dma_start3A_535 = tpu.memref_slice %arg2[%dma_start3A_533, %dma_start3A_534] : memref<1000000x64xf32, #tpu.memory_space<hbm>> -> memref<1000000x64xf32, #tpu.memory_space<hbm>>
      tpu.enqueue_indirect_dma source(%dma_start3A_535 : memref<1000000x64xf32, #tpu.memory_space<hbm>>) target(%dma_start3A_529 : memref<128x64xf32, #tpu.memory_space<vmem>>) offsets(%dma_start3A_532 : memref<128xi32, #tpu.memory_space<vmem>>) semaphore(%arg9 : memref<!tpu.dma_semaphore, #tpu.memory_space<semaphore_mem>>)
      %scan3A_536 = arith.constant 0 : i32
      %scan3A_537 = arith.constant 0 : i32
      %scan3A_538 = arith.constant 50 : i32
      %scan3A_539 = arith.addi %scan3A_537, %scan3A_538 : i32
      %scan3A_540 = arith.constant 1 : i32
      scf.for %scan3A_593 = %scan3A_537 to %scan3A_539 step %scan3A_540  : i32 {
        %mul3A_594 = arith.constant 2 : i32
        %mul3A_595 = arith.muli %scan3A_593, %mul3A_594 : i32
        %add3A_596 = arith.constant 0 : i32
        %add3A_597 = arith.addi %mul3A_595, %add3A_596 : i32
        %dma_wait3A_598 = arith.constant 0 : i32
        %dma_wait3A_599 = arith.constant 0 : i32
        %dma_wait3A_600 = arith.constant 0 : i32
        %dma_wait3A_601 = arith.constant 0 : i32
        %dma_wait3A_602 = arith.constant 0 : i32
        %dma_wait3A_603 = arith.constant 0 : i32
        %dma_wait3A_604 = tpu.memref_slice %arg7[%dma_wait3A_600, %dma_wait3A_601, %dma_wait3A_602, %dma_wait3A_603] : memref<2x2x128x64xf32, #tpu.memory_space<vmem>> -> memref<1x1x128x64xf32, #tpu.memory_space<vmem>>
        %dma_wait3A_605 = tpu.memref_squeeze %dma_wait3A_604 : memref<1x1x128x64xf32, #tpu.memory_space<vmem>> -> memref<128x64xf32, #tpu.memory_space<vmem>>
        %dma_wait3A_606 = arith.constant 0 : i32
        %dma_wait3A_607 = tpu.memref_slice %arg6[%dma_wait3A_598, %dma_wait3A_599, %dma_wait3A_606] : memref<2x2x128xi32, #tpu.memory_space<vmem>> -> memref<1x1x128xi32, #tpu.memory_space<vmem>>
        %dma_wait3A_608 = tpu.memref_squeeze %dma_wait3A_607 : memref<1x1x128xi32, #tpu.memory_space<vmem>> -> memref<128xi32, #tpu.memory_space<vmem>>
        %dma_wait3A_609 = arith.constant 0 : i32
        %dma_wait3A_610 = arith.constant 0 : i32
        %dma_wait3A_611 = tpu.memref_slice %arg2[%dma_wait3A_609, %dma_wait3A_610] : memref<1000000x64xf32, #tpu.memory_space<hbm>> -> memref<1000000x64xf32, #tpu.memory_space<hbm>>
        tpu.wait_indirect_dma semaphore(%arg9 : memref<!tpu.dma_semaphore, #tpu.memory_space<semaphore_mem>>) src(%dma_wait3A_611 : memref<1000000x64xf32, #tpu.memory_space<hbm>>) dst(%dma_wait3A_605 : memref<128x64xf32, #tpu.memory_space<vmem>>)
        %dma_wait3A_612 = arith.constant 0 : i32
        %dma_wait3A_613 = arith.constant 1 : i32
        %dma_wait3A_614 = arith.constant 0 : i32
        %dma_wait3A_615 = arith.constant 1 : i32
        %dma_wait3A_616 = arith.constant 0 : i32
        %dma_wait3A_617 = arith.constant 0 : i32
        %dma_wait3A_618 = tpu.memref_slice %arg7[%dma_wait3A_614, %dma_wait3A_615, %dma_wait3A_616, %dma_wait3A_617] : memref<2x2x128x64xf32, #tpu.memory_space<vmem>> -> memref<1x1x128x64xf32, #tpu.memory_space<vmem>>
        %dma_wait3A_619 = tpu.memref_squeeze %dma_wait3A_618 : memref<1x1x128x64xf32, #tpu.memory_space<vmem>> -> memref<128x64xf32, #tpu.memory_space<vmem>>
        %dma_wait3A_620 = arith.constant 0 : i32
        %dma_wait3A_621 = tpu.memref_slice %arg6[%dma_wait3A_612, %dma_wait3A_613, %dma_wait3A_620] : memref<2x2x128xi32, #tpu.memory_space<vmem>> -> memref<1x1x128xi32, #tpu.memory_space<vmem>>
        %dma_wait3A_622 = tpu.memref_squeeze %dma_wait3A_621 : memref<1x1x128xi32, #tpu.memory_space<vmem>> -> memref<128xi32, #tpu.memory_space<vmem>>
        %dma_wait3A_623 = arith.constant 0 : i32
        %dma_wait3A_624 = arith.constant 0 : i32
        %dma_wait3A_625 = tpu.memref_slice %arg2[%dma_wait3A_623, %dma_wait3A_624] : memref<1000000x64xf32, #tpu.memory_space<hbm>> -> memref<1000000x64xf32, #tpu.memory_space<hbm>>
        tpu.wait_indirect_dma semaphore(%arg9 : memref<!tpu.dma_semaphore, #tpu.memory_space<semaphore_mem>>) src(%dma_wait3A_625 : memref<1000000x64xf32, #tpu.memory_space<hbm>>) dst(%dma_wait3A_619 : memref<128x64xf32, #tpu.memory_space<vmem>>)
        %add3A_626 = arith.constant 1 : i32
        %add3A_627 = arith.addi %add3A_597, %add3A_626 : i32
        %lt3A = arith.constant 100 : i32
        %lt3A_628 = arith.cmpi slt, %add3A_627, %lt3A : i32
        %convert_element_type3A = arith.extui %lt3A_628 : i1 to i32
        %cond3A = arith.constant 0 : i32
        %cond3A_629 = arith.cmpi ne, %convert_element_type3A, %cond3A : i32
        scf.if %cond3A_629 {
          %add3A_755 = arith.constant 1 : i32
          %add3A_756 = arith.addi %add3A_597, %add3A_755 : i32
          %mul3A_757 = arith.constant 2 : i32
          %mul3A_758 = arith.muli %add3A_756, %mul3A_757 : i32
          %add3A_759 = arith.constant 0 : i32
          %add3A_760 = arith.addi %mul3A_758, %add3A_759 : i32
          %broadcast_in_dim3A_761 = vector.broadcast %add3A_760 : i32 to vector<16xi32>
          %scan3A_762 = arith.constant 0 : i32
          %scan3A_763 = arith.constant 0 : i32
          %mul3A_764 = arith.constant 16 : i32
          %mul3A_765 = arith.muli %scan3A_763, %mul3A_764 : i32
          %add3A_766 = vector.broadcast %mul3A_765 : i32 to vector<16xi32>
          %add3A_767 = arith.addi %add3A_766, %iota3A : vector<16xi32>
          %gather3A_768 = tpu.vector_load_idx %arg5[%add3A_767, %broadcast_in_dim3A_761] : memref<128x201xi32, #tpu.memory_space<vmem>>[vector<16xi32>, vector<16xi32>], vector<16xi32>,
          %mul3A_769 = arith.constant 16 : i32
          %mul3A_770 = arith.muli %scan3A_763, %mul3A_769 : i32
          %swap3A_771 = arith.constant 1 : i32
          %swap3A_772 = arith.constant 0 : i32
          %swap3A_773 = arith.index_cast %swap3A_771 : i32 to index
          %swap3A_774 = arith.index_cast %swap3A_772 : i32 to index
          %swap3A_775 = arith.index_cast %mul3A_770 : i32 to index
          %swap3A_776 = tpu.vector_load %arg6[%swap3A_773, %swap3A_774, %swap3A_775] {strides = array<i32>} : memref<2x2x128xi32, #tpu.memory_space<vmem>>, vector<16xi32>,
          tpu.vector_store %arg6[%swap3A_773, %swap3A_774, %swap3A_775], %gather3A_768 {strides = array<i32>} : memref<2x2x128xi32, #tpu.memory_space<vmem>>, vector<16xi32>,
          %scan3A_777 = arith.constant 1 : i32
          %mul3A_778 = arith.constant 16 : i32
          %mul3A_779 = arith.muli %scan3A_777, %mul3A_778 : i32
          %add3A_780 = vector.broadcast %mul3A_779 : i32 to vector<16xi32>
          %add3A_781 = arith.addi %add3A_780, %iota3A : vector<16xi32>
          %gather3A_782 = tpu.vector_load_idx %arg5[%add3A_781, %broadcast_in_dim3A_761] : memref<128x201xi32, #tpu.memory_space<vmem>>[vector<16xi32>, vector<16xi32>], vector<16xi32>,
          %mul3A_783 = arith.constant 16 : i32
          %mul3A_784 = arith.muli %scan3A_777, %mul3A_783 : i32
          %swap3A_785 = arith.constant 1 : i32
          %swap3A_786 = arith.constant 0 : i32
          %swap3A_787 = arith.index_cast %swap3A_785 : i32 to index
          %swap3A_788 = arith.index_cast %swap3A_786 : i32 to index
          %swap3A_789 = arith.index_cast %mul3A_784 : i32 to index
          %swap3A_790 = tpu.vector_load %arg6[%swap3A_787, %swap3A_788, %swap3A_789] {strides = array<i32>} : memref<2x2x128xi32, #tpu.memory_space<vmem>>, vector<16xi32>,
          tpu.vector_store %arg6[%swap3A_787, %swap3A_788, %swap3A_789], %gather3A_782 {strides = array<i32>} : memref<2x2x128xi32, #tpu.memory_space<vmem>>, vector<16xi32>,
          %scan3A_791 = arith.constant 2 : i32
          %mul3A_792 = arith.constant 16 : i32
          %mul3A_793 = arith.muli %scan3A_791, %mul3A_792 : i32
          %add3A_794 = vector.broadcast %mul3A_793 : i32 to vector<16xi32>
          %add3A_795 = arith.addi %add3A_794, %iota3A : vector<16xi32>
          %gather3A_796 = tpu.vector_load_idx %arg5[%add3A_795, %broadcast_in_dim3A_761] : memref<128x201xi32, #tpu.memory_space<vmem>>[vector<16xi32>, vector<16xi32>], vector<16xi32>,
          %mul3A_797 = arith.constant 16 : i32
          %mul3A_798 = arith.muli %scan3A_791, %mul3A_797 : i32
          %swap3A_799 = arith.constant 1 : i32
          %swap3A_800 = arith.constant 0 : i32
          %swap3A_801 = arith.index_cast %swap3A_799 : i32 to index
          %swap3A_802 = arith.index_cast %swap3A_800 : i32 to index
          %swap3A_803 = arith.index_cast %mul3A_798 : i32 to index
          %swap3A_804 = tpu.vector_load %arg6[%swap3A_801, %swap3A_802, %swap3A_803] {strides = array<i32>} : memref<2x2x128xi32, #tpu.memory_space<vmem>>, vector<16xi32>,
          tpu.vector_store %arg6[%swap3A_801, %swap3A_802, %swap3A_803], %gather3A_796 {strides = array<i32>} : memref<2x2x128xi32, #tpu.memory_space<vmem>>, vector<16xi32>,
          %scan3A_805 = arith.constant 3 : i32
          %mul3A_806 = arith.constant 16 : i32
          %mul3A_807 = arith.muli %scan3A_805, %mul3A_806 : i32
          %add3A_808 = vector.broadcast %mul3A_807 : i32 to vector<16xi32>
          %add3A_809 = arith.addi %add3A_808, %iota3A : vector<16xi32>
          %gather3A_810 = tpu.vector_load_idx %arg5[%add3A_809, %broadcast_in_dim3A_761] : memref<128x201xi32, #tpu.memory_space<vmem>>[vector<16xi32>, vector<16xi32>], vector<16xi32>,
          %mul3A_811 = arith.constant 16 : i32
          %mul3A_812 = arith.muli %scan3A_805, %mul3A_811 : i32
          %swap3A_813 = arith.constant 1 : i32
          %swap3A_814 = arith.constant 0 : i32
          %swap3A_815 = arith.index_cast %swap3A_813 : i32 to index
          %swap3A_816 = arith.index_cast %swap3A_814 : i32 to index
          %swap3A_817 = arith.index_cast %mul3A_812 : i32 to index
          %swap3A_818 = tpu.vector_load %arg6[%swap3A_815, %swap3A_816, %swap3A_817] {strides = array<i32>} : memref<2x2x128xi32, #tpu.memory_space<vmem>>, vector<16xi32>,
          tpu.vector_store %arg6[%swap3A_815, %swap3A_816, %swap3A_817], %gather3A_810 {strides = array<i32>} : memref<2x2x128xi32, #tpu.memory_space<vmem>>, vector<16xi32>,
          %scan3A_819 = arith.constant 4 : i32
          %mul3A_820 = arith.constant 16 : i32
          %mul3A_821 = arith.muli %scan3A_819, %mul3A_820 : i32
          %add3A_822 = vector.broadcast %mul3A_821 : i32 to vector<16xi32>
          %add3A_823 = arith.addi %add3A_822, %iota3A : vector<16xi32>
          %gather3A_824 = tpu.vector_load_idx %arg5[%add3A_823, %broadcast_in_dim3A_761] : memref<128x201xi32, #tpu.memory_space<vmem>>[vector<16xi32>, vector<16xi32>], vector<16xi32>,
          %mul3A_825 = arith.constant 16 : i32
          %mul3A_826 = arith.muli %scan3A_819, %mul3A_825 : i32
          %swap3A_827 = arith.constant 1 : i32
          %swap3A_828 = arith.constant 0 : i32
          %swap3A_829 = arith.index_cast %swap3A_827 : i32 to index
          %swap3A_830 = arith.index_cast %swap3A_828 : i32 to index
          %swap3A_831 = arith.index_cast %mul3A_826 : i32 to index
          %swap3A_832 = tpu.vector_load %arg6[%swap3A_829, %swap3A_830, %swap3A_831] {strides = array<i32>} : memref<2x2x128xi32, #tpu.memory_space<vmem>>, vector<16xi32>,
          tpu.vector_store %arg6[%swap3A_829, %swap3A_830, %swap3A_831], %gather3A_824 {strides = array<i32>} : memref<2x2x128xi32, #tpu.memory_space<vmem>>, vector<16xi32>,
          %scan3A_833 = arith.constant 5 : i32
          %mul3A_834 = arith.constant 16 : i32
          %mul3A_835 = arith.muli %scan3A_833, %mul3A_834 : i32
          %add3A_836 = vector.broadcast %mul3A_835 : i32 to vector<16xi32>
          %add3A_837 = arith.addi %add3A_836, %iota3A : vector<16xi32>
          %gather3A_838 = tpu.vector_load_idx %arg5[%add3A_837, %broadcast_in_dim3A_761] : memref<128x201xi32, #tpu.memory_space<vmem>>[vector<16xi32>, vector<16xi32>], vector<16xi32>,
          %mul3A_839 = arith.constant 16 : i32
          %mul3A_840 = arith.muli %scan3A_833, %mul3A_839 : i32
          %swap3A_841 = arith.constant 1 : i32
          %swap3A_842 = arith.constant 0 : i32
          %swap3A_843 = arith.index_cast %swap3A_841 : i32 to index
          %swap3A_844 = arith.index_cast %swap3A_842 : i32 to index
          %swap3A_845 = arith.index_cast %mul3A_840 : i32 to index
          %swap3A_846 = tpu.vector_load %arg6[%swap3A_843, %swap3A_844, %swap3A_845] {strides = array<i32>} : memref<2x2x128xi32, #tpu.memory_space<vmem>>, vector<16xi32>,
          tpu.vector_store %arg6[%swap3A_843, %swap3A_844, %swap3A_845], %gather3A_838 {strides = array<i32>} : memref<2x2x128xi32, #tpu.memory_space<vmem>>, vector<16xi32>,
          %scan3A_847 = arith.constant 6 : i32
          %mul3A_848 = arith.constant 16 : i32
          %mul3A_849 = arith.muli %scan3A_847, %mul3A_848 : i32
          %add3A_850 = vector.broadcast %mul3A_849 : i32 to vector<16xi32>
          %add3A_851 = arith.addi %add3A_850, %iota3A : vector<16xi32>
          %gather3A_852 = tpu.vector_load_idx %arg5[%add3A_851, %broadcast_in_dim3A_761] : memref<128x201xi32, #tpu.memory_space<vmem>>[vector<16xi32>, vector<16xi32>], vector<16xi32>,
          %mul3A_853 = arith.constant 16 : i32
          %mul3A_854 = arith.muli %scan3A_847, %mul3A_853 : i32
          %swap3A_855 = arith.constant 1 : i32
          %swap3A_856 = arith.constant 0 : i32
          %swap3A_857 = arith.index_cast %swap3A_855 : i32 to index
          %swap3A_858 = arith.index_cast %swap3A_856 : i32 to index
          %swap3A_859 = arith.index_cast %mul3A_854 : i32 to index
          %swap3A_860 = tpu.vector_load %arg6[%swap3A_857, %swap3A_858, %swap3A_859] {strides = array<i32>} : memref<2x2x128xi32, #tpu.memory_space<vmem>>, vector<16xi32>,
          tpu.vector_store %arg6[%swap3A_857, %swap3A_858, %swap3A_859], %gather3A_852 {strides = array<i32>} : memref<2x2x128xi32, #tpu.memory_space<vmem>>, vector<16xi32>,
          %scan3A_861 = arith.constant 7 : i32
          %mul3A_862 = arith.constant 16 : i32
          %mul3A_863 = arith.muli %scan3A_861, %mul3A_862 : i32
          %add3A_864 = vector.broadcast %mul3A_863 : i32 to vector<16xi32>
          %add3A_865 = arith.addi %add3A_864, %iota3A : vector<16xi32>
          %gather3A_866 = tpu.vector_load_idx %arg5[%add3A_865, %broadcast_in_dim3A_761] : memref<128x201xi32, #tpu.memory_space<vmem>>[vector<16xi32>, vector<16xi32>], vector<16xi32>,
          %mul3A_867 = arith.constant 16 : i32
          %mul3A_868 = arith.muli %scan3A_861, %mul3A_867 : i32
          %swap3A_869 = arith.constant 1 : i32
          %swap3A_870 = arith.constant 0 : i32
          %swap3A_871 = arith.index_cast %swap3A_869 : i32 to index
          %swap3A_872 = arith.index_cast %swap3A_870 : i32 to index
          %swap3A_873 = arith.index_cast %mul3A_868 : i32 to index
          %swap3A_874 = tpu.vector_load %arg6[%swap3A_871, %swap3A_872, %swap3A_873] {strides = array<i32>} : memref<2x2x128xi32, #tpu.memory_space<vmem>>, vector<16xi32>,
          tpu.vector_store %arg6[%swap3A_871, %swap3A_872, %swap3A_873], %gather3A_866 {strides = array<i32>} : memref<2x2x128xi32, #tpu.memory_space<vmem>>, vector<16xi32>,
          %scan3A_875 = arith.constant 8 : i32
          %mul3A_876 = arith.constant 2 : i32
          %mul3A_877 = arith.muli %add3A_756, %mul3A_876 : i32
          %add3A_878 = arith.constant 1 : i32
          %add3A_879 = arith.addi %mul3A_877, %add3A_878 : i32
          %broadcast_in_dim3A_880 = vector.broadcast %add3A_879 : i32 to vector<16xi32>
          %scan3A_881 = arith.constant 0 : i32
          %scan3A_882 = arith.constant 0 : i32
          %mul3A_883 = arith.constant 16 : i32
          %mul3A_884 = arith.muli %scan3A_882, %mul3A_883 : i32
          %add3A_885 = vector.broadcast %mul3A_884 : i32 to vector<16xi32>
          %add3A_886 = arith.addi %add3A_885, %iota3A : vector<16xi32>
          %gather3A_887 = tpu.vector_load_idx %arg5[%add3A_886, %broadcast_in_dim3A_880] : memref<128x201xi32, #tpu.memory_space<vmem>>[vector<16xi32>, vector<16xi32>], vector<16xi32>,
          %mul3A_888 = arith.constant 16 : i32
          %mul3A_889 = arith.muli %scan3A_882, %mul3A_888 : i32
          %swap3A_890 = arith.constant 1 : i32
          %swap3A_891 = arith.constant 1 : i32
          %swap3A_892 = arith.index_cast %swap3A_890 : i32 to index
          %swap3A_893 = arith.index_cast %swap3A_891 : i32 to index
          %swap3A_894 = arith.index_cast %mul3A_889 : i32 to index
          %swap3A_895 = tpu.vector_load %arg6[%swap3A_892, %swap3A_893, %swap3A_894] {strides = array<i32>} : memref<2x2x128xi32, #tpu.memory_space<vmem>>, vector<16xi32>,
          tpu.vector_store %arg6[%swap3A_892, %swap3A_893, %swap3A_894], %gather3A_887 {strides = array<i32>} : memref<2x2x128xi32, #tpu.memory_space<vmem>>, vector<16xi32>,
          %scan3A_896 = arith.constant 1 : i32
          %mul3A_897 = arith.constant 16 : i32
          %mul3A_898 = arith.muli %scan3A_896, %mul3A_897 : i32
          %add3A_899 = vector.broadcast %mul3A_898 : i32 to vector<16xi32>
          %add3A_900 = arith.addi %add3A_899, %iota3A : vector<16xi32>
          %gather3A_901 = tpu.vector_load_idx %arg5[%add3A_900, %broadcast_in_dim3A_880] : memref<128x201xi32, #tpu.memory_space<vmem>>[vector<16xi32>, vector<16xi32>], vector<16xi32>,
          %mul3A_902 = arith.constant 16 : i32
          %mul3A_903 = arith.muli %scan3A_896, %mul3A_902 : i32
          %swap3A_904 = arith.constant 1 : i32
          %swap3A_905 = arith.constant 1 : i32
          %swap3A_906 = arith.index_cast %swap3A_904 : i32 to index
          %swap3A_907 = arith.index_cast %swap3A_905 : i32 to index
          %swap3A_908 = arith.index_cast %mul3A_903 : i32 to index
          %swap3A_909 = tpu.vector_load %arg6[%swap3A_906, %swap3A_907, %swap3A_908] {strides = array<i32>} : memref<2x2x128xi32, #tpu.memory_space<vmem>>, vector<16xi32>,
          tpu.vector_store %arg6[%swap3A_906, %swap3A_907, %swap3A_908], %gather3A_901 {strides = array<i32>} : memref<2x2x128xi32, #tpu.memory_space<vmem>>, vector<16xi32>,
          %scan3A_910 = arith.constant 2 : i32
          %mul3A_911 = arith.constant 16 : i32
          %mul3A_912 = arith.muli %scan3A_910, %mul3A_911 : i32
          %add3A_913 = vector.broadcast %mul3A_912 : i32 to vector<16xi32>
          %add3A_914 = arith.addi %add3A_913, %iota3A : vector<16xi32>
          %gather3A_915 = tpu.vector_load_idx %arg5[%add3A_914, %broadcast_in_dim3A_880] : memref<128x201xi32, #tpu.memory_space<vmem>>[vector<16xi32>, vector<16xi32>], vector<16xi32>,
          %mul3A_916 = arith.constant 16 : i32
          %mul3A_917 = arith.muli %scan3A_910, %mul3A_916 : i32
          %swap3A_918 = arith.constant 1 : i32
          %swap3A_919 = arith.constant 1 : i32
          %swap3A_920 = arith.index_cast %swap3A_918 : i32 to index
          %swap3A_921 = arith.index_cast %swap3A_919 : i32 to index
          %swap3A_922 = arith.index_cast %mul3A_917 : i32 to index
          %swap3A_923 = tpu.vector_load %arg6[%swap3A_920, %swap3A_921, %swap3A_922] {strides = array<i32>} : memref<2x2x128xi32, #tpu.memory_space<vmem>>, vector<16xi32>,
          tpu.vector_store %arg6[%swap3A_920, %swap3A_921, %swap3A_922], %gather3A_915 {strides = array<i32>} : memref<2x2x128xi32, #tpu.memory_space<vmem>>, vector<16xi32>,
          %scan3A_924 = arith.constant 3 : i32
          %mul3A_925 = arith.constant 16 : i32
          %mul3A_926 = arith.muli %scan3A_924, %mul3A_925 : i32
          %add3A_927 = vector.broadcast %mul3A_926 : i32 to vector<16xi32>
          %add3A_928 = arith.addi %add3A_927, %iota3A : vector<16xi32>
          %gather3A_929 = tpu.vector_load_idx %arg5[%add3A_928, %broadcast_in_dim3A_880] : memref<128x201xi32, #tpu.memory_space<vmem>>[vector<16xi32>, vector<16xi32>], vector<16xi32>,
          %mul3A_930 = arith.constant 16 : i32
          %mul3A_931 = arith.muli %scan3A_924, %mul3A_930 : i32
          %swap3A_932 = arith.constant 1 : i32
          %swap3A_933 = arith.constant 1 : i32
          %swap3A_934 = arith.index_cast %swap3A_932 : i32 to index
          %swap3A_935 = arith.index_cast %swap3A_933 : i32 to index
          %swap3A_936 = arith.index_cast %mul3A_931 : i32 to index
          %swap3A_937 = tpu.vector_load %arg6[%swap3A_934, %swap3A_935, %swap3A_936] {strides = array<i32>} : memref<2x2x128xi32, #tpu.memory_space<vmem>>, vector<16xi32>,
          tpu.vector_store %arg6[%swap3A_934, %swap3A_935, %swap3A_936], %gather3A_929 {strides = array<i32>} : memref<2x2x128xi32, #tpu.memory_space<vmem>>, vector<16xi32>,
          %scan3A_938 = arith.constant 4 : i32
          %mul3A_939 = arith.constant 16 : i32
          %mul3A_940 = arith.muli %scan3A_938, %mul3A_939 : i32
          %add3A_941 = vector.broadcast %mul3A_940 : i32 to vector<16xi32>
          %add3A_942 = arith.addi %add3A_941, %iota3A : vector<16xi32>
          %gather3A_943 = tpu.vector_load_idx %arg5[%add3A_942, %broadcast_in_dim3A_880] : memref<128x201xi32, #tpu.memory_space<vmem>>[vector<16xi32>, vector<16xi32>], vector<16xi32>,
          %mul3A_944 = arith.constant 16 : i32
          %mul3A_945 = arith.muli %scan3A_938, %mul3A_944 : i32
          %swap3A_946 = arith.constant 1 : i32
          %swap3A_947 = arith.constant 1 : i32
          %swap3A_948 = arith.index_cast %swap3A_946 : i32 to index
          %swap3A_949 = arith.index_cast %swap3A_947 : i32 to index
          %swap3A_950 = arith.index_cast %mul3A_945 : i32 to index
          %swap3A_951 = tpu.vector_load %arg6[%swap3A_948, %swap3A_949, %swap3A_950] {strides = array<i32>} : memref<2x2x128xi32, #tpu.memory_space<vmem>>, vector<16xi32>,
          tpu.vector_store %arg6[%swap3A_948, %swap3A_949, %swap3A_950], %gather3A_943 {strides = array<i32>} : memref<2x2x128xi32, #tpu.memory_space<vmem>>, vector<16xi32>,
          %scan3A_952 = arith.constant 5 : i32
          %mul3A_953 = arith.constant 16 : i32
          %mul3A_954 = arith.muli %scan3A_952, %mul3A_953 : i32
          %add3A_955 = vector.broadcast %mul3A_954 : i32 to vector<16xi32>
          %add3A_956 = arith.addi %add3A_955, %iota3A : vector<16xi32>
          %gather3A_957 = tpu.vector_load_idx %arg5[%add3A_956, %broadcast_in_dim3A_880] : memref<128x201xi32, #tpu.memory_space<vmem>>[vector<16xi32>, vector<16xi32>], vector<16xi32>,
          %mul3A_958 = arith.constant 16 : i32
          %mul3A_959 = arith.muli %scan3A_952, %mul3A_958 : i32
          %swap3A_960 = arith.constant 1 : i32
          %swap3A_961 = arith.constant 1 : i32
          %swap3A_962 = arith.index_cast %swap3A_960 : i32 to index
          %swap3A_963 = arith.index_cast %swap3A_961 : i32 to index
          %swap3A_964 = arith.index_cast %mul3A_959 : i32 to index
          %swap3A_965 = tpu.vector_load %arg6[%swap3A_962, %swap3A_963, %swap3A_964] {strides = array<i32>} : memref<2x2x128xi32, #tpu.memory_space<vmem>>, vector<16xi32>,
          tpu.vector_store %arg6[%swap3A_962, %swap3A_963, %swap3A_964], %gather3A_957 {strides = array<i32>} : memref<2x2x128xi32, #tpu.memory_space<vmem>>, vector<16xi32>,
          %scan3A_966 = arith.constant 6 : i32
          %mul3A_967 = arith.constant 16 : i32
          %mul3A_968 = arith.muli %scan3A_966, %mul3A_967 : i32
          %add3A_969 = vector.broadcast %mul3A_968 : i32 to vector<16xi32>
          %add3A_970 = arith.addi %add3A_969, %iota3A : vector<16xi32>
          %gather3A_971 = tpu.vector_load_idx %arg5[%add3A_970, %broadcast_in_dim3A_880] : memref<128x201xi32, #tpu.memory_space<vmem>>[vector<16xi32>, vector<16xi32>], vector<16xi32>,
          %mul3A_972 = arith.constant 16 : i32
          %mul3A_973 = arith.muli %scan3A_966, %mul3A_972 : i32
          %swap3A_974 = arith.constant 1 : i32
          %swap3A_975 = arith.constant 1 : i32
          %swap3A_976 = arith.index_cast %swap3A_974 : i32 to index
          %swap3A_977 = arith.index_cast %swap3A_975 : i32 to index
          %swap3A_978 = arith.index_cast %mul3A_973 : i32 to index
          %swap3A_979 = tpu.vector_load %arg6[%swap3A_976, %swap3A_977, %swap3A_978] {strides = array<i32>} : memref<2x2x128xi32, #tpu.memory_space<vmem>>, vector<16xi32>,
          tpu.vector_store %arg6[%swap3A_976, %swap3A_977, %swap3A_978], %gather3A_971 {strides = array<i32>} : memref<2x2x128xi32, #tpu.memory_space<vmem>>, vector<16xi32>,
          %scan3A_980 = arith.constant 7 : i32
          %mul3A_981 = arith.constant 16 : i32
          %mul3A_982 = arith.muli %scan3A_980, %mul3A_981 : i32
          %add3A_983 = vector.broadcast %mul3A_982 : i32 to vector<16xi32>
          %add3A_984 = arith.addi %add3A_983, %iota3A : vector<16xi32>
          %gather3A_985 = tpu.vector_load_idx %arg5[%add3A_984, %broadcast_in_dim3A_880] : memref<128x201xi32, #tpu.memory_space<vmem>>[vector<16xi32>, vector<16xi32>], vector<16xi32>,
          %mul3A_986 = arith.constant 16 : i32
          %mul3A_987 = arith.muli %scan3A_980, %mul3A_986 : i32
          %swap3A_988 = arith.constant 1 : i32
          %swap3A_989 = arith.constant 1 : i32
          %swap3A_990 = arith.index_cast %swap3A_988 : i32 to index
          %swap3A_991 = arith.index_cast %swap3A_989 : i32 to index
          %swap3A_992 = arith.index_cast %mul3A_987 : i32 to index
          %swap3A_993 = tpu.vector_load %arg6[%swap3A_990, %swap3A_991, %swap3A_992] {strides = array<i32>} : memref<2x2x128xi32, #tpu.memory_space<vmem>>, vector<16xi32>,
          tpu.vector_store %arg6[%swap3A_990, %swap3A_991, %swap3A_992], %gather3A_985 {strides = array<i32>} : memref<2x2x128xi32, #tpu.memory_space<vmem>>, vector<16xi32>,
          %scan3A_994 = arith.constant 8 : i32
          %dma_start3A_995 = arith.constant 1 : i32
          %dma_start3A_996 = arith.constant 0 : i32
          %dma_start3A_997 = arith.constant 1 : i32
          %dma_start3A_998 = arith.constant 0 : i32
          %dma_start3A_999 = arith.constant 0 : i32
          %dma_start3A_1000 = arith.constant 0 : i32
          %dma_start3A_1001 = tpu.memref_slice %arg7[%dma_start3A_997, %dma_start3A_998, %dma_start3A_999, %dma_start3A_1000] : memref<2x2x128x64xf32, #tpu.memory_space<vmem>> -> memref<1x1x128x64xf32, #tpu.memory_space<vmem>>
          %dma_start3A_1002 = tpu.memref_squeeze %dma_start3A_1001 : memref<1x1x128x64xf32, #tpu.memory_space<vmem>> -> memref<128x64xf32, #tpu.memory_space<vmem>>
          %dma_start3A_1003 = arith.constant 0 : i32
          %dma_start3A_1004 = tpu.memref_slice %arg6[%dma_start3A_995, %dma_start3A_996, %dma_start3A_1003] : memref<2x2x128xi32, #tpu.memory_space<vmem>> -> memref<1x1x128xi32, #tpu.memory_space<vmem>>
          %dma_start3A_1005 = tpu.memref_squeeze %dma_start3A_1004 : memref<1x1x128xi32, #tpu.memory_space<vmem>> -> memref<128xi32, #tpu.memory_space<vmem>>
          %dma_start3A_1006 = arith.constant 0 : i32
          %dma_start3A_1007 = arith.constant 0 : i32
          %dma_start3A_1008 = tpu.memref_slice %arg2[%dma_start3A_1006, %dma_start3A_1007] : memref<1000000x64xf32, #tpu.memory_space<hbm>> -> memref<1000000x64xf32, #tpu.memory_space<hbm>>
          tpu.enqueue_indirect_dma source(%dma_start3A_1008 : memref<1000000x64xf32, #tpu.memory_space<hbm>>) target(%dma_start3A_1002 : memref<128x64xf32, #tpu.memory_space<vmem>>) offsets(%dma_start3A_1005 : memref<128xi32, #tpu.memory_space<vmem>>) semaphore(%arg9 : memref<!tpu.dma_semaphore, #tpu.memory_space<semaphore_mem>>)
          %dma_start3A_1009 = arith.constant 1 : i32
          %dma_start3A_1010 = arith.constant 1 : i32
          %dma_start3A_1011 = arith.constant 1 : i32
          %dma_start3A_1012 = arith.constant 1 : i32
          %dma_start3A_1013 = arith.constant 0 : i32
          %dma_start3A_1014 = arith.constant 0 : i32
          %dma_start3A_1015 = tpu.memref_slice %arg7[%dma_start3A_1011, %dma_start3A_1012, %dma_start3A_1013, %dma_start3A_1014] : memref<2x2x128x64xf32, #tpu.memory_space<vmem>> -> memref<1x1x128x64xf32, #tpu.memory_space<vmem>>
          %dma_start3A_1016 = tpu.memref_squeeze %dma_start3A_1015 : memref<1x1x128x64xf32, #tpu.memory_space<vmem>> -> memref<128x64xf32, #tpu.memory_space<vmem>>
          %dma_start3A_1017 = arith.constant 0 : i32
          %dma_start3A_1018 = tpu.memref_slice %arg6[%dma_start3A_1009, %dma_start3A_1010, %dma_start3A_1017] : memref<2x2x128xi32, #tpu.memory_space<vmem>> -> memref<1x1x128xi32, #tpu.memory_space<vmem>>
          %dma_start3A_1019 = tpu.memref_squeeze %dma_start3A_1018 : memref<1x1x128xi32, #tpu.memory_space<vmem>> -> memref<128xi32, #tpu.memory_space<vmem>>
          %dma_start3A_1020 = arith.constant 0 : i32
          %dma_start3A_1021 = arith.constant 0 : i32
          %dma_start3A_1022 = tpu.memref_slice %arg2[%dma_start3A_1020, %dma_start3A_1021] : memref<1000000x64xf32, #tpu.memory_space<hbm>> -> memref<1000000x64xf32, #tpu.memory_space<hbm>>
          tpu.enqueue_indirect_dma source(%dma_start3A_1022 : memref<1000000x64xf32, #tpu.memory_space<hbm>>) target(%dma_start3A_1016 : memref<128x64xf32, #tpu.memory_space<vmem>>) offsets(%dma_start3A_1019 : memref<128xi32, #tpu.memory_space<vmem>>) semaphore(%arg9 : memref<!tpu.dma_semaphore, #tpu.memory_space<semaphore_mem>>)
        } else {
        }
        %ge3A = arith.constant 2 : i32
        %ge3A_630 = arith.cmpi sge, %add3A_597, %ge3A : i32
        %convert_element_type3A_631 = arith.extui %ge3A_630 : i1 to i32
        %cond3A_632 = arith.constant 0 : i32
        %cond3A_633 = arith.cmpi ne, %convert_element_type3A_631, %cond3A_632 : i32
        scf.if %cond3A_633 {
          %dma_wait3A_755 = arith.constant 0 : i32
          %dma_wait3A_756 = arith.constant 0 : i32
          %dma_wait3A_757 = arith.constant 0 : i32
          %dma_wait3A_758 = arith.constant 0 : i32
          %dma_wait3A_759 = arith.constant 0 : i32
          %dma_wait3A_760 = arith.constant 0 : i32
          %dma_wait3A_761 = tpu.memref_slice %arg8[%dma_wait3A_755, %dma_wait3A_757, %dma_wait3A_758, %dma_wait3A_759, %dma_wait3A_760] : memref<2x2x8x8x129xf32, #tpu.memory_space<vmem>> -> memref<1x2x8x8x128xf32, #tpu.memory_space<vmem>>
          %dma_wait3A_762 = tpu.memref_squeeze %dma_wait3A_761 : memref<1x2x8x8x128xf32, #tpu.memory_space<vmem>> -> memref<2x8x8x128xf32, #tpu.memory_space<vmem>>
          %dma_wait3A_763 = arith.constant 0 : i32
          %dma_wait3A_764 = arith.constant 0 : i32
          %dma_wait3A_765 = arith.constant 0 : i32
          %dma_wait3A_766 = arith.constant 0 : i32
          %dma_wait3A_767 = tpu.memref_slice %arg4[%dma_wait3A_763, %dma_wait3A_764, %dma_wait3A_756, %dma_wait3A_765, %dma_wait3A_766] : memref<200x8x128x8x128xf32, #tpu.memory_space<hbm>> -> memref<2x8x1x8x128xf32, #tpu.memory_space<hbm>>
          %dma_wait3A_768 = tpu.memref_squeeze %dma_wait3A_767 : memref<2x8x1x8x128xf32, #tpu.memory_space<hbm>> -> memref<2x8x8x128xf32, #tpu.memory_space<hbm>>
          %dma_wait3A_769 = arith.constant 0 : i32
          %dma_wait3A_770 = arith.constant 0 : i32
          %dma_wait3A_771 = arith.constant 0 : i32
          %dma_wait3A_772 = arith.constant 0 : i32
          %dma_wait3A_773 = tpu.memref_slice %arg4[%dma_wait3A_769, %dma_wait3A_770, %dma_wait3A_756, %dma_wait3A_771, %dma_wait3A_772] : memref<200x8x128x8x128xf32, #tpu.memory_space<hbm>> -> memref<2x8x1x8x128xf32, #tpu.memory_space<hbm>>
          %dma_wait3A_774 = tpu.memref_squeeze %dma_wait3A_773 : memref<2x8x1x8x128xf32, #tpu.memory_space<hbm>> -> memref<2x8x8x128xf32, #tpu.memory_space<hbm>>
          %dma_wait3A_775 = arith.constant 0 : i32
          %dma_wait3A_776 = arith.constant 0 : i32
          %dma_wait3A_777 = arith.constant 0 : i32
          %dma_wait3A_778 = arith.constant 0 : i32
          %dma_wait3A_779 = tpu.memref_slice %arg8[%dma_wait3A_755, %dma_wait3A_775, %dma_wait3A_776, %dma_wait3A_777, %dma_wait3A_778] : memref<2x2x8x8x129xf32, #tpu.memory_space<vmem>> -> memref<1x2x8x8x128xf32, #tpu.memory_space<vmem>>
          %dma_wait3A_780 = tpu.memref_squeeze %dma_wait3A_779 : memref<1x2x8x8x128xf32, #tpu.memory_space<vmem>> -> memref<2x8x8x128xf32, #tpu.memory_space<vmem>>
          tpu.wait_dma2 semaphore(%arg10 : memref<!tpu.dma_semaphore, #tpu.memory_space<semaphore_mem>>) src(%dma_wait3A_780 : memref<2x8x8x128xf32, #tpu.memory_space<vmem>>) dst(%dma_wait3A_774 : memref<2x8x8x128xf32, #tpu.memory_space<hbm>>)
        } else {
        }
        %parallel_loop3A = arith.constant 0 : i32
        %parallel_loop3A_634 = arith.constant 128 : i32
        %parallel_loop3A_635 = arith.constant 1 : i32
        %parallel_loop3A_636 = arith.constant 0 : i32
        %parallel_loop3A_637 = arith.constant 0 : i32
        %parallel_loop3A_638 = arith.constant 0 : i32
        %parallel_loop3A_639 = arith.constant 0 : i32
        scf.for %parallel_loop3A_755 = %parallel_loop3A to %parallel_loop3A_634 step %parallel_loop3A_635  : i32 {
          %parallel_loop3A_756 = vector.broadcast %parallel_loop3A_755 : i32 to vector<16xi32>
          %parallel_loop3A_757 = arith.constant 0 : i32
          %parallel_loop3A_758 = arith.constant 0 : i32
          %parallel_loop3A_759 = tpu.memref_slice %arg7[%parallel_loop3A_636, %parallel_loop3A_637, %parallel_loop3A_757, %parallel_loop3A_758] : memref<2x2x128x64xf32, #tpu.memory_space<vmem>> -> memref<1x1x128x64xf32, #tpu.memory_space<vmem>>
          %parallel_loop3A_760 = tpu.memref_squeeze %parallel_loop3A_759 : memref<1x1x128x64xf32, #tpu.memory_space<vmem>> -> memref<128x64xf32, #tpu.memory_space<vmem>>
          %parallel_loop3A_761 = arith.index_cast %parallel_loop3A_755 : i32 to index
          %parallel_loop3A_762 = arith.constant 0 : index
          %parallel_loop3A_763 = tpu.vector_load %parallel_loop3A_760[%parallel_loop3A_761, %parallel_loop3A_762] {strides = array<i32>} : memref<128x64xf32, #tpu.memory_space<vmem>>, vector<16xf32>,
          %parallel_loop3A_764 = arith.constant 0 : i32
          %parallel_loop3A_765 = arith.constant 0 : i32
          %parallel_loop3A_766 = arith.constant 0 : i32
          %parallel_loop3A_767 = tpu.memref_slice %arg8[%parallel_loop3A_638, %parallel_loop3A_639, %parallel_loop3A_764, %parallel_loop3A_765, %parallel_loop3A_766] : memref<2x2x8x8x129xf32, #tpu.memory_space<vmem>> -> memref<1x1x8x8x129xf32, #tpu.memory_space<vmem>>
          %parallel_loop3A_768 = tpu.memref_squeeze %parallel_loop3A_767 : memref<1x1x8x8x129xf32, #tpu.memory_space<vmem>> -> memref<8x8x129xf32, #tpu.memory_space<vmem>>
          tpu.vector_store_idx %parallel_loop3A_768[%select_n3A, %sub3A_61, %parallel_loop3A_756], %parallel_loop3A_763 : memref<8x8x129xf32, #tpu.memory_space<vmem>>[vector<16xi32>, vector<16xi32>, vector<16xi32>], vector<16xf32>,
          %parallel_loop3A_769 = arith.constant 0 : i32
          %parallel_loop3A_770 = arith.constant 0 : i32
          %parallel_loop3A_771 = tpu.memref_slice %arg7[%parallel_loop3A_636, %parallel_loop3A_637, %parallel_loop3A_769, %parallel_loop3A_770] : memref<2x2x128x64xf32, #tpu.memory_space<vmem>> -> memref<1x1x128x64xf32, #tpu.memory_space<vmem>>
          %parallel_loop3A_772 = tpu.memref_squeeze %parallel_loop3A_771 : memref<1x1x128x64xf32, #tpu.memory_space<vmem>> -> memref<128x64xf32, #tpu.memory_space<vmem>>
          %parallel_loop3A_773 = arith.index_cast %parallel_loop3A_755 : i32 to index
          %parallel_loop3A_774 = arith.constant 16 : index
          %parallel_loop3A_775 = tpu.vector_load %parallel_loop3A_772[%parallel_loop3A_773, %parallel_loop3A_774] {strides = array<i32>} : memref<128x64xf32, #tpu.memory_space<vmem>>, vector<16xf32>,
          %parallel_loop3A_776 = arith.constant 0 : i32
          %parallel_loop3A_777 = arith.constant 0 : i32
          %parallel_loop3A_778 = arith.constant 0 : i32
          %parallel_loop3A_779 = tpu.memref_slice %arg8[%parallel_loop3A_638, %parallel_loop3A_639, %parallel_loop3A_776, %parallel_loop3A_777, %parallel_loop3A_778] : memref<2x2x8x8x129xf32, #tpu.memory_space<vmem>> -> memref<1x1x8x8x129xf32, #tpu.memory_space<vmem>>
          %parallel_loop3A_780 = tpu.memref_squeeze %parallel_loop3A_779 : memref<1x1x8x8x129xf32, #tpu.memory_space<vmem>> -> memref<8x8x129xf32, #tpu.memory_space<vmem>>
          tpu.vector_store_idx %parallel_loop3A_780[%select_n3A_95, %sub3A_130, %parallel_loop3A_756], %parallel_loop3A_775 : memref<8x8x129xf32, #tpu.memory_space<vmem>>[vector<16xi32>, vector<16xi32>, vector<16xi32>], vector<16xf32>,
          %parallel_loop3A_781 = arith.constant 0 : i32
          %parallel_loop3A_782 = arith.constant 0 : i32
          %parallel_loop3A_783 = tpu.memref_slice %arg7[%parallel_loop3A_636, %parallel_loop3A_637, %parallel_loop3A_781, %parallel_loop3A_782] : memref<2x2x128x64xf32, #tpu.memory_space<vmem>> -> memref<1x1x128x64xf32, #tpu.memory_space<vmem>>
          %parallel_loop3A_784 = tpu.memref_squeeze %parallel_loop3A_783 : memref<1x1x128x64xf32, #tpu.memory_space<vmem>> -> memref<128x64xf32, #tpu.memory_space<vmem>>
          %parallel_loop3A_785 = arith.index_cast %parallel_loop3A_755 : i32 to index
          %parallel_loop3A_786 = arith.constant 32 : index
          %parallel_loop3A_787 = tpu.vector_load %parallel_loop3A_784[%parallel_loop3A_785, %parallel_loop3A_786] {strides = array<i32>} : memref<128x64xf32, #tpu.memory_space<vmem>>, vector<16xf32>,
          %parallel_loop3A_788 = arith.constant 0 : i32
          %parallel_loop3A_789 = arith.constant 0 : i32
          %parallel_loop3A_790 = arith.constant 0 : i32
          %parallel_loop3A_791 = tpu.memref_slice %arg8[%parallel_loop3A_638, %parallel_loop3A_639, %parallel_loop3A_788, %parallel_loop3A_789, %parallel_loop3A_790] : memref<2x2x8x8x129xf32, #tpu.memory_space<vmem>> -> memref<1x1x8x8x129xf32, #tpu.memory_space<vmem>>
          %parallel_loop3A_792 = tpu.memref_squeeze %parallel_loop3A_791 : memref<1x1x8x8x129xf32, #tpu.memory_space<vmem>> -> memref<8x8x129xf32, #tpu.memory_space<vmem>>
          tpu.vector_store_idx %parallel_loop3A_792[%select_n3A_164, %sub3A_199, %parallel_loop3A_756], %parallel_loop3A_787 : memref<8x8x129xf32, #tpu.memory_space<vmem>>[vector<16xi32>, vector<16xi32>, vector<16xi32>], vector<16xf32>,
          %parallel_loop3A_793 = arith.constant 0 : i32
          %parallel_loop3A_794 = arith.constant 0 : i32
          %parallel_loop3A_795 = tpu.memref_slice %arg7[%parallel_loop3A_636, %parallel_loop3A_637, %parallel_loop3A_793, %parallel_loop3A_794] : memref<2x2x128x64xf32, #tpu.memory_space<vmem>> -> memref<1x1x128x64xf32, #tpu.memory_space<vmem>>
          %parallel_loop3A_796 = tpu.memref_squeeze %parallel_loop3A_795 : memref<1x1x128x64xf32, #tpu.memory_space<vmem>> -> memref<128x64xf32, #tpu.memory_space<vmem>>
          %parallel_loop3A_797 = arith.index_cast %parallel_loop3A_755 : i32 to index
          %parallel_loop3A_798 = arith.constant 48 : index
          %parallel_loop3A_799 = tpu.vector_load %parallel_loop3A_796[%parallel_loop3A_797, %parallel_loop3A_798] {strides = array<i32>} : memref<128x64xf32, #tpu.memory_space<vmem>>, vector<16xf32>,
          %parallel_loop3A_800 = arith.constant 0 : i32
          %parallel_loop3A_801 = arith.constant 0 : i32
          %parallel_loop3A_802 = arith.constant 0 : i32
          %parallel_loop3A_803 = tpu.memref_slice %arg8[%parallel_loop3A_638, %parallel_loop3A_639, %parallel_loop3A_800, %parallel_loop3A_801, %parallel_loop3A_802] : memref<2x2x8x8x129xf32, #tpu.memory_space<vmem>> -> memref<1x1x8x8x129xf32, #tpu.memory_space<vmem>>
          %parallel_loop3A_804 = tpu.memref_squeeze %parallel_loop3A_803 : memref<1x1x8x8x129xf32, #tpu.memory_space<vmem>> -> memref<8x8x129xf32, #tpu.memory_space<vmem>>
          tpu.vector_store_idx %parallel_loop3A_804[%select_n3A_233, %sub3A_268, %parallel_loop3A_756], %parallel_loop3A_799 : memref<8x8x129xf32, #tpu.memory_space<vmem>>[vector<16xi32>, vector<16xi32>, vector<16xi32>], vector<16xf32>,
        } {sc.loop_unroll_factor = 4 : i64, sc.parallel_access}
        %parallel_loop3A_640 = arith.constant 0 : i32
        %parallel_loop3A_641 = arith.constant 128 : i32
        %parallel_loop3A_642 = arith.constant 1 : i32
        %parallel_loop3A_643 = arith.constant 0 : i32
        %parallel_loop3A_644 = arith.constant 1 : i32
        %parallel_loop3A_645 = arith.constant 0 : i32
        %parallel_loop3A_646 = arith.constant 1 : i32
        scf.for %parallel_loop3A_755 = %parallel_loop3A_640 to %parallel_loop3A_641 step %parallel_loop3A_642  : i32 {
          %parallel_loop3A_756 = vector.broadcast %parallel_loop3A_755 : i32 to vector<16xi32>
          %parallel_loop3A_757 = arith.constant 0 : i32
          %parallel_loop3A_758 = arith.constant 0 : i32
          %parallel_loop3A_759 = tpu.memref_slice %arg7[%parallel_loop3A_643, %parallel_loop3A_644, %parallel_loop3A_757, %parallel_loop3A_758] : memref<2x2x128x64xf32, #tpu.memory_space<vmem>> -> memref<1x1x128x64xf32, #tpu.memory_space<vmem>>
          %parallel_loop3A_760 = tpu.memref_squeeze %parallel_loop3A_759 : memref<1x1x128x64xf32, #tpu.memory_space<vmem>> -> memref<128x64xf32, #tpu.memory_space<vmem>>
          %parallel_loop3A_761 = arith.index_cast %parallel_loop3A_755 : i32 to index
          %parallel_loop3A_762 = arith.constant 0 : index
          %parallel_loop3A_763 = tpu.vector_load %parallel_loop3A_760[%parallel_loop3A_761, %parallel_loop3A_762] {strides = array<i32>} : memref<128x64xf32, #tpu.memory_space<vmem>>, vector<16xf32>,
          %parallel_loop3A_764 = arith.constant 0 : i32
          %parallel_loop3A_765 = arith.constant 0 : i32
          %parallel_loop3A_766 = arith.constant 0 : i32
          %parallel_loop3A_767 = tpu.memref_slice %arg8[%parallel_loop3A_645, %parallel_loop3A_646, %parallel_loop3A_764, %parallel_loop3A_765, %parallel_loop3A_766] : memref<2x2x8x8x129xf32, #tpu.memory_space<vmem>> -> memref<1x1x8x8x129xf32, #tpu.memory_space<vmem>>
          %parallel_loop3A_768 = tpu.memref_squeeze %parallel_loop3A_767 : memref<1x1x8x8x129xf32, #tpu.memory_space<vmem>> -> memref<8x8x129xf32, #tpu.memory_space<vmem>>
          tpu.vector_store_idx %parallel_loop3A_768[%select_n3A, %sub3A_61, %parallel_loop3A_756], %parallel_loop3A_763 : memref<8x8x129xf32, #tpu.memory_space<vmem>>[vector<16xi32>, vector<16xi32>, vector<16xi32>], vector<16xf32>,
          %parallel_loop3A_769 = arith.constant 0 : i32
          %parallel_loop3A_770 = arith.constant 0 : i32
          %parallel_loop3A_771 = tpu.memref_slice %arg7[%parallel_loop3A_643, %parallel_loop3A_644, %parallel_loop3A_769, %parallel_loop3A_770] : memref<2x2x128x64xf32, #tpu.memory_space<vmem>> -> memref<1x1x128x64xf32, #tpu.memory_space<vmem>>
          %parallel_loop3A_772 = tpu.memref_squeeze %parallel_loop3A_771 : memref<1x1x128x64xf32, #tpu.memory_space<vmem>> -> memref<128x64xf32, #tpu.memory_space<vmem>>
          %parallel_loop3A_773 = arith.index_cast %parallel_loop3A_755 : i32 to index
          %parallel_loop3A_774 = arith.constant 16 : index
          %parallel_loop3A_775 = tpu.vector_load %parallel_loop3A_772[%parallel_loop3A_773, %parallel_loop3A_774] {strides = array<i32>} : memref<128x64xf32, #tpu.memory_space<vmem>>, vector<16xf32>,
          %parallel_loop3A_776 = arith.constant 0 : i32
          %parallel_loop3A_777 = arith.constant 0 : i32
          %parallel_loop3A_778 = arith.constant 0 : i32
          %parallel_loop3A_779 = tpu.memref_slice %arg8[%parallel_loop3A_645, %parallel_loop3A_646, %parallel_loop3A_776, %parallel_loop3A_777, %parallel_loop3A_778] : memref<2x2x8x8x129xf32, #tpu.memory_space<vmem>> -> memref<1x1x8x8x129xf32, #tpu.memory_space<vmem>>
          %parallel_loop3A_780 = tpu.memref_squeeze %parallel_loop3A_779 : memref<1x1x8x8x129xf32, #tpu.memory_space<vmem>> -> memref<8x8x129xf32, #tpu.memory_space<vmem>>
          tpu.vector_store_idx %parallel_loop3A_780[%select_n3A_95, %sub3A_130, %parallel_loop3A_756], %parallel_loop3A_775 : memref<8x8x129xf32, #tpu.memory_space<vmem>>[vector<16xi32>, vector<16xi32>, vector<16xi32>], vector<16xf32>,
          %parallel_loop3A_781 = arith.constant 0 : i32
          %parallel_loop3A_782 = arith.constant 0 : i32
          %parallel_loop3A_783 = tpu.memref_slice %arg7[%parallel_loop3A_643, %parallel_loop3A_644, %parallel_loop3A_781, %parallel_loop3A_782] : memref<2x2x128x64xf32, #tpu.memory_space<vmem>> -> memref<1x1x128x64xf32, #tpu.memory_space<vmem>>
          %parallel_loop3A_784 = tpu.memref_squeeze %parallel_loop3A_783 : memref<1x1x128x64xf32, #tpu.memory_space<vmem>> -> memref<128x64xf32, #tpu.memory_space<vmem>>
          %parallel_loop3A_785 = arith.index_cast %parallel_loop3A_755 : i32 to index
          %parallel_loop3A_786 = arith.constant 32 : index
          %parallel_loop3A_787 = tpu.vector_load %parallel_loop3A_784[%parallel_loop3A_785, %parallel_loop3A_786] {strides = array<i32>} : memref<128x64xf32, #tpu.memory_space<vmem>>, vector<16xf32>,
          %parallel_loop3A_788 = arith.constant 0 : i32
          %parallel_loop3A_789 = arith.constant 0 : i32
          %parallel_loop3A_790 = arith.constant 0 : i32
          %parallel_loop3A_791 = tpu.memref_slice %arg8[%parallel_loop3A_645, %parallel_loop3A_646, %parallel_loop3A_788, %parallel_loop3A_789, %parallel_loop3A_790] : memref<2x2x8x8x129xf32, #tpu.memory_space<vmem>> -> memref<1x1x8x8x129xf32, #tpu.memory_space<vmem>>
          %parallel_loop3A_792 = tpu.memref_squeeze %parallel_loop3A_791 : memref<1x1x8x8x129xf32, #tpu.memory_space<vmem>> -> memref<8x8x129xf32, #tpu.memory_space<vmem>>
          tpu.vector_store_idx %parallel_loop3A_792[%select_n3A_164, %sub3A_199, %parallel_loop3A_756], %parallel_loop3A_787 : memref<8x8x129xf32, #tpu.memory_space<vmem>>[vector<16xi32>, vector<16xi32>, vector<16xi32>], vector<16xf32>,
          %parallel_loop3A_793 = arith.constant 0 : i32
          %parallel_loop3A_794 = arith.constant 0 : i32
          %parallel_loop3A_795 = tpu.memref_slice %arg7[%parallel_loop3A_643, %parallel_loop3A_644, %parallel_loop3A_793, %parallel_loop3A_794] : memref<2x2x128x64xf32, #tpu.memory_space<vmem>> -> memref<1x1x128x64xf32, #tpu.memory_space<vmem>>
          %parallel_loop3A_796 = tpu.memref_squeeze %parallel_loop3A_795 : memref<1x1x128x64xf32, #tpu.memory_space<vmem>> -> memref<128x64xf32, #tpu.memory_space<vmem>>
          %parallel_loop3A_797 = arith.index_cast %parallel_loop3A_755 : i32 to index
          %parallel_loop3A_798 = arith.constant 48 : index
          %parallel_loop3A_799 = tpu.vector_load %parallel_loop3A_796[%parallel_loop3A_797, %parallel_loop3A_798] {strides = array<i32>} : memref<128x64xf32, #tpu.memory_space<vmem>>, vector<16xf32>,
          %parallel_loop3A_800 = arith.constant 0 : i32
          %parallel_loop3A_801 = arith.constant 0 : i32
          %parallel_loop3A_802 = arith.constant 0 : i32
          %parallel_loop3A_803 = tpu.memref_slice %arg8[%parallel_loop3A_645, %parallel_loop3A_646, %parallel_loop3A_800, %parallel_loop3A_801, %parallel_loop3A_802] : memref<2x2x8x8x129xf32, #tpu.memory_space<vmem>> -> memref<1x1x8x8x129xf32, #tpu.memory_space<vmem>>
          %parallel_loop3A_804 = tpu.memref_squeeze %parallel_loop3A_803 : memref<1x1x8x8x129xf32, #tpu.memory_space<vmem>> -> memref<8x8x129xf32, #tpu.memory_space<vmem>>
          tpu.vector_store_idx %parallel_loop3A_804[%select_n3A_233, %sub3A_268, %parallel_loop3A_756], %parallel_loop3A_799 : memref<8x8x129xf32, #tpu.memory_space<vmem>>[vector<16xi32>, vector<16xi32>, vector<16xi32>], vector<16xf32>,
        } {sc.loop_unroll_factor = 4 : i64, sc.parallel_access}
        %mul3A_647 = arith.constant 2 : i32
        %mul3A_648 = arith.muli %add3A_597, %mul3A_647 : i32
        %dma_start3A_649 = arith.constant 0 : i32
        %dma_start3A_650 = arith.constant 0 : i32
        %dma_start3A_651 = arith.constant 0 : i32
        %dma_start3A_652 = arith.constant 0 : i32
        %dma_start3A_653 = arith.constant 0 : i32
        %dma_start3A_654 = tpu.memref_slice %arg8[%dma_start3A_649, %dma_start3A_650, %dma_start3A_651, %dma_start3A_652, %dma_start3A_653] : memref<2x2x8x8x129xf32, #tpu.memory_space<vmem>> -> memref<1x2x8x8x128xf32, #tpu.memory_space<vmem>>
        %dma_start3A_655 = tpu.memref_squeeze %dma_start3A_654 : memref<1x2x8x8x128xf32, #tpu.memory_space<vmem>> -> memref<2x8x8x128xf32, #tpu.memory_space<vmem>>
        %dma_start3A_656 = arith.constant 0 : i32
        %dma_start3A_657 = arith.constant 0 : i32
        %dma_start3A_658 = arith.constant 0 : i32
        %dma_start3A_659 = tpu.memref_slice %arg4[%mul3A_648, %dma_start3A_656, %add3A_277, %dma_start3A_657, %dma_start3A_658] : memref<200x8x128x8x128xf32, #tpu.memory_space<hbm>> -> memref<2x8x1x8x128xf32, #tpu.memory_space<hbm>>
        %dma_start3A_660 = tpu.memref_squeeze %dma_start3A_659 : memref<2x8x1x8x128xf32, #tpu.memory_space<hbm>> -> memref<2x8x8x128xf32, #tpu.memory_space<hbm>>
        %dma_start3A_661 = arith.constant 0 : i32
        %dma_start3A_662 = arith.constant 0 : i32
        %dma_start3A_663 = arith.constant 0 : i32
        %dma_start3A_664 = tpu.memref_slice %arg4[%mul3A_648, %dma_start3A_661, %add3A_277, %dma_start3A_662, %dma_start3A_663] : memref<200x8x128x8x128xf32, #tpu.memory_space<hbm>> -> memref<2x8x1x8x128xf32, #tpu.memory_space<hbm>>
        %dma_start3A_665 = tpu.memref_squeeze %dma_start3A_664 : memref<2x8x1x8x128xf32, #tpu.memory_space<hbm>> -> memref<2x8x8x128xf32, #tpu.memory_space<hbm>>
        %dma_start3A_666 = arith.constant 0 : i32
        %dma_start3A_667 = arith.constant 0 : i32
        %dma_start3A_668 = arith.constant 0 : i32
        %dma_start3A_669 = arith.constant 0 : i32
        %dma_start3A_670 = tpu.memref_slice %arg8[%dma_start3A_649, %dma_start3A_666, %dma_start3A_667, %dma_start3A_668, %dma_start3A_669] : memref<2x2x8x8x129xf32, #tpu.memory_space<vmem>> -> memref<1x2x8x8x128xf32, #tpu.memory_space<vmem>>
        %dma_start3A_671 = tpu.memref_squeeze %dma_start3A_670 : memref<1x2x8x8x128xf32, #tpu.memory_space<vmem>> -> memref<2x8x8x128xf32, #tpu.memory_space<vmem>>
        tpu.enqueue_dma source(%dma_start3A_671 : memref<2x8x8x128xf32, #tpu.memory_space<vmem>>) target(%dma_start3A_665 : memref<2x8x8x128xf32, #tpu.memory_space<hbm>>) target_semaphore(%arg10 : memref<!tpu.dma_semaphore, #tpu.memory_space<semaphore_mem>>)
        %mul3A_672 = arith.constant 2 : i32
        %mul3A_673 = arith.muli %scan3A_593, %mul3A_672 : i32
        %add3A_674 = arith.constant 1 : i32
        %add3A_675 = arith.addi %mul3A_673, %add3A_674 : i32
        %dma_wait3A_676 = arith.constant 1 : i32
        %dma_wait3A_677 = arith.constant 0 : i32
        %dma_wait3A_678 = arith.constant 1 : i32
        %dma_wait3A_679 = arith.constant 0 : i32
        %dma_wait3A_680 = arith.constant 0 : i32
        %dma_wait3A_681 = arith.constant 0 : i32
        %dma_wait3A_682 = tpu.memref_slice %arg7[%dma_wait3A_678, %dma_wait3A_679, %dma_wait3A_680, %dma_wait3A_681] : memref<2x2x128x64xf32, #tpu.memory_space<vmem>> -> memref<1x1x128x64xf32, #tpu.memory_space<vmem>>
        %dma_wait3A_683 = tpu.memref_squeeze %dma_wait3A_682 : memref<1x1x128x64xf32, #tpu.memory_space<vmem>> -> memref<128x64xf32, #tpu.memory_space<vmem>>
        %dma_wait3A_684 = arith.constant 0 : i32
        %dma_wait3A_685 = tpu.memref_slice %arg6[%dma_wait3A_676, %dma_wait3A_677, %dma_wait3A_684] : memref<2x2x128xi32, #tpu.memory_space<vmem>> -> memref<1x1x128xi32, #tpu.memory_space<vmem>>
        %dma_wait3A_686 = tpu.memref_squeeze %dma_wait3A_685 : memref<1x1x128xi32, #tpu.memory_space<vmem>> -> memref<128xi32, #tpu.memory_space<vmem>>
        %dma_wait3A_687 = arith.constant 0 : i32
        %dma_wait3A_688 = arith.constant 0 : i32
        %dma_wait3A_689 = tpu.memref_slice %arg2[%dma_wait3A_687, %dma_wait3A_688] : memref<1000000x64xf32, #tpu.memory_space<hbm>> -> memref<1000000x64xf32, #tpu.memory_space<hbm>>
        tpu.wait_indirect_dma semaphore(%arg9 : memref<!tpu.dma_semaphore, #tpu.memory_space<semaphore_mem>>) src(%dma_wait3A_689 : memref<1000000x64xf32, #tpu.memory_space<hbm>>) dst(%dma_wait3A_683 : memref<128x64xf32, #tpu.memory_space<vmem>>)
        %dma_wait3A_690 = arith.constant 1 : i32
        %dma_wait3A_691 = arith.constant 1 : i32
        %dma_wait3A_692 = arith.constant 1 : i32
        %dma_wait3A_693 = arith.constant 1 : i32
        %dma_wait3A_694 = arith.constant 0 : i32
        %dma_wait3A_695 = arith.constant 0 : i32
        %dma_wait3A_696 = tpu.memref_slice %arg7[%dma_wait3A_692, %dma_wait3A_693, %dma_wait3A_694, %dma_wait3A_695] : memref<2x2x128x64xf32, #tpu.memory_space<vmem>> -> memref<1x1x128x64xf32, #tpu.memory_space<vmem>>
        %dma_wait3A_697 = tpu.memref_squeeze %dma_wait3A_696 : memref<1x1x128x64xf32, #tpu.memory_space<vmem>> -> memref<128x64xf32, #tpu.memory_space<vmem>>
        %dma_wait3A_698 = arith.constant 0 : i32
        %dma_wait3A_699 = tpu.memref_slice %arg6[%dma_wait3A_690, %dma_wait3A_691, %dma_wait3A_698] : memref<2x2x128xi32, #tpu.memory_space<vmem>> -> memref<1x1x128xi32, #tpu.memory_space<vmem>>
        %dma_wait3A_700 = tpu.memref_squeeze %dma_wait3A_699 : memref<1x1x128xi32, #tpu.memory_space<vmem>> -> memref<128xi32, #tpu.memory_space<vmem>>
        %dma_wait3A_701 = arith.constant 0 : i32
        %dma_wait3A_702 = arith.constant 0 : i32
        %dma_wait3A_703 = tpu.memref_slice %arg2[%dma_wait3A_701, %dma_wait3A_702] : memref<1000000x64xf32, #tpu.memory_space<hbm>> -> memref<1000000x64xf32, #tpu.memory_space<hbm>>
        tpu.wait_indirect_dma semaphore(%arg9 : memref<!tpu.dma_semaphore, #tpu.memory_space<semaphore_mem>>) src(%dma_wait3A_703 : memref<1000000x64xf32, #tpu.memory_space<hbm>>) dst(%dma_wait3A_697 : memref<128x64xf32, #tpu.memory_space<vmem>>)
        %add3A_704 = arith.constant 1 : i32
        %add3A_705 = arith.addi %add3A_675, %add3A_704 : i32
        %lt3A_706 = arith.constant 100 : i32
        %lt3A_707 = arith.cmpi slt, %add3A_705, %lt3A_706 : i32
        %convert_element_type3A_708 = arith.extui %lt3A_707 : i1 to i32
        %cond3A_709 = arith.constant 0 : i32
        %cond3A_710 = arith.cmpi ne, %convert_element_type3A_708, %cond3A_709 : i32
        scf.if %cond3A_710 {
          %add3A_755 = arith.constant 1 : i32
          %add3A_756 = arith.addi %add3A_675, %add3A_755 : i32
          %mul3A_757 = arith.constant 2 : i32
          %mul3A_758 = arith.muli %add3A_756, %mul3A_757 : i32
          %add3A_759 = arith.constant 0 : i32
          %add3A_760 = arith.addi %mul3A_758, %add3A_759 : i32
          %broadcast_in_dim3A_761 = vector.broadcast %add3A_760 : i32 to vector<16xi32>
          %scan3A_762 = arith.constant 0 : i32
          %scan3A_763 = arith.constant 0 : i32
          %mul3A_764 = arith.constant 16 : i32
          %mul3A_765 = arith.muli %scan3A_763, %mul3A_764 : i32
          %add3A_766 = vector.broadcast %mul3A_765 : i32 to vector<16xi32>
          %add3A_767 = arith.addi %add3A_766, %iota3A : vector<16xi32>
          %gather3A_768 = tpu.vector_load_idx %arg5[%add3A_767, %broadcast_in_dim3A_761] : memref<128x201xi32, #tpu.memory_space<vmem>>[vector<16xi32>, vector<16xi32>], vector<16xi32>,
          %mul3A_769 = arith.constant 16 : i32
          %mul3A_770 = arith.muli %scan3A_763, %mul3A_769 : i32
          %swap3A_771 = arith.constant 0 : i32
          %swap3A_772 = arith.constant 0 : i32
          %swap3A_773 = arith.index_cast %swap3A_771 : i32 to index
          %swap3A_774 = arith.index_cast %swap3A_772 : i32 to index
          %swap3A_775 = arith.index_cast %mul3A_770 : i32 to index
          %swap3A_776 = tpu.vector_load %arg6[%swap3A_773, %swap3A_774, %swap3A_775] {strides = array<i32>} : memref<2x2x128xi32, #tpu.memory_space<vmem>>, vector<16xi32>,
          tpu.vector_store %arg6[%swap3A_773, %swap3A_774, %swap3A_775], %gather3A_768 {strides = array<i32>} : memref<2x2x128xi32, #tpu.memory_space<vmem>>, vector<16xi32>,
          %scan3A_777 = arith.constant 1 : i32
          %mul3A_778 = arith.constant 16 : i32
          %mul3A_779 = arith.muli %scan3A_777, %mul3A_778 : i32
          %add3A_780 = vector.broadcast %mul3A_779 : i32 to vector<16xi32>
          %add3A_781 = arith.addi %add3A_780, %iota3A : vector<16xi32>
          %gather3A_782 = tpu.vector_load_idx %arg5[%add3A_781, %broadcast_in_dim3A_761] : memref<128x201xi32, #tpu.memory_space<vmem>>[vector<16xi32>, vector<16xi32>], vector<16xi32>,
          %mul3A_783 = arith.constant 16 : i32
          %mul3A_784 = arith.muli %scan3A_777, %mul3A_783 : i32
          %swap3A_785 = arith.constant 0 : i32
          %swap3A_786 = arith.constant 0 : i32
          %swap3A_787 = arith.index_cast %swap3A_785 : i32 to index
          %swap3A_788 = arith.index_cast %swap3A_786 : i32 to index
          %swap3A_789 = arith.index_cast %mul3A_784 : i32 to index
          %swap3A_790 = tpu.vector_load %arg6[%swap3A_787, %swap3A_788, %swap3A_789] {strides = array<i32>} : memref<2x2x128xi32, #tpu.memory_space<vmem>>, vector<16xi32>,
          tpu.vector_store %arg6[%swap3A_787, %swap3A_788, %swap3A_789], %gather3A_782 {strides = array<i32>} : memref<2x2x128xi32, #tpu.memory_space<vmem>>, vector<16xi32>,
          %scan3A_791 = arith.constant 2 : i32
          %mul3A_792 = arith.constant 16 : i32
          %mul3A_793 = arith.muli %scan3A_791, %mul3A_792 : i32
          %add3A_794 = vector.broadcast %mul3A_793 : i32 to vector<16xi32>
          %add3A_795 = arith.addi %add3A_794, %iota3A : vector<16xi32>
          %gather3A_796 = tpu.vector_load_idx %arg5[%add3A_795, %broadcast_in_dim3A_761] : memref<128x201xi32, #tpu.memory_space<vmem>>[vector<16xi32>, vector<16xi32>], vector<16xi32>,
          %mul3A_797 = arith.constant 16 : i32
          %mul3A_798 = arith.muli %scan3A_791, %mul3A_797 : i32
          %swap3A_799 = arith.constant 0 : i32
          %swap3A_800 = arith.constant 0 : i32
          %swap3A_801 = arith.index_cast %swap3A_799 : i32 to index
          %swap3A_802 = arith.index_cast %swap3A_800 : i32 to index
          %swap3A_803 = arith.index_cast %mul3A_798 : i32 to index
          %swap3A_804 = tpu.vector_load %arg6[%swap3A_801, %swap3A_802, %swap3A_803] {strides = array<i32>} : memref<2x2x128xi32, #tpu.memory_space<vmem>>, vector<16xi32>,
          tpu.vector_store %arg6[%swap3A_801, %swap3A_802, %swap3A_803], %gather3A_796 {strides = array<i32>} : memref<2x2x128xi32, #tpu.memory_space<vmem>>, vector<16xi32>,
          %scan3A_805 = arith.constant 3 : i32
          %mul3A_806 = arith.constant 16 : i32
          %mul3A_807 = arith.muli %scan3A_805, %mul3A_806 : i32
          %add3A_808 = vector.broadcast %mul3A_807 : i32 to vector<16xi32>
          %add3A_809 = arith.addi %add3A_808, %iota3A : vector<16xi32>
          %gather3A_810 = tpu.vector_load_idx %arg5[%add3A_809, %broadcast_in_dim3A_761] : memref<128x201xi32, #tpu.memory_space<vmem>>[vector<16xi32>, vector<16xi32>], vector<16xi32>,
          %mul3A_811 = arith.constant 16 : i32
          %mul3A_812 = arith.muli %scan3A_805, %mul3A_811 : i32
          %swap3A_813 = arith.constant 0 : i32
          %swap3A_814 = arith.constant 0 : i32
          %swap3A_815 = arith.index_cast %swap3A_813 : i32 to index
          %swap3A_816 = arith.index_cast %swap3A_814 : i32 to index
          %swap3A_817 = arith.index_cast %mul3A_812 : i32 to index
          %swap3A_818 = tpu.vector_load %arg6[%swap3A_815, %swap3A_816, %swap3A_817] {strides = array<i32>} : memref<2x2x128xi32, #tpu.memory_space<vmem>>, vector<16xi32>,
          tpu.vector_store %arg6[%swap3A_815, %swap3A_816, %swap3A_817], %gather3A_810 {strides = array<i32>} : memref<2x2x128xi32, #tpu.memory_space<vmem>>, vector<16xi32>,
          %scan3A_819 = arith.constant 4 : i32
          %mul3A_820 = arith.constant 16 : i32
          %mul3A_821 = arith.muli %scan3A_819, %mul3A_820 : i32
          %add3A_822 = vector.broadcast %mul3A_821 : i32 to vector<16xi32>
          %add3A_823 = arith.addi %add3A_822, %iota3A : vector<16xi32>
          %gather3A_824 = tpu.vector_load_idx %arg5[%add3A_823, %broadcast_in_dim3A_761] : memref<128x201xi32, #tpu.memory_space<vmem>>[vector<16xi32>, vector<16xi32>], vector<16xi32>,
          %mul3A_825 = arith.constant 16 : i32
          %mul3A_826 = arith.muli %scan3A_819, %mul3A_825 : i32
          %swap3A_827 = arith.constant 0 : i32
          %swap3A_828 = arith.constant 0 : i32
          %swap3A_829 = arith.index_cast %swap3A_827 : i32 to index
          %swap3A_830 = arith.index_cast %swap3A_828 : i32 to index
          %swap3A_831 = arith.index_cast %mul3A_826 : i32 to index
          %swap3A_832 = tpu.vector_load %arg6[%swap3A_829, %swap3A_830, %swap3A_831] {strides = array<i32>} : memref<2x2x128xi32, #tpu.memory_space<vmem>>, vector<16xi32>,
          tpu.vector_store %arg6[%swap3A_829, %swap3A_830, %swap3A_831], %gather3A_824 {strides = array<i32>} : memref<2x2x128xi32, #tpu.memory_space<vmem>>, vector<16xi32>,
          %scan3A_833 = arith.constant 5 : i32
          %mul3A_834 = arith.constant 16 : i32
          %mul3A_835 = arith.muli %scan3A_833, %mul3A_834 : i32
          %add3A_836 = vector.broadcast %mul3A_835 : i32 to vector<16xi32>
          %add3A_837 = arith.addi %add3A_836, %iota3A : vector<16xi32>
          %gather3A_838 = tpu.vector_load_idx %arg5[%add3A_837, %broadcast_in_dim3A_761] : memref<128x201xi32, #tpu.memory_space<vmem>>[vector<16xi32>, vector<16xi32>], vector<16xi32>,
          %mul3A_839 = arith.constant 16 : i32
          %mul3A_840 = arith.muli %scan3A_833, %mul3A_839 : i32
          %swap3A_841 = arith.constant 0 : i32
          %swap3A_842 = arith.constant 0 : i32
          %swap3A_843 = arith.index_cast %swap3A_841 : i32 to index
          %swap3A_844 = arith.index_cast %swap3A_842 : i32 to index
          %swap3A_845 = arith.index_cast %mul3A_840 : i32 to index
          %swap3A_846 = tpu.vector_load %arg6[%swap3A_843, %swap3A_844, %swap3A_845] {strides = array<i32>} : memref<2x2x128xi32, #tpu.memory_space<vmem>>, vector<16xi32>,
          tpu.vector_store %arg6[%swap3A_843, %swap3A_844, %swap3A_845], %gather3A_838 {strides = array<i32>} : memref<2x2x128xi32, #tpu.memory_space<vmem>>, vector<16xi32>,
          %scan3A_847 = arith.constant 6 : i32
          %mul3A_848 = arith.constant 16 : i32
          %mul3A_849 = arith.muli %scan3A_847, %mul3A_848 : i32
          %add3A_850 = vector.broadcast %mul3A_849 : i32 to vector<16xi32>
          %add3A_851 = arith.addi %add3A_850, %iota3A : vector<16xi32>
          %gather3A_852 = tpu.vector_load_idx %arg5[%add3A_851, %broadcast_in_dim3A_761] : memref<128x201xi32, #tpu.memory_space<vmem>>[vector<16xi32>, vector<16xi32>], vector<16xi32>,
          %mul3A_853 = arith.constant 16 : i32
          %mul3A_854 = arith.muli %scan3A_847, %mul3A_853 : i32
          %swap3A_855 = arith.constant 0 : i32
          %swap3A_856 = arith.constant 0 : i32
          %swap3A_857 = arith.index_cast %swap3A_855 : i32 to index
          %swap3A_858 = arith.index_cast %swap3A_856 : i32 to index
          %swap3A_859 = arith.index_cast %mul3A_854 : i32 to index
          %swap3A_860 = tpu.vector_load %arg6[%swap3A_857, %swap3A_858, %swap3A_859] {strides = array<i32>} : memref<2x2x128xi32, #tpu.memory_space<vmem>>, vector<16xi32>,
          tpu.vector_store %arg6[%swap3A_857, %swap3A_858, %swap3A_859], %gather3A_852 {strides = array<i32>} : memref<2x2x128xi32, #tpu.memory_space<vmem>>, vector<16xi32>,
          %scan3A_861 = arith.constant 7 : i32
          %mul3A_862 = arith.constant 16 : i32
          %mul3A_863 = arith.muli %scan3A_861, %mul3A_862 : i32
          %add3A_864 = vector.broadcast %mul3A_863 : i32 to vector<16xi32>
          %add3A_865 = arith.addi %add3A_864, %iota3A : vector<16xi32>
          %gather3A_866 = tpu.vector_load_idx %arg5[%add3A_865, %broadcast_in_dim3A_761] : memref<128x201xi32, #tpu.memory_space<vmem>>[vector<16xi32>, vector<16xi32>], vector<16xi32>,
          %mul3A_867 = arith.constant 16 : i32
          %mul3A_868 = arith.muli %scan3A_861, %mul3A_867 : i32
          %swap3A_869 = arith.constant 0 : i32
          %swap3A_870 = arith.constant 0 : i32
          %swap3A_871 = arith.index_cast %swap3A_869 : i32 to index
          %swap3A_872 = arith.index_cast %swap3A_870 : i32 to index
          %swap3A_873 = arith.index_cast %mul3A_868 : i32 to index
          %swap3A_874 = tpu.vector_load %arg6[%swap3A_871, %swap3A_872, %swap3A_873] {strides = array<i32>} : memref<2x2x128xi32, #tpu.memory_space<vmem>>, vector<16xi32>,
          tpu.vector_store %arg6[%swap3A_871, %swap3A_872, %swap3A_873], %gather3A_866 {strides = array<i32>} : memref<2x2x128xi32, #tpu.memory_space<vmem>>, vector<16xi32>,
          %scan3A_875 = arith.constant 8 : i32
          %mul3A_876 = arith.constant 2 : i32
          %mul3A_877 = arith.muli %add3A_756, %mul3A_876 : i32
          %add3A_878 = arith.constant 1 : i32
          %add3A_879 = arith.addi %mul3A_877, %add3A_878 : i32
          %broadcast_in_dim3A_880 = vector.broadcast %add3A_879 : i32 to vector<16xi32>
          %scan3A_881 = arith.constant 0 : i32
          %scan3A_882 = arith.constant 0 : i32
          %mul3A_883 = arith.constant 16 : i32
          %mul3A_884 = arith.muli %scan3A_882, %mul3A_883 : i32
          %add3A_885 = vector.broadcast %mul3A_884 : i32 to vector<16xi32>
          %add3A_886 = arith.addi %add3A_885, %iota3A : vector<16xi32>
          %gather3A_887 = tpu.vector_load_idx %arg5[%add3A_886, %broadcast_in_dim3A_880] : memref<128x201xi32, #tpu.memory_space<vmem>>[vector<16xi32>, vector<16xi32>], vector<16xi32>,
          %mul3A_888 = arith.constant 16 : i32
          %mul3A_889 = arith.muli %scan3A_882, %mul3A_888 : i32
          %swap3A_890 = arith.constant 0 : i32
          %swap3A_891 = arith.constant 1 : i32
          %swap3A_892 = arith.index_cast %swap3A_890 : i32 to index
          %swap3A_893 = arith.index_cast %swap3A_891 : i32 to index
          %swap3A_894 = arith.index_cast %mul3A_889 : i32 to index
          %swap3A_895 = tpu.vector_load %arg6[%swap3A_892, %swap3A_893, %swap3A_894] {strides = array<i32>} : memref<2x2x128xi32, #tpu.memory_space<vmem>>, vector<16xi32>,
          tpu.vector_store %arg6[%swap3A_892, %swap3A_893, %swap3A_894], %gather3A_887 {strides = array<i32>} : memref<2x2x128xi32, #tpu.memory_space<vmem>>, vector<16xi32>,
          %scan3A_896 = arith.constant 1 : i32
          %mul3A_897 = arith.constant 16 : i32
          %mul3A_898 = arith.muli %scan3A_896, %mul3A_897 : i32
          %add3A_899 = vector.broadcast %mul3A_898 : i32 to vector<16xi32>
          %add3A_900 = arith.addi %add3A_899, %iota3A : vector<16xi32>
          %gather3A_901 = tpu.vector_load_idx %arg5[%add3A_900, %broadcast_in_dim3A_880] : memref<128x201xi32, #tpu.memory_space<vmem>>[vector<16xi32>, vector<16xi32>], vector<16xi32>,
          %mul3A_902 = arith.constant 16 : i32
          %mul3A_903 = arith.muli %scan3A_896, %mul3A_902 : i32
          %swap3A_904 = arith.constant 0 : i32
          %swap3A_905 = arith.constant 1 : i32
          %swap3A_906 = arith.index_cast %swap3A_904 : i32 to index
          %swap3A_907 = arith.index_cast %swap3A_905 : i32 to index
          %swap3A_908 = arith.index_cast %mul3A_903 : i32 to index
          %swap3A_909 = tpu.vector_load %arg6[%swap3A_906, %swap3A_907, %swap3A_908] {strides = array<i32>} : memref<2x2x128xi32, #tpu.memory_space<vmem>>, vector<16xi32>,
          tpu.vector_store %arg6[%swap3A_906, %swap3A_907, %swap3A_908], %gather3A_901 {strides = array<i32>} : memref<2x2x128xi32, #tpu.memory_space<vmem>>, vector<16xi32>,
          %scan3A_910 = arith.constant 2 : i32
          %mul3A_911 = arith.constant 16 : i32
          %mul3A_912 = arith.muli %scan3A_910, %mul3A_911 : i32
          %add3A_913 = vector.broadcast %mul3A_912 : i32 to vector<16xi32>
          %add3A_914 = arith.addi %add3A_913, %iota3A : vector<16xi32>
          %gather3A_915 = tpu.vector_load_idx %arg5[%add3A_914, %broadcast_in_dim3A_880] : memref<128x201xi32, #tpu.memory_space<vmem>>[vector<16xi32>, vector<16xi32>], vector<16xi32>,
          %mul3A_916 = arith.constant 16 : i32
          %mul3A_917 = arith.muli %scan3A_910, %mul3A_916 : i32
          %swap3A_918 = arith.constant 0 : i32
          %swap3A_919 = arith.constant 1 : i32
          %swap3A_920 = arith.index_cast %swap3A_918 : i32 to index
          %swap3A_921 = arith.index_cast %swap3A_919 : i32 to index
          %swap3A_922 = arith.index_cast %mul3A_917 : i32 to index
          %swap3A_923 = tpu.vector_load %arg6[%swap3A_920, %swap3A_921, %swap3A_922] {strides = array<i32>} : memref<2x2x128xi32, #tpu.memory_space<vmem>>, vector<16xi32>,
          tpu.vector_store %arg6[%swap3A_920, %swap3A_921, %swap3A_922], %gather3A_915 {strides = array<i32>} : memref<2x2x128xi32, #tpu.memory_space<vmem>>, vector<16xi32>,
          %scan3A_924 = arith.constant 3 : i32
          %mul3A_925 = arith.constant 16 : i32
          %mul3A_926 = arith.muli %scan3A_924, %mul3A_925 : i32
          %add3A_927 = vector.broadcast %mul3A_926 : i32 to vector<16xi32>
          %add3A_928 = arith.addi %add3A_927, %iota3A : vector<16xi32>
          %gather3A_929 = tpu.vector_load_idx %arg5[%add3A_928, %broadcast_in_dim3A_880] : memref<128x201xi32, #tpu.memory_space<vmem>>[vector<16xi32>, vector<16xi32>], vector<16xi32>,
          %mul3A_930 = arith.constant 16 : i32
          %mul3A_931 = arith.muli %scan3A_924, %mul3A_930 : i32
          %swap3A_932 = arith.constant 0 : i32
          %swap3A_933 = arith.constant 1 : i32
          %swap3A_934 = arith.index_cast %swap3A_932 : i32 to index
          %swap3A_935 = arith.index_cast %swap3A_933 : i32 to index
          %swap3A_936 = arith.index_cast %mul3A_931 : i32 to index
          %swap3A_937 = tpu.vector_load %arg6[%swap3A_934, %swap3A_935, %swap3A_936] {strides = array<i32>} : memref<2x2x128xi32, #tpu.memory_space<vmem>>, vector<16xi32>,
          tpu.vector_store %arg6[%swap3A_934, %swap3A_935, %swap3A_936], %gather3A_929 {strides = array<i32>} : memref<2x2x128xi32, #tpu.memory_space<vmem>>, vector<16xi32>,
          %scan3A_938 = arith.constant 4 : i32
          %mul3A_939 = arith.constant 16 : i32
          %mul3A_940 = arith.muli %scan3A_938, %mul3A_939 : i32
          %add3A_941 = vector.broadcast %mul3A_940 : i32 to vector<16xi32>
          %add3A_942 = arith.addi %add3A_941, %iota3A : vector<16xi32>
          %gather3A_943 = tpu.vector_load_idx %arg5[%add3A_942, %broadcast_in_dim3A_880] : memref<128x201xi32, #tpu.memory_space<vmem>>[vector<16xi32>, vector<16xi32>], vector<16xi32>,
          %mul3A_944 = arith.constant 16 : i32
          %mul3A_945 = arith.muli %scan3A_938, %mul3A_944 : i32
          %swap3A_946 = arith.constant 0 : i32
          %swap3A_947 = arith.constant 1 : i32
          %swap3A_948 = arith.index_cast %swap3A_946 : i32 to index
          %swap3A_949 = arith.index_cast %swap3A_947 : i32 to index
          %swap3A_950 = arith.index_cast %mul3A_945 : i32 to index
          %swap3A_951 = tpu.vector_load %arg6[%swap3A_948, %swap3A_949, %swap3A_950] {strides = array<i32>} : memref<2x2x128xi32, #tpu.memory_space<vmem>>, vector<16xi32>,
          tpu.vector_store %arg6[%swap3A_948, %swap3A_949, %swap3A_950], %gather3A_943 {strides = array<i32>} : memref<2x2x128xi32, #tpu.memory_space<vmem>>, vector<16xi32>,
          %scan3A_952 = arith.constant 5 : i32
          %mul3A_953 = arith.constant 16 : i32
          %mul3A_954 = arith.muli %scan3A_952, %mul3A_953 : i32
          %add3A_955 = vector.broadcast %mul3A_954 : i32 to vector<16xi32>
          %add3A_956 = arith.addi %add3A_955, %iota3A : vector<16xi32>
          %gather3A_957 = tpu.vector_load_idx %arg5[%add3A_956, %broadcast_in_dim3A_880] : memref<128x201xi32, #tpu.memory_space<vmem>>[vector<16xi32>, vector<16xi32>], vector<16xi32>,
          %mul3A_958 = arith.constant 16 : i32
          %mul3A_959 = arith.muli %scan3A_952, %mul3A_958 : i32
          %swap3A_960 = arith.constant 0 : i32
          %swap3A_961 = arith.constant 1 : i32
          %swap3A_962 = arith.index_cast %swap3A_960 : i32 to index
          %swap3A_963 = arith.index_cast %swap3A_961 : i32 to index
          %swap3A_964 = arith.index_cast %mul3A_959 : i32 to index
          %swap3A_965 = tpu.vector_load %arg6[%swap3A_962, %swap3A_963, %swap3A_964] {strides = array<i32>} : memref<2x2x128xi32, #tpu.memory_space<vmem>>, vector<16xi32>,
          tpu.vector_store %arg6[%swap3A_962, %swap3A_963, %swap3A_964], %gather3A_957 {strides = array<i32>} : memref<2x2x128xi32, #tpu.memory_space<vmem>>, vector<16xi32>,
          %scan3A_966 = arith.constant 6 : i32
          %mul3A_967 = arith.constant 16 : i32
          %mul3A_968 = arith.muli %scan3A_966, %mul3A_967 : i32
          %add3A_969 = vector.broadcast %mul3A_968 : i32 to vector<16xi32>
          %add3A_970 = arith.addi %add3A_969, %iota3A : vector<16xi32>
          %gather3A_971 = tpu.vector_load_idx %arg5[%add3A_970, %broadcast_in_dim3A_880] : memref<128x201xi32, #tpu.memory_space<vmem>>[vector<16xi32>, vector<16xi32>], vector<16xi32>,
          %mul3A_972 = arith.constant 16 : i32
          %mul3A_973 = arith.muli %scan3A_966, %mul3A_972 : i32
          %swap3A_974 = arith.constant 0 : i32
          %swap3A_975 = arith.constant 1 : i32
          %swap3A_976 = arith.index_cast %swap3A_974 : i32 to index
          %swap3A_977 = arith.index_cast %swap3A_975 : i32 to index
          %swap3A_978 = arith.index_cast %mul3A_973 : i32 to index
          %swap3A_979 = tpu.vector_load %arg6[%swap3A_976, %swap3A_977, %swap3A_978] {strides = array<i32>} : memref<2x2x128xi32, #tpu.memory_space<vmem>>, vector<16xi32>,
          tpu.vector_store %arg6[%swap3A_976, %swap3A_977, %swap3A_978], %gather3A_971 {strides = array<i32>} : memref<2x2x128xi32, #tpu.memory_space<vmem>>, vector<16xi32>,
          %scan3A_980 = arith.constant 7 : i32
          %mul3A_981 = arith.constant 16 : i32
          %mul3A_982 = arith.muli %scan3A_980, %mul3A_981 : i32
          %add3A_983 = vector.broadcast %mul3A_982 : i32 to vector<16xi32>
          %add3A_984 = arith.addi %add3A_983, %iota3A : vector<16xi32>
          %gather3A_985 = tpu.vector_load_idx %arg5[%add3A_984, %broadcast_in_dim3A_880] : memref<128x201xi32, #tpu.memory_space<vmem>>[vector<16xi32>, vector<16xi32>], vector<16xi32>,
          %mul3A_986 = arith.constant 16 : i32
          %mul3A_987 = arith.muli %scan3A_980, %mul3A_986 : i32
          %swap3A_988 = arith.constant 0 : i32
          %swap3A_989 = arith.constant 1 : i32
          %swap3A_990 = arith.index_cast %swap3A_988 : i32 to index
          %swap3A_991 = arith.index_cast %swap3A_989 : i32 to index
          %swap3A_992 = arith.index_cast %mul3A_987 : i32 to index
          %swap3A_993 = tpu.vector_load %arg6[%swap3A_990, %swap3A_991, %swap3A_992] {strides = array<i32>} : memref<2x2x128xi32, #tpu.memory_space<vmem>>, vector<16xi32>,
          tpu.vector_store %arg6[%swap3A_990, %swap3A_991, %swap3A_992], %gather3A_985 {strides = array<i32>} : memref<2x2x128xi32, #tpu.memory_space<vmem>>, vector<16xi32>,
          %scan3A_994 = arith.constant 8 : i32
          %dma_start3A_995 = arith.constant 0 : i32
          %dma_start3A_996 = arith.constant 0 : i32
          %dma_start3A_997 = arith.constant 0 : i32
          %dma_start3A_998 = arith.constant 0 : i32
          %dma_start3A_999 = arith.constant 0 : i32
          %dma_start3A_1000 = arith.constant 0 : i32
          %dma_start3A_1001 = tpu.memref_slice %arg7[%dma_start3A_997, %dma_start3A_998, %dma_start3A_999, %dma_start3A_1000] : memref<2x2x128x64xf32, #tpu.memory_space<vmem>> -> memref<1x1x128x64xf32, #tpu.memory_space<vmem>>
          %dma_start3A_1002 = tpu.memref_squeeze %dma_start3A_1001 : memref<1x1x128x64xf32, #tpu.memory_space<vmem>> -> memref<128x64xf32, #tpu.memory_space<vmem>>
          %dma_start3A_1003 = arith.constant 0 : i32
          %dma_start3A_1004 = tpu.memref_slice %arg6[%dma_start3A_995, %dma_start3A_996, %dma_start3A_1003] : memref<2x2x128xi32, #tpu.memory_space<vmem>> -> memref<1x1x128xi32, #tpu.memory_space<vmem>>
          %dma_start3A_1005 = tpu.memref_squeeze %dma_start3A_1004 : memref<1x1x128xi32, #tpu.memory_space<vmem>> -> memref<128xi32, #tpu.memory_space<vmem>>
          %dma_start3A_1006 = arith.constant 0 : i32
          %dma_start3A_1007 = arith.constant 0 : i32
          %dma_start3A_1008 = tpu.memref_slice %arg2[%dma_start3A_1006, %dma_start3A_1007] : memref<1000000x64xf32, #tpu.memory_space<hbm>> -> memref<1000000x64xf32, #tpu.memory_space<hbm>>
          tpu.enqueue_indirect_dma source(%dma_start3A_1008 : memref<1000000x64xf32, #tpu.memory_space<hbm>>) target(%dma_start3A_1002 : memref<128x64xf32, #tpu.memory_space<vmem>>) offsets(%dma_start3A_1005 : memref<128xi32, #tpu.memory_space<vmem>>) semaphore(%arg9 : memref<!tpu.dma_semaphore, #tpu.memory_space<semaphore_mem>>)
          %dma_start3A_1009 = arith.constant 0 : i32
          %dma_start3A_1010 = arith.constant 1 : i32
          %dma_start3A_1011 = arith.constant 0 : i32
          %dma_start3A_1012 = arith.constant 1 : i32
          %dma_start3A_1013 = arith.constant 0 : i32
          %dma_start3A_1014 = arith.constant 0 : i32
          %dma_start3A_1015 = tpu.memref_slice %arg7[%dma_start3A_1011, %dma_start3A_1012, %dma_start3A_1013, %dma_start3A_1014] : memref<2x2x128x64xf32, #tpu.memory_space<vmem>> -> memref<1x1x128x64xf32, #tpu.memory_space<vmem>>
          %dma_start3A_1016 = tpu.memref_squeeze %dma_start3A_1015 : memref<1x1x128x64xf32, #tpu.memory_space<vmem>> -> memref<128x64xf32, #tpu.memory_space<vmem>>
          %dma_start3A_1017 = arith.constant 0 : i32
          %dma_start3A_1018 = tpu.memref_slice %arg6[%dma_start3A_1009, %dma_start3A_1010, %dma_start3A_1017] : memref<2x2x128xi32, #tpu.memory_space<vmem>> -> memref<1x1x128xi32, #tpu.memory_space<vmem>>
          %dma_start3A_1019 = tpu.memref_squeeze %dma_start3A_1018 : memref<1x1x128xi32, #tpu.memory_space<vmem>> -> memref<128xi32, #tpu.memory_space<vmem>>
          %dma_start3A_1020 = arith.constant 0 : i32
          %dma_start3A_1021 = arith.constant 0 : i32
          %dma_start3A_1022 = tpu.memref_slice %arg2[%dma_start3A_1020, %dma_start3A_1021] : memref<1000000x64xf32, #tpu.memory_space<hbm>> -> memref<1000000x64xf32, #tpu.memory_space<hbm>>
          tpu.enqueue_indirect_dma source(%dma_start3A_1022 : memref<1000000x64xf32, #tpu.memory_space<hbm>>) target(%dma_start3A_1016 : memref<128x64xf32, #tpu.memory_space<vmem>>) offsets(%dma_start3A_1019 : memref<128xi32, #tpu.memory_space<vmem>>) semaphore(%arg9 : memref<!tpu.dma_semaphore, #tpu.memory_space<semaphore_mem>>)
        } else {
        }
        %ge3A_711 = arith.constant 2 : i32
        %ge3A_712 = arith.cmpi sge, %add3A_675, %ge3A_711 : i32
        %convert_element_type3A_713 = arith.extui %ge3A_712 : i1 to i32
        %cond3A_714 = arith.constant 0 : i32
        %cond3A_715 = arith.cmpi ne, %convert_element_type3A_713, %cond3A_714 : i32
        scf.if %cond3A_715 {
          %dma_wait3A_755 = arith.constant 0 : i32
          %dma_wait3A_756 = arith.constant 0 : i32
          %dma_wait3A_757 = arith.constant 0 : i32
          %dma_wait3A_758 = arith.constant 0 : i32
          %dma_wait3A_759 = arith.constant 0 : i32
          %dma_wait3A_760 = arith.constant 0 : i32
          %dma_wait3A_761 = tpu.memref_slice %arg8[%dma_wait3A_755, %dma_wait3A_757, %dma_wait3A_758, %dma_wait3A_759, %dma_wait3A_760] : memref<2x2x8x8x129xf32, #tpu.memory_space<vmem>> -> memref<1x2x8x8x128xf32, #tpu.memory_space<vmem>>
          %dma_wait3A_762 = tpu.memref_squeeze %dma_wait3A_761 : memref<1x2x8x8x128xf32, #tpu.memory_space<vmem>> -> memref<2x8x8x128xf32, #tpu.memory_space<vmem>>
          %dma_wait3A_763 = arith.constant 0 : i32
          %dma_wait3A_764 = arith.constant 0 : i32
          %dma_wait3A_765 = arith.constant 0 : i32
          %dma_wait3A_766 = arith.constant 0 : i32
          %dma_wait3A_767 = tpu.memref_slice %arg4[%dma_wait3A_763, %dma_wait3A_764, %dma_wait3A_756, %dma_wait3A_765, %dma_wait3A_766] : memref<200x8x128x8x128xf32, #tpu.memory_space<hbm>> -> memref<2x8x1x8x128xf32, #tpu.memory_space<hbm>>
          %dma_wait3A_768 = tpu.memref_squeeze %dma_wait3A_767 : memref<2x8x1x8x128xf32, #tpu.memory_space<hbm>> -> memref<2x8x8x128xf32, #tpu.memory_space<hbm>>
          %dma_wait3A_769 = arith.constant 0 : i32
          %dma_wait3A_770 = arith.constant 0 : i32
          %dma_wait3A_771 = arith.constant 0 : i32
          %dma_wait3A_772 = arith.constant 0 : i32
          %dma_wait3A_773 = tpu.memref_slice %arg4[%dma_wait3A_769, %dma_wait3A_770, %dma_wait3A_756, %dma_wait3A_771, %dma_wait3A_772] : memref<200x8x128x8x128xf32, #tpu.memory_space<hbm>> -> memref<2x8x1x8x128xf32, #tpu.memory_space<hbm>>
          %dma_wait3A_774 = tpu.memref_squeeze %dma_wait3A_773 : memref<2x8x1x8x128xf32, #tpu.memory_space<hbm>> -> memref<2x8x8x128xf32, #tpu.memory_space<hbm>>
          %dma_wait3A_775 = arith.constant 0 : i32
          %dma_wait3A_776 = arith.constant 0 : i32
          %dma_wait3A_777 = arith.constant 0 : i32
          %dma_wait3A_778 = arith.constant 0 : i32
          %dma_wait3A_779 = tpu.memref_slice %arg8[%dma_wait3A_755, %dma_wait3A_775, %dma_wait3A_776, %dma_wait3A_777, %dma_wait3A_778] : memref<2x2x8x8x129xf32, #tpu.memory_space<vmem>> -> memref<1x2x8x8x128xf32, #tpu.memory_space<vmem>>
          %dma_wait3A_780 = tpu.memref_squeeze %dma_wait3A_779 : memref<1x2x8x8x128xf32, #tpu.memory_space<vmem>> -> memref<2x8x8x128xf32, #tpu.memory_space<vmem>>
          tpu.wait_dma2 semaphore(%arg10 : memref<!tpu.dma_semaphore, #tpu.memory_space<semaphore_mem>>) src(%dma_wait3A_780 : memref<2x8x8x128xf32, #tpu.memory_space<vmem>>) dst(%dma_wait3A_774 : memref<2x8x8x128xf32, #tpu.memory_space<hbm>>)
        } else {
        }
        %parallel_loop3A_716 = arith.constant 0 : i32
        %parallel_loop3A_717 = arith.constant 128 : i32
        %parallel_loop3A_718 = arith.constant 1 : i32
        %parallel_loop3A_719 = arith.constant 1 : i32
        %parallel_loop3A_720 = arith.constant 0 : i32
        %parallel_loop3A_721 = arith.constant 1 : i32
        %parallel_loop3A_722 = arith.constant 0 : i32
        scf.for %parallel_loop3A_755 = %parallel_loop3A_716 to %parallel_loop3A_717 step %parallel_loop3A_718  : i32 {
          %parallel_loop3A_756 = vector.broadcast %parallel_loop3A_755 : i32 to vector<16xi32>
          %parallel_loop3A_757 = arith.constant 0 : i32
          %parallel_loop3A_758 = arith.constant 0 : i32
          %parallel_loop3A_759 = tpu.memref_slice %arg7[%parallel_loop3A_719, %parallel_loop3A_720, %parallel_loop3A_757, %parallel_loop3A_758] : memref<2x2x128x64xf32, #tpu.memory_space<vmem>> -> memref<1x1x128x64xf32, #tpu.memory_space<vmem>>
          %parallel_loop3A_760 = tpu.memref_squeeze %parallel_loop3A_759 : memref<1x1x128x64xf32, #tpu.memory_space<vmem>> -> memref<128x64xf32, #tpu.memory_space<vmem>>
          %parallel_loop3A_761 = arith.index_cast %parallel_loop3A_755 : i32 to index
          %parallel_loop3A_762 = arith.constant 0 : index
          %parallel_loop3A_763 = tpu.vector_load %parallel_loop3A_760[%parallel_loop3A_761, %parallel_loop3A_762] {strides = array<i32>} : memref<128x64xf32, #tpu.memory_space<vmem>>, vector<16xf32>,
          %parallel_loop3A_764 = arith.constant 0 : i32
          %parallel_loop3A_765 = arith.constant 0 : i32
          %parallel_loop3A_766 = arith.constant 0 : i32
          %parallel_loop3A_767 = tpu.memref_slice %arg8[%parallel_loop3A_721, %parallel_loop3A_722, %parallel_loop3A_764, %parallel_loop3A_765, %parallel_loop3A_766] : memref<2x2x8x8x129xf32, #tpu.memory_space<vmem>> -> memref<1x1x8x8x129xf32, #tpu.memory_space<vmem>>
          %parallel_loop3A_768 = tpu.memref_squeeze %parallel_loop3A_767 : memref<1x1x8x8x129xf32, #tpu.memory_space<vmem>> -> memref<8x8x129xf32, #tpu.memory_space<vmem>>
          tpu.vector_store_idx %parallel_loop3A_768[%select_n3A, %sub3A_61, %parallel_loop3A_756], %parallel_loop3A_763 : memref<8x8x129xf32, #tpu.memory_space<vmem>>[vector<16xi32>, vector<16xi32>, vector<16xi32>], vector<16xf32>,
          %parallel_loop3A_769 = arith.constant 0 : i32
          %parallel_loop3A_770 = arith.constant 0 : i32
          %parallel_loop3A_771 = tpu.memref_slice %arg7[%parallel_loop3A_719, %parallel_loop3A_720, %parallel_loop3A_769, %parallel_loop3A_770] : memref<2x2x128x64xf32, #tpu.memory_space<vmem>> -> memref<1x1x128x64xf32, #tpu.memory_space<vmem>>
          %parallel_loop3A_772 = tpu.memref_squeeze %parallel_loop3A_771 : memref<1x1x128x64xf32, #tpu.memory_space<vmem>> -> memref<128x64xf32, #tpu.memory_space<vmem>>
          %parallel_loop3A_773 = arith.index_cast %parallel_loop3A_755 : i32 to index
          %parallel_loop3A_774 = arith.constant 16 : index
          %parallel_loop3A_775 = tpu.vector_load %parallel_loop3A_772[%parallel_loop3A_773, %parallel_loop3A_774] {strides = array<i32>} : memref<128x64xf32, #tpu.memory_space<vmem>>, vector<16xf32>,
          %parallel_loop3A_776 = arith.constant 0 : i32
          %parallel_loop3A_777 = arith.constant 0 : i32
          %parallel_loop3A_778 = arith.constant 0 : i32
          %parallel_loop3A_779 = tpu.memref_slice %arg8[%parallel_loop3A_721, %parallel_loop3A_722, %parallel_loop3A_776, %parallel_loop3A_777, %parallel_loop3A_778] : memref<2x2x8x8x129xf32, #tpu.memory_space<vmem>> -> memref<1x1x8x8x129xf32, #tpu.memory_space<vmem>>
          %parallel_loop3A_780 = tpu.memref_squeeze %parallel_loop3A_779 : memref<1x1x8x8x129xf32, #tpu.memory_space<vmem>> -> memref<8x8x129xf32, #tpu.memory_space<vmem>>
          tpu.vector_store_idx %parallel_loop3A_780[%select_n3A_95, %sub3A_130, %parallel_loop3A_756], %parallel_loop3A_775 : memref<8x8x129xf32, #tpu.memory_space<vmem>>[vector<16xi32>, vector<16xi32>, vector<16xi32>], vector<16xf32>,
          %parallel_loop3A_781 = arith.constant 0 : i32
          %parallel_loop3A_782 = arith.constant 0 : i32
          %parallel_loop3A_783 = tpu.memref_slice %arg7[%parallel_loop3A_719, %parallel_loop3A_720, %parallel_loop3A_781, %parallel_loop3A_782] : memref<2x2x128x64xf32, #tpu.memory_space<vmem>> -> memref<1x1x128x64xf32, #tpu.memory_space<vmem>>
          %parallel_loop3A_784 = tpu.memref_squeeze %parallel_loop3A_783 : memref<1x1x128x64xf32, #tpu.memory_space<vmem>> -> memref<128x64xf32, #tpu.memory_space<vmem>>
          %parallel_loop3A_785 = arith.index_cast %parallel_loop3A_755 : i32 to index
          %parallel_loop3A_786 = arith.constant 32 : index
          %parallel_loop3A_787 = tpu.vector_load %parallel_loop3A_784[%parallel_loop3A_785, %parallel_loop3A_786] {strides = array<i32>} : memref<128x64xf32, #tpu.memory_space<vmem>>, vector<16xf32>,
          %parallel_loop3A_788 = arith.constant 0 : i32
          %parallel_loop3A_789 = arith.constant 0 : i32
          %parallel_loop3A_790 = arith.constant 0 : i32
          %parallel_loop3A_791 = tpu.memref_slice %arg8[%parallel_loop3A_721, %parallel_loop3A_722, %parallel_loop3A_788, %parallel_loop3A_789, %parallel_loop3A_790] : memref<2x2x8x8x129xf32, #tpu.memory_space<vmem>> -> memref<1x1x8x8x129xf32, #tpu.memory_space<vmem>>
          %parallel_loop3A_792 = tpu.memref_squeeze %parallel_loop3A_791 : memref<1x1x8x8x129xf32, #tpu.memory_space<vmem>> -> memref<8x8x129xf32, #tpu.memory_space<vmem>>
          tpu.vector_store_idx %parallel_loop3A_792[%select_n3A_164, %sub3A_199, %parallel_loop3A_756], %parallel_loop3A_787 : memref<8x8x129xf32, #tpu.memory_space<vmem>>[vector<16xi32>, vector<16xi32>, vector<16xi32>], vector<16xf32>,
          %parallel_loop3A_793 = arith.constant 0 : i32
          %parallel_loop3A_794 = arith.constant 0 : i32
          %parallel_loop3A_795 = tpu.memref_slice %arg7[%parallel_loop3A_719, %parallel_loop3A_720, %parallel_loop3A_793, %parallel_loop3A_794] : memref<2x2x128x64xf32, #tpu.memory_space<vmem>> -> memref<1x1x128x64xf32, #tpu.memory_space<vmem>>
          %parallel_loop3A_796 = tpu.memref_squeeze %parallel_loop3A_795 : memref<1x1x128x64xf32, #tpu.memory_space<vmem>> -> memref<128x64xf32, #tpu.memory_space<vmem>>
          %parallel_loop3A_797 = arith.index_cast %parallel_loop3A_755 : i32 to index
          %parallel_loop3A_798 = arith.constant 48 : index
          %parallel_loop3A_799 = tpu.vector_load %parallel_loop3A_796[%parallel_loop3A_797, %parallel_loop3A_798] {strides = array<i32>} : memref<128x64xf32, #tpu.memory_space<vmem>>, vector<16xf32>,
          %parallel_loop3A_800 = arith.constant 0 : i32
          %parallel_loop3A_801 = arith.constant 0 : i32
          %parallel_loop3A_802 = arith.constant 0 : i32
          %parallel_loop3A_803 = tpu.memref_slice %arg8[%parallel_loop3A_721, %parallel_loop3A_722, %parallel_loop3A_800, %parallel_loop3A_801, %parallel_loop3A_802] : memref<2x2x8x8x129xf32, #tpu.memory_space<vmem>> -> memref<1x1x8x8x129xf32, #tpu.memory_space<vmem>>
          %parallel_loop3A_804 = tpu.memref_squeeze %parallel_loop3A_803 : memref<1x1x8x8x129xf32, #tpu.memory_space<vmem>> -> memref<8x8x129xf32, #tpu.memory_space<vmem>>
          tpu.vector_store_idx %parallel_loop3A_804[%select_n3A_233, %sub3A_268, %parallel_loop3A_756], %parallel_loop3A_799 : memref<8x8x129xf32, #tpu.memory_space<vmem>>[vector<16xi32>, vector<16xi32>, vector<16xi32>], vector<16xf32>,
        } {sc.loop_unroll_factor = 4 : i64, sc.parallel_access}
        %parallel_loop3A_723 = arith.constant 0 : i32
        %parallel_loop3A_724 = arith.constant 128 : i32
        %parallel_loop3A_725 = arith.constant 1 : i32
        %parallel_loop3A_726 = arith.constant 1 : i32
        %parallel_loop3A_727 = arith.constant 1 : i32
        %parallel_loop3A_728 = arith.constant 1 : i32
        %parallel_loop3A_729 = arith.constant 1 : i32
        scf.for %parallel_loop3A_755 = %parallel_loop3A_723 to %parallel_loop3A_724 step %parallel_loop3A_725  : i32 {
          %parallel_loop3A_756 = vector.broadcast %parallel_loop3A_755 : i32 to vector<16xi32>
          %parallel_loop3A_757 = arith.constant 0 : i32
          %parallel_loop3A_758 = arith.constant 0 : i32
          %parallel_loop3A_759 = tpu.memref_slice %arg7[%parallel_loop3A_726, %parallel_loop3A_727, %parallel_loop3A_757, %parallel_loop3A_758] : memref<2x2x128x64xf32, #tpu.memory_space<vmem>> -> memref<1x1x128x64xf32, #tpu.memory_space<vmem>>
          %parallel_loop3A_760 = tpu.memref_squeeze %parallel_loop3A_759 : memref<1x1x128x64xf32, #tpu.memory_space<vmem>> -> memref<128x64xf32, #tpu.memory_space<vmem>>
          %parallel_loop3A_761 = arith.index_cast %parallel_loop3A_755 : i32 to index
          %parallel_loop3A_762 = arith.constant 0 : index
          %parallel_loop3A_763 = tpu.vector_load %parallel_loop3A_760[%parallel_loop3A_761, %parallel_loop3A_762] {strides = array<i32>} : memref<128x64xf32, #tpu.memory_space<vmem>>, vector<16xf32>,
          %parallel_loop3A_764 = arith.constant 0 : i32
          %parallel_loop3A_765 = arith.constant 0 : i32
          %parallel_loop3A_766 = arith.constant 0 : i32
          %parallel_loop3A_767 = tpu.memref_slice %arg8[%parallel_loop3A_728, %parallel_loop3A_729, %parallel_loop3A_764, %parallel_loop3A_765, %parallel_loop3A_766] : memref<2x2x8x8x129xf32, #tpu.memory_space<vmem>> -> memref<1x1x8x8x129xf32, #tpu.memory_space<vmem>>
          %parallel_loop3A_768 = tpu.memref_squeeze %parallel_loop3A_767 : memref<1x1x8x8x129xf32, #tpu.memory_space<vmem>> -> memref<8x8x129xf32, #tpu.memory_space<vmem>>
          tpu.vector_store_idx %parallel_loop3A_768[%select_n3A, %sub3A_61, %parallel_loop3A_756], %parallel_loop3A_763 : memref<8x8x129xf32, #tpu.memory_space<vmem>>[vector<16xi32>, vector<16xi32>, vector<16xi32>], vector<16xf32>,
          %parallel_loop3A_769 = arith.constant 0 : i32
          %parallel_loop3A_770 = arith.constant 0 : i32
          %parallel_loop3A_771 = tpu.memref_slice %arg7[%parallel_loop3A_726, %parallel_loop3A_727, %parallel_loop3A_769, %parallel_loop3A_770] : memref<2x2x128x64xf32, #tpu.memory_space<vmem>> -> memref<1x1x128x64xf32, #tpu.memory_space<vmem>>
          %parallel_loop3A_772 = tpu.memref_squeeze %parallel_loop3A_771 : memref<1x1x128x64xf32, #tpu.memory_space<vmem>> -> memref<128x64xf32, #tpu.memory_space<vmem>>
          %parallel_loop3A_773 = arith.index_cast %parallel_loop3A_755 : i32 to index
          %parallel_loop3A_774 = arith.constant 16 : index
          %parallel_loop3A_775 = tpu.vector_load %parallel_loop3A_772[%parallel_loop3A_773, %parallel_loop3A_774] {strides = array<i32>} : memref<128x64xf32, #tpu.memory_space<vmem>>, vector<16xf32>,
          %parallel_loop3A_776 = arith.constant 0 : i32
          %parallel_loop3A_777 = arith.constant 0 : i32
          %parallel_loop3A_778 = arith.constant 0 : i32
          %parallel_loop3A_779 = tpu.memref_slice %arg8[%parallel_loop3A_728, %parallel_loop3A_729, %parallel_loop3A_776, %parallel_loop3A_777, %parallel_loop3A_778] : memref<2x2x8x8x129xf32, #tpu.memory_space<vmem>> -> memref<1x1x8x8x129xf32, #tpu.memory_space<vmem>>
          %parallel_loop3A_780 = tpu.memref_squeeze %parallel_loop3A_779 : memref<1x1x8x8x129xf32, #tpu.memory_space<vmem>> -> memref<8x8x129xf32, #tpu.memory_space<vmem>>
          tpu.vector_store_idx %parallel_loop3A_780[%select_n3A_95, %sub3A_130, %parallel_loop3A_756], %parallel_loop3A_775 : memref<8x8x129xf32, #tpu.memory_space<vmem>>[vector<16xi32>, vector<16xi32>, vector<16xi32>], vector<16xf32>,
          %parallel_loop3A_781 = arith.constant 0 : i32
          %parallel_loop3A_782 = arith.constant 0 : i32
          %parallel_loop3A_783 = tpu.memref_slice %arg7[%parallel_loop3A_726, %parallel_loop3A_727, %parallel_loop3A_781, %parallel_loop3A_782] : memref<2x2x128x64xf32, #tpu.memory_space<vmem>> -> memref<1x1x128x64xf32, #tpu.memory_space<vmem>>
          %parallel_loop3A_784 = tpu.memref_squeeze %parallel_loop3A_783 : memref<1x1x128x64xf32, #tpu.memory_space<vmem>> -> memref<128x64xf32, #tpu.memory_space<vmem>>
          %parallel_loop3A_785 = arith.index_cast %parallel_loop3A_755 : i32 to index
          %parallel_loop3A_786 = arith.constant 32 : index
          %parallel_loop3A_787 = tpu.vector_load %parallel_loop3A_784[%parallel_loop3A_785, %parallel_loop3A_786] {strides = array<i32>} : memref<128x64xf32, #tpu.memory_space<vmem>>, vector<16xf32>,
          %parallel_loop3A_788 = arith.constant 0 : i32
          %parallel_loop3A_789 = arith.constant 0 : i32
          %parallel_loop3A_790 = arith.constant 0 : i32
          %parallel_loop3A_791 = tpu.memref_slice %arg8[%parallel_loop3A_728, %parallel_loop3A_729, %parallel_loop3A_788, %parallel_loop3A_789, %parallel_loop3A_790] : memref<2x2x8x8x129xf32, #tpu.memory_space<vmem>> -> memref<1x1x8x8x129xf32, #tpu.memory_space<vmem>>
          %parallel_loop3A_792 = tpu.memref_squeeze %parallel_loop3A_791 : memref<1x1x8x8x129xf32, #tpu.memory_space<vmem>> -> memref<8x8x129xf32, #tpu.memory_space<vmem>>
          tpu.vector_store_idx %parallel_loop3A_792[%select_n3A_164, %sub3A_199, %parallel_loop3A_756], %parallel_loop3A_787 : memref<8x8x129xf32, #tpu.memory_space<vmem>>[vector<16xi32>, vector<16xi32>, vector<16xi32>], vector<16xf32>,
          %parallel_loop3A_793 = arith.constant 0 : i32
          %parallel_loop3A_794 = arith.constant 0 : i32
          %parallel_loop3A_795 = tpu.memref_slice %arg7[%parallel_loop3A_726, %parallel_loop3A_727, %parallel_loop3A_793, %parallel_loop3A_794] : memref<2x2x128x64xf32, #tpu.memory_space<vmem>> -> memref<1x1x128x64xf32, #tpu.memory_space<vmem>>
          %parallel_loop3A_796 = tpu.memref_squeeze %parallel_loop3A_795 : memref<1x1x128x64xf32, #tpu.memory_space<vmem>> -> memref<128x64xf32, #tpu.memory_space<vmem>>
          %parallel_loop3A_797 = arith.index_cast %parallel_loop3A_755 : i32 to index
          %parallel_loop3A_798 = arith.constant 48 : index
          %parallel_loop3A_799 = tpu.vector_load %parallel_loop3A_796[%parallel_loop3A_797, %parallel_loop3A_798] {strides = array<i32>} : memref<128x64xf32, #tpu.memory_space<vmem>>, vector<16xf32>,
          %parallel_loop3A_800 = arith.constant 0 : i32
          %parallel_loop3A_801 = arith.constant 0 : i32
          %parallel_loop3A_802 = arith.constant 0 : i32
          %parallel_loop3A_803 = tpu.memref_slice %arg8[%parallel_loop3A_728, %parallel_loop3A_729, %parallel_loop3A_800, %parallel_loop3A_801, %parallel_loop3A_802] : memref<2x2x8x8x129xf32, #tpu.memory_space<vmem>> -> memref<1x1x8x8x129xf32, #tpu.memory_space<vmem>>
          %parallel_loop3A_804 = tpu.memref_squeeze %parallel_loop3A_803 : memref<1x1x8x8x129xf32, #tpu.memory_space<vmem>> -> memref<8x8x129xf32, #tpu.memory_space<vmem>>
          tpu.vector_store_idx %parallel_loop3A_804[%select_n3A_233, %sub3A_268, %parallel_loop3A_756], %parallel_loop3A_799 : memref<8x8x129xf32, #tpu.memory_space<vmem>>[vector<16xi32>, vector<16xi32>, vector<16xi32>], vector<16xf32>,
        } {sc.loop_unroll_factor = 4 : i64, sc.parallel_access}
        %mul3A_730 = arith.constant 2 : i32
        %mul3A_731 = arith.muli %add3A_675, %mul3A_730 : i32
        %dma_start3A_732 = arith.constant 1 : i32
        %dma_start3A_733 = arith.constant 0 : i32
        %dma_start3A_734 = arith.constant 0 : i32
        %dma_start3A_735 = arith.constant 0 : i32
        %dma_start3A_736 = arith.constant 0 : i32
        %dma_start3A_737 = tpu.memref_slice %arg8[%dma_start3A_732, %dma_start3A_733, %dma_start3A_734, %dma_start3A_735, %dma_start3A_736] : memref<2x2x8x8x129xf32, #tpu.memory_space<vmem>> -> memref<1x2x8x8x128xf32, #tpu.memory_space<vmem>>
        %dma_start3A_738 = tpu.memref_squeeze %dma_start3A_737 : memref<1x2x8x8x128xf32, #tpu.memory_space<vmem>> -> memref<2x8x8x128xf32, #tpu.memory_space<vmem>>
        %dma_start3A_739 = arith.constant 0 : i32
        %dma_start3A_740 = arith.constant 0 : i32
        %dma_start3A_741 = arith.constant 0 : i32
        %dma_start3A_742 = tpu.memref_slice %arg4[%mul3A_731, %dma_start3A_739, %add3A_277, %dma_start3A_740, %dma_start3A_741] : memref<200x8x128x8x128xf32, #tpu.memory_space<hbm>> -> memref<2x8x1x8x128xf32, #tpu.memory_space<hbm>>
        %dma_start3A_743 = tpu.memref_squeeze %dma_start3A_742 : memref<2x8x1x8x128xf32, #tpu.memory_space<hbm>> -> memref<2x8x8x128xf32, #tpu.memory_space<hbm>>
        %dma_start3A_744 = arith.constant 0 : i32
        %dma_start3A_745 = arith.constant 0 : i32
        %dma_start3A_746 = arith.constant 0 : i32
        %dma_start3A_747 = tpu.memref_slice %arg4[%mul3A_731, %dma_start3A_744, %add3A_277, %dma_start3A_745, %dma_start3A_746] : memref<200x8x128x8x128xf32, #tpu.memory_space<hbm>> -> memref<2x8x1x8x128xf32, #tpu.memory_space<hbm>>
        %dma_start3A_748 = tpu.memref_squeeze %dma_start3A_747 : memref<2x8x1x8x128xf32, #tpu.memory_space<hbm>> -> memref<2x8x8x128xf32, #tpu.memory_space<hbm>>
        %dma_start3A_749 = arith.constant 0 : i32
        %dma_start3A_750 = arith.constant 0 : i32
        %dma_start3A_751 = arith.constant 0 : i32
        %dma_start3A_752 = arith.constant 0 : i32
        %dma_start3A_753 = tpu.memref_slice %arg8[%dma_start3A_732, %dma_start3A_749, %dma_start3A_750, %dma_start3A_751, %dma_start3A_752] : memref<2x2x8x8x129xf32, #tpu.memory_space<vmem>> -> memref<1x2x8x8x128xf32, #tpu.memory_space<vmem>>
        %dma_start3A_754 = tpu.memref_squeeze %dma_start3A_753 : memref<1x2x8x8x128xf32, #tpu.memory_space<vmem>> -> memref<2x8x8x128xf32, #tpu.memory_space<vmem>>
        tpu.enqueue_dma source(%dma_start3A_754 : memref<2x8x8x128xf32, #tpu.memory_space<vmem>>) target(%dma_start3A_748 : memref<2x8x8x128xf32, #tpu.memory_space<hbm>>) target_semaphore(%arg10 : memref<!tpu.dma_semaphore, #tpu.memory_space<semaphore_mem>>)
      }
      %scan3A_541 = arith.constant 50 : i32
      %dma_wait3A = arith.constant 0 : i32
      %dma_wait3A_542 = arith.constant 0 : i32
      %dma_wait3A_543 = arith.constant 0 : i32
      %dma_wait3A_544 = arith.constant 0 : i32
      %dma_wait3A_545 = arith.constant 0 : i32
      %dma_wait3A_546 = arith.constant 0 : i32
      %dma_wait3A_547 = tpu.memref_slice %arg8[%dma_wait3A, %dma_wait3A_543, %dma_wait3A_544, %dma_wait3A_545, %dma_wait3A_546] : memref<2x2x8x8x129xf32, #tpu.memory_space<vmem>> -> memref<1x2x8x8x128xf32, #tpu.memory_space<vmem>>
      %dma_wait3A_548 = tpu.memref_squeeze %dma_wait3A_547 : memref<1x2x8x8x128xf32, #tpu.memory_space<vmem>> -> memref<2x8x8x128xf32, #tpu.memory_space<vmem>>
      %dma_wait3A_549 = arith.constant 0 : i32
      %dma_wait3A_550 = arith.constant 0 : i32
      %dma_wait3A_551 = arith.constant 0 : i32
      %dma_wait3A_552 = arith.constant 0 : i32
      %dma_wait3A_553 = tpu.memref_slice %arg4[%dma_wait3A_549, %dma_wait3A_550, %dma_wait3A_542, %dma_wait3A_551, %dma_wait3A_552] : memref<200x8x128x8x128xf32, #tpu.memory_space<hbm>> -> memref<2x8x1x8x128xf32, #tpu.memory_space<hbm>>
      %dma_wait3A_554 = tpu.memref_squeeze %dma_wait3A_553 : memref<2x8x1x8x128xf32, #tpu.memory_space<hbm>> -> memref<2x8x8x128xf32, #tpu.memory_space<hbm>>
      %dma_wait3A_555 = arith.constant 0 : i32
      %dma_wait3A_556 = arith.constant 0 : i32
      %dma_wait3A_557 = arith.constant 0 : i32
      %dma_wait3A_558 = arith.constant 0 : i32
      %dma_wait3A_559 = tpu.memref_slice %arg4[%dma_wait3A_555, %dma_wait3A_556, %dma_wait3A_542, %dma_wait3A_557, %dma_wait3A_558] : memref<200x8x128x8x128xf32, #tpu.memory_space<hbm>> -> memref<2x8x1x8x128xf32, #tpu.memory_space<hbm>>
      %dma_wait3A_560 = tpu.memref_squeeze %dma_wait3A_559 : memref<2x8x1x8x128xf32, #tpu.memory_space<hbm>> -> memref<2x8x8x128xf32, #tpu.memory_space<hbm>>
      %dma_wait3A_561 = arith.constant 0 : i32
      %dma_wait3A_562 = arith.constant 0 : i32
      %dma_wait3A_563 = arith.constant 0 : i32
      %dma_wait3A_564 = arith.constant 0 : i32
      %dma_wait3A_565 = tpu.memref_slice %arg8[%dma_wait3A, %dma_wait3A_561, %dma_wait3A_562, %dma_wait3A_563, %dma_wait3A_564] : memref<2x2x8x8x129xf32, #tpu.memory_space<vmem>> -> memref<1x2x8x8x128xf32, #tpu.memory_space<vmem>>
      %dma_wait3A_566 = tpu.memref_squeeze %dma_wait3A_565 : memref<1x2x8x8x128xf32, #tpu.memory_space<vmem>> -> memref<2x8x8x128xf32, #tpu.memory_space<vmem>>
      tpu.wait_dma2 semaphore(%arg10 : memref<!tpu.dma_semaphore, #tpu.memory_space<semaphore_mem>>) src(%dma_wait3A_566 : memref<2x8x8x128xf32, #tpu.memory_space<vmem>>) dst(%dma_wait3A_560 : memref<2x8x8x128xf32, #tpu.memory_space<hbm>>)
      %dma_wait3A_567 = arith.constant 0 : i32
      %dma_wait3A_568 = arith.constant 0 : i32
      %dma_wait3A_569 = arith.constant 0 : i32
      %dma_wait3A_570 = arith.constant 0 : i32
      %dma_wait3A_571 = arith.constant 0 : i32
      %dma_wait3A_572 = arith.constant 0 : i32
      %dma_wait3A_573 = tpu.memref_slice %arg8[%dma_wait3A_567, %dma_wait3A_569, %dma_wait3A_570, %dma_wait3A_571, %dma_wait3A_572] : memref<2x2x8x8x129xf32, #tpu.memory_space<vmem>> -> memref<1x2x8x8x128xf32, #tpu.memory_space<vmem>>
      %dma_wait3A_574 = tpu.memref_squeeze %dma_wait3A_573 : memref<1x2x8x8x128xf32, #tpu.memory_space<vmem>> -> memref<2x8x8x128xf32, #tpu.memory_space<vmem>>
      %dma_wait3A_575 = arith.constant 0 : i32
      %dma_wait3A_576 = arith.constant 0 : i32
      %dma_wait3A_577 = arith.constant 0 : i32
      %dma_wait3A_578 = arith.constant 0 : i32
      %dma_wait3A_579 = tpu.memref_slice %arg4[%dma_wait3A_575, %dma_wait3A_576, %dma_wait3A_568, %dma_wait3A_577, %dma_wait3A_578] : memref<200x8x128x8x128xf32, #tpu.memory_space<hbm>> -> memref<2x8x1x8x128xf32, #tpu.memory_space<hbm>>
      %dma_wait3A_580 = tpu.memref_squeeze %dma_wait3A_579 : memref<2x8x1x8x128xf32, #tpu.memory_space<hbm>> -> memref<2x8x8x128xf32, #tpu.memory_space<hbm>>
      %dma_wait3A_581 = arith.constant 0 : i32
      %dma_wait3A_582 = arith.constant 0 : i32
      %dma_wait3A_583 = arith.constant 0 : i32
      %dma_wait3A_584 = arith.constant 0 : i32
      %dma_wait3A_585 = tpu.memref_slice %arg4[%dma_wait3A_581, %dma_wait3A_582, %dma_wait3A_568, %dma_wait3A_583, %dma_wait3A_584] : memref<200x8x128x8x128xf32, #tpu.memory_space<hbm>> -> memref<2x8x1x8x128xf32, #tpu.memory_space<hbm>>
      %dma_wait3A_586 = tpu.memref_squeeze %dma_wait3A_585 : memref<2x8x1x8x128xf32, #tpu.memory_space<hbm>> -> memref<2x8x8x128xf32, #tpu.memory_space<hbm>>
      %dma_wait3A_587 = arith.constant 0 : i32
      %dma_wait3A_588 = arith.constant 0 : i32
      %dma_wait3A_589 = arith.constant 0 : i32
      %dma_wait3A_590 = arith.constant 0 : i32
      %dma_wait3A_591 = tpu.memref_slice %arg8[%dma_wait3A_567, %dma_wait3A_587, %dma_wait3A_588, %dma_wait3A_589, %dma_wait3A_590] : memref<2x2x8x8x129xf32, #tpu.memory_space<vmem>> -> memref<1x2x8x8x128xf32, #tpu.memory_space<vmem>>
      %dma_wait3A_592 = tpu.memref_squeeze %dma_wait3A_591 : memref<1x2x8x8x128xf32, #tpu.memory_space<vmem>> -> memref<2x8x8x128xf32, #tpu.memory_space<vmem>>
      tpu.wait_dma2 semaphore(%arg10 : memref<!tpu.dma_semaphore, #tpu.memory_space<semaphore_mem>>) src(%dma_wait3A_592 : memref<2x8x8x128xf32, #tpu.memory_space<vmem>>) dst(%dma_wait3A_586 : memref<2x8x8x128xf32, #tpu.memory_space<hbm>>)
    }
    %scan3A_273 = arith.constant 4 : i32
    return
  }
}

</mosaic_0001>

<sc_bundles>
// kernel: kernel.3.cloned.1.call-start
scs
__scs_entry_jumppad:
0x0: {  	(pc) =	sbr.rel $0x88, $3  }
0x1: {  	(tag) =	ssettag $0x0;
	lr =	simm.s32 $0x1  }
0x2: {  	[smem:$0x3F9F] =	sst lr;
	_ =	strace $0xD0000000  }
0x3: {  	_ = 	snop  }
0x4: {  	_ = 	snop  }
0x5: {  	_ = 	snop  }
0x6: {  	_ = 	snop  }
0x7: {  	_ = 	snop  }
__scs_overlays_trampoline_lowered:
0x8: {  	[smem:$0x3FAE] =	sst s0  }
0x9: {  	[smem:$0x3FAF] =	sst s1  }
0xa: {  	[smem:$0x3FB0] =	sst s2  }
0xb: {  	[smem:$0x3FB1] =	sst s3  }
0xc: {  	[smem:$0x3FB2] =	sst s4  }
0xd: {  	[smem:$0x3FB3] =	sst s5  }
0xe: {  	[smem:$0x3FB4] =	sst s6  }
0xf: {  	[smem:$0x3FB5] =	sst s7  }
0x10: {  	[smem:$0x3FB6] =	sst s8  }
0x11: {  	[smem:$0x3FB7] =	sst s9;
	s0 =	simm.s32 @!p0 $0x0  }
0x12: {  	s1 =	sld [smem:$0x3F9D];
	s0 =	simm.s32 @p0 $0x1  }
0x13: {  	[smem:$0x3FB8] =	sst s0;
	s0 =	simm.s32 @!p1 $0x0  }
0x14: {  	s2 =	sld [smem:$0x3F9C];
	s0 =	simm.s32 @p1 $0x1  }
0x15: {  	[smem:$0x3FB9] =	sst s0;
	s0 =	simm.s32 @!p2 $0x0  }
0x16: {  	s3 =	sld [smem:$0x3FDB];
	s0 =	simm.s32 @p2 $0x1  }
0x17: {  	s4 =	simm.s32 $0x1BF5;
	[smem:$0x3FBB] =	sst s0  }
0x18: {  	s0 =	sld [smem:$0x3F9E];
	_ =	swait.ge [sflag:s4], $0x0  }
0x19: {  	s7 =	sld [smem:$0x3F9F]  }
0x1a: {  	s8 =	sadd.s32 $0xFFFFE003, lr  }
0x1b: {  	s9 =	sadd.s32 $0xFFFFFEF7, lr;
	s5 =	simm.s32 $0xFFFFFFFF;
	p2 =	slt.u32 s8, $0xFFFFF086  }
0x1c: {  	p1 =	slt.u32 s9, $0xF7A;
	s5 =	simm.s32 @!p2 $0x0  }
0x1d: {  	s5 =	simm.s32 @p1 $0x1;
	p0 =	seq.s32 s7, s2  }
0x1e: {  	s7 =	smul.u32 @!p0 $0xF7A, s2;
	p2 =	seq.s32 @!p0 s5, $0x0  }
0x1f: {  	s9 =	smul.u32 $0xF7A, s1;
	s8 =	simm.s32 @!p0 $0x1BF5;
	p2 =	por !p2, p0  }
0x20: {  	[sflag:s8] =	ssyncset.s32 @!p0 $0xFFFFF086;
	s6 =	sadd.s32 @!p0 s3, s7;
	s7 =	simm.s32 @!p0 $0x108  }
0x21: {  	s3 =	sadd.s32 s3, s9;
	s6 =	sadd.s32 @!p0 $0x88, s6;
	s7 =	simm.s32 @p2 $0x1082  }
0x22: {  	[simem:s7], [sflag:s8] =	dma.local @!p0 [hbm:s6], $0xF7A  }
0x23: {  	s9 =	sor.u32 $0xD0000000, s2;
	s6 =	simm.s32 $0x108;
	_ =	swait.ge @!p0 [sflag:s8], $0x0  }
0x24: {  	s3 =	sadd.s32 $0x88, s3;
	s6 =	simm.s32 @!p1 $0x1082;
	[sflag:s4] =	ssyncset.s32 $0xFFFFF086  }
0x25: {  	[simem:s6], [sflag:s4] =	dma.local [hbm:s3], $0xF7A  }
0x26: {  	[smem:$0x3F9F] =	sst s1;
	(tag) =	ssettag s2;
	_ =	strace s9  }
0x27: {  	s1 =	sld [smem:$0x3FAF]  }
0x28: {  	s2 =	sld [smem:$0x3FB0]  }
0x29: {  	s4 =	sld [smem:$0x3FB2]  }
0x2a: {  	p0 =	seq.s32 s5, $0x0;
	s5 =	sld [smem:$0x3FB3]  }
0x2b: {  	s6 =	sld [smem:$0x3FB4]  }
0x2c: {  	s7 =	sld [smem:$0x3FB5]  }
0x2d: {  	s3 =	simm.s32 $0x108;
	s8 =	sld [smem:$0x3FB6]  }
0x2e: {  	s3 =	simm.s32 @!p0 $0x1082;
	s9 =	sld [smem:$0x3FB7]  }
0x2f: {  	lr =	sadd.s32 s0, s3;
	s0 =	sld [smem:$0x3FAE]  }
0x30: {  	s3 =	sld [smem:$0x3FB1]  }
0x31: {  	[smem:$0x3FBA] =	sst s10  }
0x32: {  	s10 =	sld [smem:$0x3FB8];
	_ =	sdelay $0x3  }
0x33: {  	p0 =	seq.s32 s10, $0x1;
	s10 =	sld [smem:$0x3FBA];
	_ =	sdelay $0x3  }
0x34: {  	[smem:$0x3FBA] =	sst s10  }
0x35: {  	s10 =	sld [smem:$0x3FB9];
	_ =	sdelay $0x3  }
0x36: {  	p1 =	seq.s32 s10, $0x1;
	s10 =	sld [smem:$0x3FBA];
	_ =	sdelay $0x3  }
0x37: {  	[smem:$0x3FBA] =	sst s10  }
0x38: {  	s10 =	sld [smem:$0x3FBB]  }
0x39: {  	_ = 	snop;
	(pc) =	sbr.ind lr, $3  }
0x3a: {  	_ = 	snop  }
0x3b: {  	_ = 	snop  }
0x3c: {  	p2 =	seq.s32 s10, $0x1;
	s10 =	sld [smem:$0x3FBA]  }
0x3d: {  	_ =	shalt  }
0x3e: {  	_ =	shalt  }
0x3f: {  	_ =	shalt  }
0x40: {  	_ =	shalt  }
0x41: {  	_ =	shalt  }
0x42: {  	_ =	shalt  }
0x43: {  	_ =	shalt  }
0x44: {  	_ =	shalt  }
0x45: {  	_ =	shalt  }
0x46: {  	_ =	shalt  }
0x47: {  	_ =	shalt  }
0x48: {  	_ =	shalt  }
0x49: {  	_ =	shalt  }
0x4a: {  	_ =	shalt  }
0x4b: {  	_ =	shalt  }
0x4c: {  	_ =	shalt  }
0x4d: {  	_ =	shalt  }
0x4e: {  	_ =	shalt  }
0x4f: {  	_ =	shalt  }
0x50: {  	_ =	shalt  }
0x51: {  	_ =	shalt  }
0x52: {  	_ =	shalt  }
0x53: {  	_ =	shalt  }
0x54: {  	_ =	shalt  }
0x55: {  	_ =	shalt  }
0x56: {  	_ =	shalt  }
0x57: {  	_ =	shalt  }
0x58: {  	_ =	shalt  }
0x59: {  	_ =	shalt  }
0x5a: {  	_ =	shalt  }
0x5b: {  	_ =	shalt  }
0x5c: {  	_ =	shalt  }
0x5d: {  	_ =	shalt  }
0x5e: {  	_ =	shalt  }
0x5f: {  	_ =	shalt  }
0x60: {  	_ =	shalt  }
0x61: {  	_ =	shalt  }
0x62: {  	_ =	shalt  }
0x63: {  	_ =	shalt  }
0x64: {  	_ =	shalt  }
0x65: {  	_ =	shalt  }
0x66: {  	_ =	shalt  }
0x67: {  	_ =	shalt  }
0x68: {  	_ =	shalt  }
0x69: {  	_ =	shalt  }
0x6a: {  	_ =	shalt  }
0x6b: {  	_ =	shalt  }
0x6c: {  	_ =	shalt  }
0x6d: {  	_ =	shalt  }
0x6e: {  	_ =	shalt  }
0x6f: {  	_ =	shalt  }
0x70: {  	_ =	shalt  }
0x71: {  	_ =	shalt  }
0x72: {  	_ =	shalt  }
0x73: {  	_ =	shalt  }
0x74: {  	_ =	shalt  }
0x75: {  	_ =	shalt  }
0x76: {  	_ =	shalt  }
0x77: {  	_ =	shalt  }
0x78: {  	_ =	shalt  }
0x79: {  	_ =	shalt  }
0x7a: {  	_ =	shalt  }
0x7b: {  	_ =	shalt  }
0x7c: {  	_ =	shalt  }
0x7d: {  	_ =	shalt  }
0x7e: {  	_ =	shalt  }
0x7f: {  	_ =	shalt  }
0x80: {  	_ =	shalt  }
0x81: {  	_ =	shalt  }
0x82: {  	_ =	shalt  }
0x83: {  	_ =	shalt  }
0x84: {  	_ =	shalt  }
0x85: {  	_ =	shalt  }
0x86: {  	_ =	shalt  }
0x87: {  	_ =	shalt  }
.Lfunc_end0:
.L_simem_size_0:
called_computation_lowered:
.L_overlay_start_0:
0x88: {  	s2 =	sld [smem:$0x3FD9]  }
0x89: {  	s3 =	sld [smem:$0x3FFE];
	_ =	sdelay $0x1  }
0x8a: {  	s1 =	srdreg.scid  }
0x8b: {  	s0 =	sand.u32 $0x1, s1  }
0x8c: {  	s17 =	sshll.u32 s0, $0xA;
	s2 =	sadd.s32 s3, s2  }
0x8d: {  	s2 =	sadd.s32 s2, s17  }
0x8e: {  	[smem:$0x3FC6] =	sst s2  }
0x8f: {  	_ = 	snop  }
0x90: {  	s2 =	sld [smem:$0x3FD0];
	(tm) =	ssettm $0x1  }
0x91: {  	s18 =	sld [smem:$0x3FFB];
	_ =	sdelay $0x3  }
0x92: {  	_ =	strace s18  }
0x93: {  	s3 =	sld [smem:$0x3FFC];
	_ =	sdelay $0x3  }
0x94: {  	_ =	strace s3  }
0x95: {  	s3 =	sld [smem:$0x3FFD];
	_ =	sdelay $0x3  }
0x96: {  	_ =	strace s3  }
0x97: {  	_ =	strace $0x8FFFFFFF  }
0x98: {  	s19 =	sld [smem:$0x3FDB];
	_ =	sdelay $0x1  }
0x99: {  	s4 =	simm.s32 $_scs_section_size  }
0x9a: {  	s5 =	simm.s32 $_size__tile_overlayer_lowered;
	s6 =	simm.s32 $_tile_overlayer_lowered  }
0x9b: {  	s22 =	simm.s32 $0x1BFF;
	s21 =	sshll.u32 s6, $0x1;
	s3 =	sadd.s32 s4, s19  }
0x9c: {  	s7 =	simm.s32 $0x0;
	s20 =	sshll.u32 s5, $0x1;
	s5 =	sadd.s32 s21, s3  }
0x9d: {  	[timem:s7], [sflag:s22] =	dma.local [hbm:s5], s20  }
0x9e: {  	_ =	swait.ge [sflag:s22], s20  }
0x9f: {  	s4 =	ssub.s32 $0x0, s20;
	[sflag:s22] =	ssyncset.done $0x0  }
0xa0: {  	[sflag:s22] =	ssyncadd.s32 s4;
	_ =	sdelay $0x1  }
0xa1: {  	s23 =	simm.s32 $0x1B8B  }
0xa2: {  	_ =	swait.ge [sflag:s23], $0x1  }
0xa3: {  	[sflag:s23] =	ssyncset.done $0x0  }
0xa4: {  	s25 =	simm.s32 $0x1B8E;
	s24 =	sld [smem:$0x3FFE];
	[sflag:s23] =	ssyncadd.s32 $0xFFFFFFFF  }
0xa5: {  	s26 =	simm.s32 $execute0_lowered;
	[smem:$0x3FD2] =	sst s25  }
0xa6: {  	s5 =	sshll.u32 s26, $0x1;
	_ =	strace $0x80000046;
	[dreg:$0x1] =	wrdreg $0xFFFFFFFF  }
0xa7: {  	s28 =	simm.s32 $_size_execute0_lowered;
	s3 =	sadd.s32 s3, s5;
	[dreg:$0x0] =	wrdreg $0x0  }
0xa8: {  	s5 =	sshll.u32 s28, $0x1;
	[dreg:$0x2] =	wrdreg s3  }
0xa9: {  	[dreg:$0x3] =	wrdreg s5  }
0xaa: {  	[dreg:$0x4] =	wrdreg $0xC0  }
0xab: {  	_ =	task [dreg:s7], $0x5FFFF  }
0xac: {  	[dreg:$0x1] =	wrdreg $0xFFFFFFFF  }
0xad: {  	[dreg:$0x0] =	wrdreg $0x60  }
0xae: {  	[dreg:$0x2] =	wrdreg s24  }
0xaf: {  	[dreg:$0x3] =	wrdreg s2  }
0xb0: {  	[dreg:$0x4] =	wrdreg $0x9  }
0xb1: {  	_ =	task.clear_ibuf [dreg:s7], $0x5FFFF;
	_ =	strace $0x90000046  }
0xb2: {  	s29 =	simm.s32 $0x9;
	_ =	strace $0x80000048  }
0xb3: {  	_ =	swait.ge [sflag:s29], $0x1  }
0xb4: {  	[sflag:s29] =	ssyncadd.s32 $0xFFFFFFFF  }
0xb5: {  	_ =	strace $0x90000048  }
0xb6: {  	_ =	sfence  }
0xb7: {  	s30 =	sld [smem:$0x0];
	_ =	sdelay $0x2  }
0xb8: {  	s31 =	sshll.u32 s1, $0xD;
	s1 =	sshrl.u32 s1, $0x2  }
0xb9: {  	s3 =	sand.u32 $0x4000, s31;
	s1 =	sadd.s32 s1, s30  }
0xba: {  	s0 =	sor.u32 s3, s0;
	s1 =	sshll.u32 s1, $0x11  }
0xbb: {  	s0 =	sor.u32 s1, s0  }
0xbc: {  	s0 =	sadd.s32 $0x8F2B, s0  }
0xbd: {  	[sflag:s0] =	ssyncadd.remote.s32 $0x1  }
0xbe: {  	_ =	sfence.sel $0xFFFF  }
0xbf: {  	[dreg:$0x0] =	wrdreg $0xFFFFFFFF;
	(pc) =	sbr.abs _section_cstart, $3  }
0xc0: {  	[dreg:$0x1] =	wrdreg $0xFFFFFFFF  }
0xc1: {  	_ =	task.clear_ibuf [dreg:s7], $0x2FFFF;
	_ =	strace $0x9FFFFFFF  }
0xc2: {  	(tm) =	ssettm $0x7FFFFFFF  }
0xc3: {  	_ =	shalt  }
tec
execute0_lowered:
.L_overlay_start_1:
0x0: {  	(tag) =	ssettag $0x1  }
0x1: {  	s0 =	rddreg [dreg:$0x0]  }
0x2: {  	s1 =	rddreg [dreg:$0x1]  }
0x3: {  	s2 =	simm.s32 $0x0;
	s3 =	srdreg.scid;
	s5 =	stileid.u32  }
0x4: {  	s9 =	simm.s32 $0x80;
	s11 =	simm.s32 $0x6A00;
	s12 =	simm.s32 $0x6880  }
0x5: {  	v13 =	vlaneseq.u32;
	s13 =	simm.s32 $0x8A00;
	s14 =	simm.s32 $0x1;
	s15 =	simm.s32 $0x6900  }
0x6: {  	s16 =	simm.s32 $0xAA00;
	s17 =	simm.s32 $0x6980;
	s18 =	simm.s32 $0xCA00;
	v0 =	vmul.u32 $0xD0, v13  }
0x7: {  	s19 =	simm.s32 $0xEA00;
	s20 =	simm.s32 $0x10C00;
	s21 =	simm.s32 $0x12E00;
	v13 =	vmul.u32 $0x88, v13  }
0x8: {  	s22 =	simm.s32 $0x15000;
	s23 =	simm.s32 $0x2;
	s3 =	sand.u32 $0x1, s3;
	v1 =	vadd.s32 $0xD00, v0;
	v2 =	vadd.s32 $0x1A00, v0;
	v3 =	vadd.s32 $0x2700, v0  }
.Ltmp0:
0x9: {  	[smem:$0x7FF] =	sst s2;
	s6 =	ssub.s32 $0x2, s3;
	v4 =	vadd.s32 $0x3400, v0;
	v5 =	vadd.s32 $0x4100, v0;
	v6 =	vadd.s32 $0x4E00, v0;
	(pc) =	sbr.rel .LBB2_1-.Ltmp0, $4  }
0xa: {  	s4 =	sadd.s32 $0x64400, s0;
	s8 =	sshll.u32 s5, $0x3;
	s7 =	sshrl.u32 s6, $0x1;
	v7 =	vadd.s32 $0x5B00, v0;
	v8 =	vor.u32 $0x1, v0;
	v10 =	vadd.s32 $0x1A01, v0  }
0xb: {  	s5 =	sadd.s32 $0x400, s0;
	s3 =	sshll.u32 s3, $0x2;
	v11 =	vadd.s32 $0x2701, v0;
	v12 =	vadd.s32 $0x3401, v0;
	v14 =	vadd.s32 $0x4101, v0;
	s31 =	ssub.s32 s6, s7  }
0xc: {  	_ =	strace $0x80000047;
	v15 =	vadd.s32 $0x4E01, v0;
	v16 =	vadd.s32 $0x5B01, v0;
	s6 =	sor.u32 s3, s8;
	[tilespmem:$0x1FFE0] =	vst v8;
	v8 =	vadd.s32 $0xD01, v0;
	s0 =	smax.u32 s31, $0x1  }
0xd: {  	v17 =	vadd.s32 $0x880, v13;
	v18 =	vadd.s32 $0x1100, v13;
	v19 =	vadd.s32 $0x1980, v13;
	s8 =	simm.s32 $0x3;
	s3 =	simm.s32 $0x0;
	[tilespmem:$0x1FFF0] =	vst v8;
	[dreg:$0x3] =	wrdreg s0  }
.LBB2_25:
0xe: {  	s3 =	rddreg [dreg:$0x4]  }
0xf: {  	s0 =	rddreg [dreg:$0x3];
	s3 =	sadd.s32 $0x1, s3  }
0x10: {  	p0 =	sne.s32 s3, s0  }
.Ltmp1:
0x11: {  	_ = 	snop;
	(pc) =	sbr.rel @!p0 .LBB2_26-.Ltmp1, $1  }
0x12: {  	_ =	sdelay $0x3  }
.LBB2_1:
.Ltmp2:
0x13: {  	(pc) =	sbr.rel .LBB2_2-.Ltmp2, $2  }
0x14: {  	_ =	sdelay $0x2  }
0x15: {  	[dreg:$0x4] =	wrdreg s3;
	s25 =	simm.s32 $0x0  }
.LBB2_24:
0x16: {  	s25 =	sadd.s32 $0x1, s25  }
0x17: {  	_ =	swait.ge [sflag:s23], $0x4000;
	p0 =	sne.s32 s25, $0x4  }
.Ltmp3:
0x18: {  	[sflag:s23] =	ssyncset.done $0x0;
	(pc) =	sbr.rel @!p0 .LBB2_25-.Ltmp3, $4  }
0x19: {  	[sflag:s23] =	ssyncadd.s32 $0xFFFFC000  }
0x1a: {  	_ =	swait.ge [sflag:s23], $0x4000  }
0x1b: {  	[sflag:s23] =	ssyncset.done $0x0  }
0x1c: {  	[sflag:s23] =	ssyncadd.s32 $0xFFFFC000  }
.LBB2_2:
0x1d: {  	s0 =	sadd.s32 s6, s25  }
0x1e: {  	s3 =	smul.u32 $0xC80, s0;
	_ =	sdelay $0x1  }
0x1f: {  	s7 =	simm.s32 $0x0;
	s3 =	sadd.s32 s5, s3  }
0x20: {  	s10 =	simm.s32 $0x19;
	s24 =	simm.s32 $0xD0;
	s26 =	sadd.s32 $0x0, s3  }
.LBB2_3:
0x21: {  	[tilespmem:s7], [sflag:$0x3] =	stream.linear.gather [hbm4b:s26+s2], $0xC8, $0x38;
	[tilespmem:$0x17200] =	vst v63  }
0x22: {  	s26 =	smov.u32 s10;
	s7 =	smov.u32 s24;
	p0 =	sne.s32 s10, $0xC67  }
.Ltmp4:
0x23: {  	s10 =	sadd.s32 $0x19, s10;
	(pc) =	sbr.rel @p0 .LBB2_3-.Ltmp4, $2  }
0x24: {  	_ =	sdelay $0x2  }
0x25: {  	s24 =	sadd.s32 $0xD0, s24;
	s26 =	sadd.s32 s26, s3  }
0x26: {  	[tilespmem:s7], [sflag:$0x3] =	stream.linear.gather [hbm4b:s26+s2], $0xC8, $0x38;
	[tilespmem:$0x17200] =	vst v63  }
0x27: {  	_ =	swait.ge [sflag:s8], $0x6400  }
0x28: {  	[sflag:s8] =	ssyncset.done $0x0  }
0x29: {  	s26 =	simm.s32 $0x0;
	[sflag:s8] =	ssyncadd.s32 $0xFFFF9C00  }
0x2a: {  	v20 =	vld.idx.msk [tilespmem:v0+s26+$0x0], $0xffff;
	_ =	sdelay $0x4  }
0x2b: {  	[tilespmem:$0x6800] =	vst v20  }
0x2c: {  	v20 =	vld.idx.msk [tilespmem:v1+s26+$0x0], $0xffff;
	_ =	sdelay $0x4  }
0x2d: {  	[tilespmem:$0x6810] =	vst v20  }
0x2e: {  	v20 =	vld.idx.msk [tilespmem:v2+s26+$0x0], $0xffff;
	_ =	sdelay $0x4  }
0x2f: {  	[tilespmem:$0x6820] =	vst v20  }
0x30: {  	v20 =	vld.idx.msk [tilespmem:v3+s26+$0x0], $0xffff;
	_ =	sdelay $0x4  }
0x31: {  	[tilespmem:$0x6830] =	vst v20  }
0x32: {  	v20 =	vld.idx.msk [tilespmem:v4+s26+$0x0], $0xffff;
	_ =	sdelay $0x4  }
0x33: {  	[tilespmem:$0x6840] =	vst v20  }
0x34: {  	v20 =	vld.idx.msk [tilespmem:v5+s26+$0x0], $0xffff;
	_ =	sdelay $0x4  }
0x35: {  	[tilespmem:$0x6850] =	vst v20  }
0x36: {  	v20 =	vld.idx.msk [tilespmem:v6+s26+$0x0], $0xffff;
	_ =	sdelay $0x3  }
0x37: {  	v8 =	vld [tilespmem:$0x1FFE0]  }
0x38: {  	[tilespmem:$0x6860] =	vst v20  }
0x39: {  	v20 =	vld.idx.msk [tilespmem:v7+s26+$0x0], $0xffff;
	_ =	sdelay $0x4  }
0x3a: {  	[tilespmem:$0x6870] =	vst v20  }
0x3b: {  	v20 =	vld.idx.msk [tilespmem:v8+s26+$0x0], $0xffff  }
0x3c: {  	v8 =	vld [tilespmem:$0x1FFF0];
	_ =	sdelay $0x6  }
0x3d: {  	[tilespmem:$0x6880] =	vst v20  }
0x3e: {  	v20 =	vld.idx.msk [tilespmem:v8+s26+$0x0], $0xffff;
	_ =	sdelay $0x4  }
0x3f: {  	[tilespmem:$0x6890] =	vst v20  }
0x40: {  	v20 =	vld.idx.msk [tilespmem:v10+s26+$0x0], $0xffff;
	_ =	sdelay $0x4  }
0x41: {  	[tilespmem:$0x68A0] =	vst v20  }
0x42: {  	v20 =	vld.idx.msk [tilespmem:v11+s26+$0x0], $0xffff;
	_ =	sdelay $0x4  }
0x43: {  	[tilespmem:$0x68B0] =	vst v20  }
0x44: {  	v20 =	vld.idx.msk [tilespmem:v12+s26+$0x0], $0xffff;
	_ =	sdelay $0x4  }
0x45: {  	[tilespmem:$0x68C0] =	vst v20  }
0x46: {  	v20 =	vld.idx.msk [tilespmem:v14+s26+$0x0], $0xffff;
	_ =	sdelay $0x4  }
0x47: {  	[tilespmem:$0x68D0] =	vst v20  }
0x48: {  	v20 =	vld.idx.msk [tilespmem:v15+s26+$0x0], $0xffff;
	_ =	sdelay $0x4  }
0x49: {  	[tilespmem:$0x68E0] =	vst v20  }
0x4a: {  	v20 =	vld.idx.msk [tilespmem:v16+s26+$0x0], $0xffff;
	_ =	sdelay $0x4  }
0x4b: {  	s3 =	simm.s32 $0x6800;
	[tilespmem:$0x68F0] =	vst v20  }
0x4c: {  	[tilespmem:s11], [sflag:$0x1] =	stream.indirect.gather [hbm4b:s4+s9], $0x40, s3, s9, $0xb8;
	[tilespmem:$0x17200] =	vst v63  }
0x4d: {  	s28 =	sshll.u32 s0, $0xA;
	s29 =	simm.s32 $0x0  }
0x4e: {  	[tilespmem:s13], [sflag:$0x1] =	stream.indirect.gather [hbm4b:s4+s9], $0x40, s12, s9, $0xb8;
	[tilespmem:$0x17200] =	vst v63  }
.LBB2_5:
0x4f: {  	s30 =	sshllo.u32 s29, $0x1  }
0x50: {  	s0 =	sshll.u32 s30, $0x1  }
0x51: {  	v20 =	vmov s0  }
0x52: {  	_ =	swait.ge [sflag:s14], $0x2000;
	v20 =	vand.u32 $0xFE, v20  }
0x53: {  	[sflag:s14] =	ssyncset.done $0x0;
	v21 =	vadd.s32 v0, v20  }
0x54: {  	[sflag:s14] =	ssyncadd.s32 $0xFFFFE000  }
0x55: {  	_ =	swait.ge [sflag:s14], $0x2000  }
0x56: {  	[sflag:s14] =	ssyncset.done $0x0  }
0x57: {  	[sflag:s14] =	ssyncadd.s32 $0xFFFFE000  }
0x58: {  	v21 =	vld.idx.msk [tilespmem:v21+s2+$0x0], $0xffff  }
0x59: {  	v22 =	vadd.s32 v1, v20;
	_ =	sdelay $0x3  }
0x5a: {  	[tilespmem:$0x6900] =	vst v21  }
0x5b: {  	v21 =	vld.idx.msk [tilespmem:v22+s2+$0x0], $0xffff  }
0x5c: {  	v22 =	vadd.s32 v2, v20;
	_ =	sdelay $0x3  }
0x5d: {  	[tilespmem:$0x6910] =	vst v21  }
0x5e: {  	v21 =	vld.idx.msk [tilespmem:v22+s2+$0x0], $0xffff  }
0x5f: {  	v22 =	vadd.s32 v3, v20;
	_ =	sdelay $0x3  }
0x60: {  	[tilespmem:$0x6920] =	vst v21  }
0x61: {  	v21 =	vld.idx.msk [tilespmem:v22+s2+$0x0], $0xffff  }
0x62: {  	v22 =	vadd.s32 v4, v20;
	_ =	sdelay $0x3  }
0x63: {  	[tilespmem:$0x6930] =	vst v21  }
0x64: {  	v21 =	vld.idx.msk [tilespmem:v22+s2+$0x0], $0xffff  }
0x65: {  	v22 =	vadd.s32 v5, v20;
	_ =	sdelay $0x3  }
0x66: {  	[tilespmem:$0x6940] =	vst v21  }
0x67: {  	v21 =	vld.idx.msk [tilespmem:v22+s2+$0x0], $0xffff  }
0x68: {  	v22 =	vadd.s32 v6, v20;
	_ =	sdelay $0x3  }
0x69: {  	[tilespmem:$0x6950] =	vst v21  }
0x6a: {  	v21 =	vld.idx.msk [tilespmem:v22+s2+$0x0], $0xffff  }
0x6b: {  	v20 =	vadd.s32 v7, v20;
	_ =	sdelay $0x3  }
0x6c: {  	[tilespmem:$0x6960] =	vst v21  }
0x6d: {  	s24 =	sshllo.u32 s30, $0x1;
	v20 =	vld.idx.msk [tilespmem:v20+s2+$0x0], $0xffff  }
0x6e: {  	v21 =	vadd.s32 s24, v0;
	_ =	sdelay $0x3  }
0x6f: {  	[tilespmem:$0x6970] =	vst v20  }
0x70: {  	v20 =	vld.idx.msk [tilespmem:v21+s2+$0x0], $0xffff  }
0x71: {  	v21 =	vadd.s32 s24, v1;
	_ =	sdelay $0x3  }
0x72: {  	[tilespmem:$0x6980] =	vst v20  }
0x73: {  	v20 =	vld.idx.msk [tilespmem:v21+s2+$0x0], $0xffff  }
0x74: {  	v21 =	vadd.s32 s24, v2;
	_ =	sdelay $0x3  }
0x75: {  	[tilespmem:$0x6990] =	vst v20  }
0x76: {  	v20 =	vld.idx.msk [tilespmem:v21+s2+$0x0], $0xffff  }
0x77: {  	v21 =	vadd.s32 s24, v3;
	_ =	sdelay $0x3  }
0x78: {  	[tilespmem:$0x69A0] =	vst v20  }
0x79: {  	v20 =	vld.idx.msk [tilespmem:v21+s2+$0x0], $0xffff  }
0x7a: {  	v21 =	vadd.s32 s24, v4;
	_ =	sdelay $0x3  }
0x7b: {  	[tilespmem:$0x69B0] =	vst v20  }
0x7c: {  	v20 =	vld.idx.msk [tilespmem:v21+s2+$0x0], $0xffff  }
0x7d: {  	v21 =	vadd.s32 s24, v5;
	_ =	sdelay $0x3  }
0x7e: {  	[tilespmem:$0x69C0] =	vst v20  }
0x7f: {  	v20 =	vld.idx.msk [tilespmem:v21+s2+$0x0], $0xffff  }
0x80: {  	v21 =	vadd.s32 s24, v6;
	_ =	sdelay $0x3  }
0x81: {  	[tilespmem:$0x69D0] =	vst v20  }
0x82: {  	v20 =	vld.idx.msk [tilespmem:v21+s2+$0x0], $0xffff  }
0x83: {  	v21 =	vadd.s32 s24, v7;
	_ =	sdelay $0x3  }
0x84: {  	[tilespmem:$0x69E0] =	vst v20  }
0x85: {  	v20 =	vld.idx.msk [tilespmem:v21+s2+$0x0], $0xffff;
	_ =	sdelay $0x4  }
0x86: {  	p0 =	seq.s32 s29, $0x0;
	[tilespmem:$0x69F0] =	vst v20  }
0x87: {  	[tilespmem:s16], [sflag:$0x1] =	stream.indirect.gather [hbm4b:s4+s9], $0x40, s15, s9, $0xb8;
	[tilespmem:$0x17200] =	vst v63  }
0x88: {  	s3 =	simm.s32 $0x3;
	s0 =	simm.s32 @!p0 $0x2  }
0x89: {  	[tilespmem:s18], [sflag:$0x1] =	stream.indirect.gather [hbm4b:s4+s9], $0x40, s17, s9, $0xb8;
	[tilespmem:$0x17200] =	vst v63  }
0x8a: {  	v20 =	vmov s3;
	_ =	swait.ge @!p0 [sflag:s0], $0x4000  }
0x8b: {  	s31 =	simm.s32 $0x1;
	v21 =	vand.u32 $0x7F, v20;
	v20 =	vmov s26;
	[sflag:s0] =	ssyncset.done @!p0 $0x0  }
0x8c: {  	s3 =	simm.s32 $0x6A80;
	v22 =	vand.u32 $0x7C, v20;
	v20 =	vmov s31;
	[sflag:s0] =	ssyncadd.s32 @!p0 $0xFFFFC000  }
0x8d: {  	v24 =	vadd.s32 v13, v21;
	v27 =	vand.u32 $0x7D, v20;
	v23 =	vld [tilespmem:s3+$0x40]  }
0x8e: {  	v28 =	vadd.s32 v13, v27;
	v20 =	vld [tilespmem:s3+$0xFFFFFFC0]  }
0x8f: {  	s7 =	simm.s32 $0x2;
	v26 =	vadd.s32 v13, v22;
	v25 =	vld [tilespmem:s3+$0xFFFFFF80]  }
0x90: {  	v29 =	vmov s7  }
0x91: {  	v29 =	vand.u32 $0x7E, v29  }
0x92: {  	v31 =	vadd.s32 v13, v29;
	v30 =	vld [tilespmem:s3+$0x0];
	[tilespmem:v24+s19+$0x0] =	vst.idx.msk $0xffff, v23  }
0x93: {  	v24 =	vadd.s32 v17, v21;
	[tilespmem:v28+s19+$0x0] =	vst.idx.msk $0xffff, v20;
	v23 =	vld [tilespmem:s3+$0x50]  }
0x94: {  	[tilespmem:v26+s19+$0x0] =	vst.idx.msk $0xffff, v25;
	v28 =	vadd.s32 v17, v27;
	v20 =	vld [tilespmem:s3+$0xFFFFFFD0]  }
0x95: {  	v26 =	vadd.s32 v17, v22;
	v25 =	vld [tilespmem:s3+$0xFFFFFF90];
	_ =	sdelay $0x1  }
0x96: {  	[tilespmem:v31+s19+$0x0] =	vst.idx.msk $0xffff, v30  }
0x97: {  	v32 =	vadd.s32 v17, v29;
	v31 =	vld [tilespmem:s3+$0x10];
	[tilespmem:v24+s19+$0x0] =	vst.idx.msk $0xffff, v23  }
0x98: {  	v30 =	vadd.s32 v18, v21;
	[tilespmem:v28+s19+$0x0] =	vst.idx.msk $0xffff, v20;
	v23 =	vld [tilespmem:s3+$0x60]  }
0x99: {  	s10 =	simm.s32 $0x7;
	v33 =	vadd.s32 v18, v27;
	[tilespmem:v26+s19+$0x0] =	vst.idx.msk $0xffff, v25;
	v28 =	vld [tilespmem:s3+$0xFFFFFFE0]  }
0x9a: {  	s7 =	simm.s32 $0x4;
	v26 =	vadd.s32 v18, v22;
	v24 =	vmov s10;
	v25 =	vld [tilespmem:s3+$0xFFFFFFA0]  }
0x9b: {  	s0 =	simm.s32 $0x6B80;
	v20 =	vmov s7;
	v24 =	vand.u32 $0x7F, v24  }
0x9c: {  	s24 =	simm.s32 $0x5;
	v34 =	vld [tilespmem:s0+$0x40];
	[tilespmem:v32+s19+$0x0] =	vst.idx.msk $0xffff, v31;
	v20 =	vand.u32 $0x7C, v20;
	v35 =	vadd.s32 v13, v24  }
0x9d: {  	v38 =	vmov s24;
	s31 =	simm.s32 $0x6;
	v36 =	vld [tilespmem:s0+$0xFFFFFF80];
	v37 =	vadd.s32 v13, v20;
	[tilespmem:v30+s19+$0x0] =	vst.idx.msk $0xffff, v23  }
0x9e: {  	v62 =	vadd.s32 v18, v29;
	v23 =	vand.u32 $0x7D, v38;
	v30 =	vmov s31;
	[tilespmem:v33+s19+$0x0] =	vst.idx.msk $0xffff, v28;
	v28 =	vld [tilespmem:s3+$0x20]  }
0x9f: {  	v60 =	vadd.s32 v19, v21;
	[tilespmem:v26+s19+$0x0] =	vst.idx.msk $0xffff, v25;
	v25 =	vld [tilespmem:s0+$0xFFFFFFC0];
	v26 =	vadd.s32 v13, v23;
	v21 =	vand.u32 $0x7E, v30  }
0xa0: {  	v30 =	vld [tilespmem:s0+$0x0];
	v61 =	vadd.s32 v13, v21  }
0xa1: {  	v31 =	vld [tilespmem:s3+$0x70];
	[tilespmem:v35+s19+$0x0] =	vst.idx.msk $0xffff, v34  }
0xa2: {  	v63 =	vadd.s32 v17, v24;
	[tilespmem:v37+s19+$0x0] =	vst.idx.msk $0xffff, v36;
	v35 =	vld [tilespmem:s0+$0x50]  }
0xa3: {  	v39 =	vadd.s32 v17, v20;
	v37 =	vld [tilespmem:s0+$0xFFFFFF90];
	[tilespmem:v62+s19+$0x0] =	vst.idx.msk $0xffff, v28  }
0xa4: {  	v41 =	vadd.s32 v19, v27;
	v40 =	vld [tilespmem:s3+$0xFFFFFFF0];
	[tilespmem:v26+s19+$0x0] =	vst.idx.msk $0xffff, v25  }
0xa5: {  	v34 =	vadd.s32 v17, v23;
	v33 =	vld [tilespmem:s0+$0xFFFFFFD0];
	[tilespmem:v61+s19+$0x0] =	vst.idx.msk $0xffff, v30  }
0xa6: {  	v32 =	vadd.s32 v17, v21;
	[tilespmem:v60+s19+$0x0] =	vst.idx.msk $0xffff, v31;
	v31 =	vld [tilespmem:s0+$0x10]  }
0xa7: {  	v27 =	vld [tilespmem:s3+$0x30];
	[tilespmem:v63+s19+$0x0] =	vst.idx.msk $0xffff, v35;
	v30 =	vadd.s32 v19, v29  }
0xa8: {  	v28 =	vadd.s32 v18, v24;
	[tilespmem:v39+s19+$0x0] =	vst.idx.msk $0xffff, v37;
	v25 =	vld [tilespmem:s0+$0x60]  }
0xa9: {  	s24 =	simm.s32 $0xC;
	s7 =	simm.s32 $0x8;
	s10 =	simm.s32 $0xB;
	[tilespmem:v41+s19+$0x0] =	vst.idx.msk $0xffff, v40;
	v29 =	vadd.s32 v18, v20;
	v26 =	vld [tilespmem:s0+$0xFFFFFFA0]  }
.LBB2_6:
0xaa: {  	p0 =	slt.u32 s24, $0x7C;
	v35 =	vmov s10;
	[tilespmem:v34+s19+$0x0] =	vst.idx.msk $0xffff, v33;
	v33 =	vld [tilespmem:s3+$0xFFFFFFB0];
	v34 =	vadd.s32 v19, v22;
	v22 =	vmov v20;
	s3 =	smov.u32 s0  }
0xab: {  	v20 =	vmov s7;
	v37 =	vadd.s32 v18, v23;
	s0 =	sadd.s32 $0x100, s0;
	v35 =	vand.u32 $0x7F, v35;
	v36 =	vld [tilespmem:s3+$0xFFFFFFE0];
	[tilespmem:v32+s19+$0x0] =	vst.idx.msk $0xffff, v31  }
0xac: {  	s10 =	sadd.s32 $0x1, s7;
	v20 =	vand.u32 $0x7C, v20;
	v31 =	vld [tilespmem:s0+$0x40];
	v32 =	vadd.s32 v13, v35;
	[tilespmem:v30+s19+$0x0] =	vst.idx.msk $0xffff, v27  }
0xad: {  	v38 =	vmov s10;
	s10 =	sadd.s32 $0x2, s7;
	s7 =	smov.u32 s24;
	v30 =	vadd.s32 v13, v20;
	v27 =	vld [tilespmem:s0+$0xFFFFFF80];
	[tilespmem:v28+s19+$0x0] =	vst.idx.msk $0xffff, v25  }
0xae: {  	v25 =	vand.u32 $0x7D, v38;
	v28 =	vmov s10;
	[tilespmem:v29+s19+$0x0] =	vst.idx.msk $0xffff, v26;
	v26 =	vld [tilespmem:s3+$0x70];
	v29 =	vadd.s32 v19, v24;
	v24 =	vmovc v35  }
0xaf: {  	v38 =	vadd.s32 v13, v25;
	v28 =	vand.u32 $0x7E, v28;
	v35 =	vld [tilespmem:s0+$0xFFFFFFC0];
	[tilespmem:v34+s19+$0x0] =	vst.idx.msk $0xffff, v33  }
0xb0: {  	v40 =	vadd.s32 v13, v28;
	v39 =	vld [tilespmem:s0+$0x0];
	[tilespmem:v37+s19+$0x0] =	vst.idx.msk $0xffff, v36  }
0xb1: {  	v37 =	vadd.s32 v18, v21;
	[tilespmem:v32+s19+$0x0] =	vst.idx.msk $0xffff, v31;
	v36 =	vld [tilespmem:s3+$0x20]  }
0xb2: {  	[tilespmem:v30+s19+$0x0] =	vst.idx.msk $0xffff, v27;
	v27 =	vld [tilespmem:s0+$0x50];
	v30 =	vadd.s32 v17, v24  }
0xb3: {  	v42 =	vadd.s32 v17, v20;
	v41 =	vld [tilespmem:s0+$0xFFFFFF90];
	[tilespmem:v29+s19+$0x0] =	vst.idx.msk $0xffff, v26  }
0xb4: {  	[tilespmem:v38+s19+$0x0] =	vst.idx.msk $0xffff, v35;
	v35 =	vld [tilespmem:s3+$0xFFFFFFF0];
	v38 =	vadd.s32 v19, v23;
	v23 =	vmov v25  }
.Ltmp5:
0xb5: {  	v33 =	vld [tilespmem:s0+$0xFFFFFFD0];
	v34 =	vadd.s32 v17, v23;
	[tilespmem:v40+s19+$0x0] =	vst.idx.msk $0xffff, v39;
	(pc) =	sbr.rel @p0 .LBB2_6-.Ltmp5, $4  }
0xb6: {  	v32 =	vadd.s32 v17, v28;
	v31 =	vld [tilespmem:s0+$0x10];
	[tilespmem:v37+s19+$0x0] =	vst.idx.msk $0xffff, v36  }
0xb7: {  	[tilespmem:v30+s19+$0x0] =	vst.idx.msk $0xffff, v27;
	v27 =	vld [tilespmem:s3+$0x30];
	v30 =	vadd.s32 v19, v21;
	v21 =	vmov v28  }
0xb8: {  	v28 =	vadd.s32 v18, v24;
	[tilespmem:v42+s19+$0x0] =	vst.idx.msk $0xffff, v41;
	v25 =	vld [tilespmem:s0+$0x60]  }
0xb9: {  	s24 =	sadd.s32 $0x4, s24;
	s10 =	sadd.s32 $0x3, s7;
	v29 =	vadd.s32 v18, v20;
	v26 =	vld [tilespmem:s0+$0xFFFFFFA0];
	[tilespmem:v38+s19+$0x0] =	vst.idx.msk $0xffff, v35  }
0xba: {  	_ =	sdelay $0x2  }
0xbb: {  	v35 =	vmov s10  }
0xbc: {  	s24 =	sadd.s32 $0x1, s7;
	[tilespmem:v34+s19+$0x0] =	vst.idx.msk $0xffff, v33;
	v54 =	vld [tilespmem:s3+$0xFFFFFFB0];
	v22 =	vadd.s32 v19, v22;
	s3 =	sadd.s32 $0x100, s0;
	v37 =	vmov s7;
	v34 =	vand.u32 $0x7F, v35  }
0xbd: {  	v55 =	vmov s24;
	s24 =	sadd.s32 $0x2, s7;
	[tilespmem:v32+s19+$0x0] =	vst.idx.msk $0xffff, v31;
	v56 =	vld [tilespmem:s3+$0x40];
	v37 =	vand.u32 $0x7C, v37;
	v57 =	vadd.s32 v13, v34  }
0xbe: {  	v38 =	vld [tilespmem:s3+$0xFFFFFF80];
	v35 =	vand.u32 $0x7D, v55;
	v36 =	vmov s24;
	[tilespmem:v30+s19+$0x0] =	vst.idx.msk $0xffff, v27;
	v62 =	vadd.s32 v13, v37  }
0xbf: {  	v58 =	vld [tilespmem:s3+$0xFFFFFFC0];
	v59 =	vadd.s32 v13, v35;
	v36 =	vand.u32 $0x7E, v36;
	[tilespmem:v28+s19+$0x0] =	vst.idx.msk $0xffff, v25  }
0xc0: {  	v60 =	vld [tilespmem:s3+$0x0];
	v61 =	vadd.s32 v13, v36;
	[tilespmem:v29+s19+$0x0] =	vst.idx.msk $0xffff, v26  }
0xc1: {  	v39 =	vadd.s32 v18, v23;
	v63 =	vld [tilespmem:s0+$0xFFFFFFE0];
	[tilespmem:v22+s19+$0x0] =	vst.idx.msk $0xffff, v54  }
0xc2: {  	v47 =	vadd.s32 v18, v21;
	v46 =	vld [tilespmem:s0+$0x20];
	[tilespmem:v57+s19+$0x0] =	vst.idx.msk $0xffff, v56  }
0xc3: {  	v41 =	vadd.s32 v17, v34;
	[tilespmem:v62+s19+$0x0] =	vst.idx.msk $0xffff, v38;
	v31 =	vld [tilespmem:s3+$0x50]  }
0xc4: {  	v45 =	vadd.s32 v17, v37;
	[tilespmem:v59+s19+$0x0] =	vst.idx.msk $0xffff, v58;
	v44 =	vld [tilespmem:s3+$0xFFFFFF90]  }
0xc5: {  	v42 =	vadd.s32 v17, v35;
	v27 =	vld [tilespmem:s3+$0xFFFFFFD0];
	[tilespmem:v61+s19+$0x0] =	vst.idx.msk $0xffff, v60  }
0xc6: {  	v43 =	vadd.s32 v17, v36;
	[tilespmem:v39+s19+$0x0] =	vst.idx.msk $0xffff, v63;
	v25 =	vld [tilespmem:s3+$0x10]  }
0xc7: {  	v24 =	vadd.s32 v19, v24;
	v40 =	vld [tilespmem:s0+$0x70];
	[tilespmem:v47+s19+$0x0] =	vst.idx.msk $0xffff, v46  }
0xc8: {  	v49 =	vadd.s32 v19, v23;
	v48 =	vld [tilespmem:s0+$0xFFFFFFF0];
	[tilespmem:v41+s19+$0x0] =	vst.idx.msk $0xffff, v31  }
0xc9: {  	v50 =	vadd.s32 v18, v34;
	[tilespmem:v45+s19+$0x0] =	vst.idx.msk $0xffff, v44;
	v31 =	vld [tilespmem:s3+$0x60]  }
0xca: {  	v55 =	vadd.s32 v18, v37;
	[tilespmem:v42+s19+$0x0] =	vst.idx.msk $0xffff, v27;
	v54 =	vld [tilespmem:s3+$0xFFFFFFA0]  }
0xcb: {  	v51 =	vadd.s32 v18, v35;
	v27 =	vld [tilespmem:s3+$0xFFFFFFE0];
	[tilespmem:v43+s19+$0x0] =	vst.idx.msk $0xffff, v25  }
0xcc: {  	v53 =	vadd.s32 v18, v36;
	[tilespmem:v24+s19+$0x0] =	vst.idx.msk $0xffff, v40;
	v52 =	vld [tilespmem:s3+$0x20]  }
0xcd: {  	v20 =	vadd.s32 v19, v20;
	v57 =	vld [tilespmem:s0+$0xFFFFFFB0];
	[tilespmem:v49+s19+$0x0] =	vst.idx.msk $0xffff, v48  }
0xce: {  	v56 =	vadd.s32 v19, v21;
	v29 =	vld [tilespmem:s0+$0x30];
	[tilespmem:v50+s19+$0x0] =	vst.idx.msk $0xffff, v31  }
0xcf: {  	v59 =	vadd.s32 v19, v34;
	[tilespmem:v55+s19+$0x0] =	vst.idx.msk $0xffff, v54;
	v58 =	vld [tilespmem:s3+$0x70]  }
0xd0: {  	v63 =	vadd.s32 v19, v37;
	[tilespmem:v51+s19+$0x0] =	vst.idx.msk $0xffff, v27;
	v62 =	vld [tilespmem:s3+$0xFFFFFFB0]  }
0xd1: {  	v60 =	vadd.s32 v19, v35;
	v27 =	vld [tilespmem:s3+$0xFFFFFFF0];
	[tilespmem:v53+s19+$0x0] =	vst.idx.msk $0xffff, v52  }
0xd2: {  	p2 =	por $0x1, $0x1;
	v61 =	vadd.s32 v19, v36;
	[tilespmem:v20+s19+$0x0] =	vst.idx.msk $0xffff, v57;
	v22 =	vld [tilespmem:s3+$0x30]  }
.Ltmp6:
0xd3: {  	[tilespmem:v56+s19+$0x0] =	vst.idx.msk $0xffff, v29;
	(pc) =	sbr.rel @!p2 .LBB2_8-.Ltmp6, $4  }
0xd4: {  	[tilespmem:v59+s19+$0x0] =	vst.idx.msk $0xffff, v58  }
0xd5: {  	[tilespmem:v63+s19+$0x0] =	vst.idx.msk $0xffff, v62  }
0xd6: {  	s31 =	simm.s32 $0x8AF0;
	s10 =	simm.s32 $0x3;
	p0 =	por $0x0, $0x0;
	[tilespmem:v60+s19+$0x0] =	vst.idx.msk $0xffff, v27  }
0xd7: {  	p1 =	por $0x0, $0x0;
	s0 =	simm.s32 $0x0;
	s3 =	simm.s32 $0x4;
	[tilespmem:v61+s19+$0x0] =	vst.idx.msk $0xffff, v22  }
0xd8: {  	v20 =	vmov s10  }
0xd9: {  	v21 =	vmov s0;
	v29 =	vand.u32 $0x7F, v20  }
0xda: {  	v22 =	vld [tilespmem:s31+$0xFFFFFFD0];
	v20 =	vand.u32 $0x7C, v21;
	v24 =	vadd.s32 v13, v29  }
0xdb: {  	s10 =	simm.s32 $0x1;
	v25 =	vld [tilespmem:s31+$0xFFFFFF10];
	v26 =	vadd.s32 v13, v20  }
0xdc: {  	s24 =	simm.s32 $0x2;
	v21 =	vmov s10  }
0xdd: {  	v23 =	vand.u32 $0x7D, v21;
	v21 =	vmov s24  }
0xde: {  	v27 =	vld [tilespmem:s31+$0xFFFFFF50];
	v28 =	vadd.s32 v13, v23;
	v21 =	vand.u32 $0x7E, v21  }
0xdf: {  	v30 =	vld [tilespmem:s31+$0xFFFFFF90];
	v31 =	vadd.s32 v13, v21;
	[tilespmem:v24+s20+$0x0] =	vst.idx.msk $0xffff, v22  }
0xe0: {  	[tilespmem:v26+s20+$0x0] =	vst.idx.msk $0xffff, v25;
	v24 =	vadd.s32 v17, v29;
	v22 =	vld [tilespmem:s31+$0xFFFFFFE0]  }
0xe1: {  	v26 =	vadd.s32 v17, v20;
	v25 =	vld [tilespmem:s31+$0xFFFFFF20]  }
0xe2: {  	p2 =	por $0x1, $0x1  }
.Ltmp7:
0xe3: {  	[tilespmem:v28+s20+$0x0] =	vst.idx.msk $0xffff, v27;
	(pc) =	sbr.rel @!p2 .LBB2_10-.Ltmp7, $4  }
0xe4: {  	v34 =	vld [tilespmem:s31+$0xFFFFFF60];
	[tilespmem:v31+s20+$0x0] =	vst.idx.msk $0xffff, v30  }
0xe5: {  	v27 =	vld [tilespmem:s31+$0xFFFFFFA0];
	[tilespmem:v24+s20+$0x0] =	vst.idx.msk $0xffff, v22  }
0xe6: {  	v32 =	vadd.s32 v18, v20;
	[tilespmem:v26+s20+$0x0] =	vst.idx.msk $0xffff, v25;
	v28 =	vld [tilespmem:s31+$0xFFFFFFF0]  }
0xe7: {  	s0 =	simm.s32 $0x8;
	p0 =	por $0x1, $0x1;
	s10 =	simm.s32 $0x7;
	v35 =	vadd.s32 v17, v23;
	v33 =	vadd.s32 v17, v21;
	v31 =	vadd.s32 v18, v29;
	v30 =	vld [tilespmem:s31+$0xFFFFFF30]  }
0xe8: {  	_ =	sdelay $0x3  }
0xe9: {  	v22 =	vmov s10;
	[tilespmem:v35+s20+$0x0] =	vst.idx.msk $0xffff, v34  }
0xea: {  	v24 =	vmov s3;
	v59 =	vadd.s32 v18, v23;
	s3 =	simm.s32 $0x8BF0;
	s24 =	simm.s32 $0x6;
	v22 =	vand.u32 $0x7F, v22;
	v34 =	vld [tilespmem:s31+$0xFFFFFF70]  }
0xeb: {  	s7 =	simm.s32 $0x5;
	v25 =	vand.u32 $0x7C, v24;
	v36 =	vld [tilespmem:s3+$0xFFFFFFD0];
	v26 =	vmov s24;
	v37 =	vadd.s32 v13, v22  }
0xec: {  	v38 =	vld [tilespmem:s3+$0xFFFFFF10];
	v24 =	vmov s7;
	v39 =	vadd.s32 v13, v25;
	[tilespmem:v33+s20+$0x0] =	vst.idx.msk $0xffff, v27;
	v26 =	vand.u32 $0x7E, v26  }
0xed: {  	v24 =	vand.u32 $0x7D, v24;
	[tilespmem:v31+s20+$0x0] =	vst.idx.msk $0xffff, v28;
	v31 =	vld [tilespmem:s3+$0xFFFFFF90];
	v60 =	vadd.s32 v13, v26  }
0xee: {  	v28 =	vadd.s32 v19, v29;
	v29 =	vld [tilespmem:s3+$0xFFFFFF50];
	[tilespmem:v32+s20+$0x0] =	vst.idx.msk $0xffff, v30;
	v30 =	vadd.s32 v13, v24  }
0xef: {  	v61 =	vadd.s32 v18, v21;
	v33 =	vld [tilespmem:s31+$0xFFFFFFB0];
	[tilespmem:v59+s20+$0x0] =	vst.idx.msk $0xffff, v34  }
0xf0: {  	v27 =	vld [tilespmem:s31+$0x0];
	[tilespmem:v37+s20+$0x0] =	vst.idx.msk $0xffff, v36  }
0xf1: {  	v62 =	vadd.s32 v17, v22;
	[tilespmem:v39+s20+$0x0] =	vst.idx.msk $0xffff, v38;
	v36 =	vld [tilespmem:s3+$0xFFFFFFE0]  }
0xf2: {  	v63 =	vadd.s32 v17, v25;
	v38 =	vld [tilespmem:s3+$0xFFFFFF20];
	[tilespmem:v60+s20+$0x0] =	vst.idx.msk $0xffff, v31  }
0xf3: {  	v23 =	vadd.s32 v19, v23;
	p2 =	por $0x1, $0x1;
	[tilespmem:v30+s20+$0x0] =	vst.idx.msk $0xffff, v29;
	v29 =	vld [tilespmem:s31+$0xFFFFFF80]  }
.Ltmp8:
0xf4: {  	v35 =	vadd.s32 v17, v24;
	[tilespmem:v61+s20+$0x0] =	vst.idx.msk $0xffff, v33;
	v34 =	vld [tilespmem:s3+$0xFFFFFF60];
	(pc) =	sbr.rel @!p2 .LBB2_12-.Ltmp8, $4  }
0xf5: {  	v33 =	vadd.s32 v17, v26;
	[tilespmem:v28+s20+$0x0] =	vst.idx.msk $0xffff, v27;
	v27 =	vld [tilespmem:s3+$0xFFFFFFA0]  }
0xf6: {  	v37 =	vadd.s32 v19, v21;
	[tilespmem:v62+s20+$0x0] =	vst.idx.msk $0xffff, v36;
	v36 =	vld [tilespmem:s31+$0xFFFFFFC0]  }
0xf7: {  	s10 =	simm.s32 $0xB;
	v31 =	vadd.s32 v18, v22;
	[tilespmem:v63+s20+$0x0] =	vst.idx.msk $0xffff, v38;
	v28 =	vld [tilespmem:s3+$0xFFFFFFF0]  }
0xf8: {  	p1 =	por $0x1, $0x1;
	s24 =	simm.s32 $0xC;
	s7 =	simm.s32 $0x8AF0;
	v32 =	vadd.s32 v18, v25;
	v30 =	vld [tilespmem:s3+$0xFFFFFF30];
	[tilespmem:v23+s20+$0x0] =	vst.idx.msk $0xffff, v29  }
.LBB2_13:
0xf9: {  	p2 =	slt.u32 s24, $0x7C;
	v21 =	vmov s10;
	[tilespmem:v35+s20+$0x0] =	vst.idx.msk $0xffff, v34;
	v23 =	vld [tilespmem:s7+$0xFFFFFF40];
	v29 =	vadd.s32 v19, v20;
	v20 =	vmov v25;
	s7 =	smov.u32 s3  }
0xfa: {  	v25 =	vmov s0;
	v35 =	vadd.s32 v18, v24;
	s3 =	sadd.s32 $0x100, s3;
	v21 =	vand.u32 $0x7F, v21;
	v34 =	vld [tilespmem:s7+$0xFFFFFF70];
	[tilespmem:v33+s20+$0x0] =	vst.idx.msk $0xffff, v27  }
0xfb: {  	s10 =	sadd.s32 $0x1, s0;
	v25 =	vand.u32 $0x7C, v25;
	v27 =	vld [tilespmem:s3+$0xFFFFFFD0];
	v33 =	vadd.s32 v13, v21;
	[tilespmem:v37+s20+$0x0] =	vst.idx.msk $0xffff, v36  }
0xfc: {  	v38 =	vmov s10;
	s10 =	sadd.s32 $0x2, s0;
	s0 =	smov.u32 s24;
	v37 =	vadd.s32 v13, v25;
	v36 =	vld [tilespmem:s3+$0xFFFFFF10];
	[tilespmem:v31+s20+$0x0] =	vst.idx.msk $0xffff, v28  }
0xfd: {  	v28 =	vand.u32 $0x7D, v38;
	v31 =	vmov s10;
	[tilespmem:v32+s20+$0x0] =	vst.idx.msk $0xffff, v30;
	v30 =	vld [tilespmem:s7+$0x0];
	v32 =	vadd.s32 v19, v22;
	v22 =	vmovc v21  }
0xfe: {  	v38 =	vadd.s32 v13, v28;
	v31 =	vand.u32 $0x7E, v31;
	v21 =	vld [tilespmem:s3+$0xFFFFFF50];
	[tilespmem:v29+s20+$0x0] =	vst.idx.msk $0xffff, v23  }
0xff: {  	v29 =	vadd.s32 v13, v31;
	v23 =	vld [tilespmem:s3+$0xFFFFFF90];
	[tilespmem:v35+s20+$0x0] =	vst.idx.msk $0xffff, v34  }
0x100: {  	v40 =	vadd.s32 v18, v26;
	[tilespmem:v33+s20+$0x0] =	vst.idx.msk $0xffff, v27;
	v39 =	vld [tilespmem:s7+$0xFFFFFFB0]  }
0x101: {  	[tilespmem:v37+s20+$0x0] =	vst.idx.msk $0xffff, v36;
	v36 =	vld [tilespmem:s3+$0xFFFFFFE0];
	v37 =	vadd.s32 v17, v22  }
0x102: {  	v42 =	vadd.s32 v17, v25;
	v41 =	vld [tilespmem:s3+$0xFFFFFF20];
	[tilespmem:v32+s20+$0x0] =	vst.idx.msk $0xffff, v30  }
0x103: {  	[tilespmem:v38+s20+$0x0] =	vst.idx.msk $0xffff, v21;
	v21 =	vld [tilespmem:s7+$0xFFFFFF80];
	v38 =	vadd.s32 v19, v24;
	v24 =	vmov v28  }
.Ltmp9:
0x104: {  	v34 =	vld [tilespmem:s3+$0xFFFFFF60];
	v35 =	vadd.s32 v17, v24;
	[tilespmem:v29+s20+$0x0] =	vst.idx.msk $0xffff, v23;
	(pc) =	sbr.rel @p2 .LBB2_13-.Ltmp9, $4  }
0x105: {  	v33 =	vadd.s32 v17, v31;
	v27 =	vld [tilespmem:s3+$0xFFFFFFA0];
	[tilespmem:v40+s20+$0x0] =	vst.idx.msk $0xffff, v39  }
0x106: {  	[tilespmem:v37+s20+$0x0] =	vst.idx.msk $0xffff, v36;
	v36 =	vld [tilespmem:s7+$0xFFFFFFC0];
	v37 =	vadd.s32 v19, v26;
	v26 =	vmov v31  }
0x107: {  	v31 =	vadd.s32 v18, v22;
	[tilespmem:v42+s20+$0x0] =	vst.idx.msk $0xffff, v41;
	v28 =	vld [tilespmem:s3+$0xFFFFFFF0]  }
0x108: {  	s24 =	sadd.s32 $0x4, s24;
	s10 =	sadd.s32 $0x3, s0;
	v32 =	vadd.s32 v18, v25;
	v30 =	vld [tilespmem:s3+$0xFFFFFF30];
	[tilespmem:v38+s20+$0x0] =	vst.idx.msk $0xffff, v21  }
0x109: {  	v38 =	vmovc v20;
	v20 =	vmovc v25;
	v23 =	vmov v24;
	v29 =	vmov v22;
	v21 =	vmov v26  }
.LBB2_15:
0x10a: {  	_ =	sdelay $0x3  }
0x10b: {  	v22 =	vmov s10;
	[tilespmem:v35+s20+$0x0] =	vst.idx.msk @p0 $0xffff, v34;
	v24 =	vld @p1 [tilespmem:s7+$0xFFFFFF40];
	s7 =	smov.u32 @p0 s3;
	s3 =	sadd.s32 @p0 $0x100, s3  }
0x10c: {  	s24 =	sadd.s32 $0x1, s0;
	v25 =	vadd.s32 @p1 v19, v38;
	v61 =	vmov s0;
	v22 =	vand.u32 $0x7F, v22;
	v26 =	vld @p0 [tilespmem:s7+$0xFFFFFF70];
	s31 =	smov.u32 @p0 s3  }
0x10d: {  	s10 =	sadd.s32 $0x2, s0;
	[tilespmem:v33+s20+$0x0] =	vst.idx.msk @p0 $0xffff, v27;
	v57 =	vmov s24;
	v38 =	vand.u32 $0x7C, v61;
	v58 =	vld [tilespmem:s31+$0xFFFFFFD0];
	v59 =	vadd.s32 v13, v22  }
0x10e: {  	v60 =	vmov s10;
	[tilespmem:v37+s20+$0x0] =	vst.idx.msk @p1 $0xffff, v36;
	v34 =	vand.u32 $0x7D, v57;
	v42 =	vld [tilespmem:s31+$0xFFFFFF10];
	v43 =	vadd.s32 v13, v38  }
0x10f: {  	v62 =	vld [tilespmem:s31+$0xFFFFFF50];
	v35 =	vand.u32 $0x7E, v60;
	[tilespmem:v31+s20+$0x0] =	vst.idx.msk @p0 $0xffff, v28;
	v63 =	vadd.s32 v13, v34  }
0x110: {  	v40 =	vld [tilespmem:s31+$0xFFFFFF90];
	v41 =	vadd.s32 v13, v35;
	[tilespmem:v32+s20+$0x0] =	vst.idx.msk @p0 $0xffff, v30  }
0x111: {  	v33 =	vadd.s32 @p0 v18, v21;
	v27 =	vld @p0 [tilespmem:s7+$0xFFFFFFB0];
	[tilespmem:v25+s20+$0x0] =	vst.idx.msk @p1 $0xffff, v24  }
0x112: {  	v24 =	vadd.s32 @p0 v18, v23;
	v25 =	vld @p0 [tilespmem:s7+$0x0];
	[tilespmem:v59+s20+$0x0] =	vst.idx.msk $0xffff, v58  }
0x113: {  	v45 =	vadd.s32 v17, v22;
	[tilespmem:v43+s20+$0x0] =	vst.idx.msk $0xffff, v42;
	v44 =	vld [tilespmem:s31+$0xFFFFFFE0]  }
0x114: {  	v51 =	vadd.s32 v17, v38;
	[tilespmem:v63+s20+$0x0] =	vst.idx.msk $0xffff, v62;
	v50 =	vld [tilespmem:s31+$0xFFFFFF20]  }
0x115: {  	v47 =	vadd.s32 v17, v34;
	[tilespmem:v41+s20+$0x0] =	vst.idx.msk $0xffff, v40;
	v46 =	vld [tilespmem:s31+$0xFFFFFF60]  }
0x116: {  	v49 =	vadd.s32 v17, v35;
	[tilespmem:v33+s20+$0x0] =	vst.idx.msk @p0 $0xffff, v27;
	v48 =	vld [tilespmem:s31+$0xFFFFFFA0]  }
0x117: {  	v29 =	vadd.s32 @p0 v19, v29;
	v33 =	vld @p0 [tilespmem:s7+$0xFFFFFFC0];
	[tilespmem:v24+s20+$0x0] =	vst.idx.msk @p0 $0xffff, v26  }
0x118: {  	v23 =	vadd.s32 @p0 v19, v23;
	v27 =	vld @p0 [tilespmem:s7+$0xFFFFFF80];
	[tilespmem:v45+s20+$0x0] =	vst.idx.msk $0xffff, v44  }
0x119: {  	v52 =	vadd.s32 v18, v22;
	[tilespmem:v51+s20+$0x0] =	vst.idx.msk $0xffff, v50;
	v36 =	vld [tilespmem:s31+$0xFFFFFFF0]  }
0x11a: {  	v57 =	vadd.s32 v18, v38;
	[tilespmem:v47+s20+$0x0] =	vst.idx.msk $0xffff, v46;
	v56 =	vld [tilespmem:s31+$0xFFFFFF30]  }
0x11b: {  	v53 =	vadd.s32 v18, v34;
	[tilespmem:v49+s20+$0x0] =	vst.idx.msk $0xffff, v48;
	v28 =	vld [tilespmem:s31+$0xFFFFFF70]  }
0x11c: {  	v21 =	vadd.s32 @p0 v19, v21;
	v55 =	vadd.s32 v18, v35;
	[tilespmem:v29+s20+$0x0] =	vst.idx.msk @p0 $0xffff, v25;
	v54 =	vld [tilespmem:s31+$0xFFFFFFB0]  }
0x11d: {  	v20 =	vpsel p0, v20, v0;
	s0 =	smov.u32 @p0 s7;
	v21 =	vpsel p0, v21, v0;
	[tilespmem:v23+s20+$0x0] =	vst.idx.msk @p0 $0xffff, v27  }
0x11e: {  	v20 =	vadd.s32 @p0 v19, v20;
	v23 =	vld @p0 [tilespmem:s0+$0xFFFFFF40];
	[tilespmem:v52+s20+$0x0] =	vst.idx.msk $0xffff, v36  }
0x11f: {  	v22 =	vadd.s32 v19, v22;
	[tilespmem:v57+s20+$0x0] =	vst.idx.msk $0xffff, v56;
	v58 =	vld [tilespmem:s31+$0x0]  }
0x120: {  	v63 =	vadd.s32 v19, v38;
	[tilespmem:v53+s20+$0x0] =	vst.idx.msk $0xffff, v28;
	v62 =	vld [tilespmem:s31+$0xFFFFFF40]  }
0x121: {  	v59 =	vadd.s32 v19, v34;
	v24 =	vpsel p0, v33, v0;
	[tilespmem:v55+s20+$0x0] =	vst.idx.msk $0xffff, v54;
	v28 =	vld [tilespmem:s31+$0xFFFFFF80]  }
0x122: {  	v61 =	vadd.s32 v19, v35;
	[tilespmem:v21+s20+$0x0] =	vst.idx.msk @p0 $0xffff, v24;
	v60 =	vld [tilespmem:s31+$0xFFFFFFC0]  }
0x123: {  	[tilespmem:v20+s20+$0x0] =	vst.idx.msk @p0 $0xffff, v23  }
0x124: {  	s24 =	sshll.u32 s29, $0x16;
	[tilespmem:v22+s20+$0x0] =	vst.idx.msk $0xffff, v58  }
0x125: {  	s0 =	sadd.s32 s28, s24;
	[tilespmem:v63+s20+$0x0] =	vst.idx.msk $0xffff, v62  }
0x126: {  	s0 =	sshrl.u32 s0, $0x3;
	[tilespmem:v59+s20+$0x0] =	vst.idx.msk $0xffff, v28  }
0x127: {  	s3 =	sadd.s32 s1, s0;
	s31 =	simm.s32 $0xEA00;
	[tilespmem:v61+s20+$0x0] =	vst.idx.msk $0xffff, v60  }
0x128: {  	[hbm4b:s3+s2] =	stream.linear.scatter [tilespmem:s31], [sflag:$0x2], $0x80, $0x38;
	[tilespmem:$0x17200] =	vst v63  }
0x129: {  	s7 =	simm.s32 $0xEA88;
	s10 =	sadd.s32 $0x10, s3  }
0x12a: {  	[hbm4b:s10+s2] =	stream.linear.scatter [tilespmem:s7], [sflag:$0x2], $0x80, $0x38;
	[tilespmem:$0x17200] =	vst v63  }
0x12b: {  	s24 =	simm.s32 $0xEB10;
	s31 =	sadd.s32 $0x20, s3  }
0x12c: {  	[hbm4b:s31+s2] =	stream.linear.scatter [tilespmem:s24], [sflag:$0x2], $0x80, $0x38;
	[tilespmem:$0x17200] =	vst v63  }
0x12d: {  	s7 =	simm.s32 $0xEB98;
	s10 =	sadd.s32 $0x30, s3  }
0x12e: {  	[hbm4b:s10+s2] =	stream.linear.scatter [tilespmem:s7], [sflag:$0x2], $0x80, $0x38;
	[tilespmem:$0x17200] =	vst v63  }
0x12f: {  	s24 =	simm.s32 $0xEC20;
	s31 =	sadd.s32 $0x40, s3  }
0x130: {  	[hbm4b:s31+s2] =	stream.linear.scatter [tilespmem:s24], [sflag:$0x2], $0x80, $0x38;
	[tilespmem:$0x17200] =	vst v63  }
0x131: {  	s0 =	simm.s32 $0x440;
	s7 =	simm.s32 $0xECA8;
	s10 =	sadd.s32 $0x50, s3  }
0x132: {  	[hbm4b:s10+s2] =	stream.linear.scatter [tilespmem:s7], [sflag:$0x2], $0x80, $0x38;
	[tilespmem:$0x17200] =	vst v63  }
0x133: {  	s24 =	simm.s32 $0xED30;
	s31 =	sadd.s32 $0x60, s3;
	s7 =	simm.s32 $0x2200  }
0x134: {  	[hbm4b:s31+s2] =	stream.linear.scatter [tilespmem:s24], [sflag:$0x2], $0x80, $0x38;
	[tilespmem:$0x17200] =	vst v63  }
0x135: {  	s10 =	simm.s32 $0xEDB8;
	s24 =	sadd.s32 $0x70, s3;
	s3 =	sadd.s32 $0x4000, s3  }
.LBB2_16:
0x136: {  	[hbm4b:s24+s2] =	stream.linear.scatter [tilespmem:s10], [sflag:$0x2], $0x80, $0x38;
	[tilespmem:$0x17200] =	vst v63  }
0x137: {  	s10 =	smov.u32 s0;
	s0 =	smov.u32 s7  }
0x138: {  	s31 =	sadd.s32 $0x1100, s7;
	s0 =	sshra.s32 s0, $0x2;
	s24 =	sadd.s32 $0xEA00, s10  }
0x139: {  	[hbm4b:s3+s2] =	stream.linear.scatter [tilespmem:s24], [sflag:$0x2], $0x80, $0x38;
	[tilespmem:$0x17200] =	vst v63  }
0x13a: {  	p0 =	sne.s32 s7, $0xFF00;
	s7 =	sadd.s32 $0xEA88, s10;
	s24 =	sadd.s32 $0x10, s3  }
0x13b: {  	[hbm4b:s24+s2] =	stream.linear.scatter [tilespmem:s7], [sflag:$0x2], $0x80, $0x38;
	[tilespmem:$0x17200] =	vst v63  }
0x13c: {  	s7 =	sadd.s32 $0xEB10, s10;
	s24 =	sadd.s32 $0x20, s3  }
0x13d: {  	[hbm4b:s24+s2] =	stream.linear.scatter [tilespmem:s7], [sflag:$0x2], $0x80, $0x38;
	[tilespmem:$0x17200] =	vst v63  }
0x13e: {  	s7 =	sadd.s32 $0xEB98, s10;
	s24 =	sadd.s32 $0x30, s3  }
0x13f: {  	[hbm4b:s24+s2] =	stream.linear.scatter [tilespmem:s7], [sflag:$0x2], $0x80, $0x38;
	[tilespmem:$0x17200] =	vst v63  }
0x140: {  	s7 =	sadd.s32 $0xEC20, s10;
	s24 =	sadd.s32 $0x40, s3  }
0x141: {  	[hbm4b:s24+s2] =	stream.linear.scatter [tilespmem:s7], [sflag:$0x2], $0x80, $0x38;
	[tilespmem:$0x17200] =	vst v63  }
.Ltmp10:
0x142: {  	s7 =	sadd.s32 $0xECA8, s10;
	s24 =	sadd.s32 $0x50, s3;
	(pc) =	sbr.rel @p0 .LBB2_16-.Ltmp10, $4  }
0x143: {  	[hbm4b:s24+s2] =	stream.linear.scatter [tilespmem:s7], [sflag:$0x2], $0x80, $0x38;
	[tilespmem:$0x17200] =	vst v63  }
0x144: {  	s7 =	sadd.s32 $0xED30, s10;
	s24 =	sadd.s32 $0x60, s3;
	s10 =	sadd.s32 $0xEDB8, s10  }
0x145: {  	[hbm4b:s24+s2] =	stream.linear.scatter [tilespmem:s7], [sflag:$0x2], $0x80, $0x38;
	[tilespmem:$0x17200] =	vst v63  }
0x146: {  	s24 =	sadd.s32 $0x70, s3;
	s3 =	sadd.s32 $0x4000, s3;
	s7 =	smov.u32 s31  }
0x147: {  	[hbm4b:s24+s2] =	stream.linear.scatter [tilespmem:s10], [sflag:$0x2], $0x80, $0x38;
	[tilespmem:$0x17200] =	vst v63  }
0x148: {  	s7 =	sadd.s32 $0xEA00, s0  }
0x149: {  	[hbm4b:s3+s2] =	stream.linear.scatter [tilespmem:s7], [sflag:$0x2], $0x80, $0x38;
	[tilespmem:$0x17200] =	vst v63  }
0x14a: {  	s10 =	sadd.s32 $0xEA88, s0;
	s24 =	sadd.s32 $0x10, s3  }
0x14b: {  	[hbm4b:s24+s2] =	stream.linear.scatter [tilespmem:s10], [sflag:$0x2], $0x80, $0x38;
	[tilespmem:$0x17200] =	vst v63  }
0x14c: {  	s10 =	sadd.s32 $0xEB10, s0;
	s24 =	sadd.s32 $0x20, s3  }
0x14d: {  	[hbm4b:s24+s2] =	stream.linear.scatter [tilespmem:s10], [sflag:$0x2], $0x80, $0x38;
	[tilespmem:$0x17200] =	vst v63  }
0x14e: {  	s10 =	sadd.s32 $0xEB98, s0;
	s24 =	sadd.s32 $0x30, s3  }
0x14f: {  	[hbm4b:s24+s2] =	stream.linear.scatter [tilespmem:s10], [sflag:$0x2], $0x80, $0x38;
	[tilespmem:$0x17200] =	vst v63  }
0x150: {  	s10 =	sadd.s32 $0xEC20, s0;
	s24 =	sadd.s32 $0x40, s3  }
0x151: {  	[hbm4b:s24+s2] =	stream.linear.scatter [tilespmem:s10], [sflag:$0x2], $0x80, $0x38;
	[tilespmem:$0x17200] =	vst v63  }
0x152: {  	p0 =	seq.s32 s29, $0x31;
	s10 =	sadd.s32 $0xECA8, s0;
	s24 =	sadd.s32 $0x50, s3  }
0x153: {  	[hbm4b:s24+s2] =	stream.linear.scatter [tilespmem:s10], [sflag:$0x2], $0x80, $0x38;
	[tilespmem:$0x17200] =	vst v63  }
0x154: {  	s7 =	sshll.u32 @!p0 s29, $0x2;
	s10 =	sadd.s32 $0xED30, s0;
	s24 =	sadd.s32 $0x60, s3  }
0x155: {  	[hbm4b:s24+s2] =	stream.linear.scatter [tilespmem:s10], [sflag:$0x2], $0x80, $0x38;
	[tilespmem:$0x17200] =	vst v63  }
0x156: {  	v20 =	vlaneseq.u32 @!p0;
	s0 =	sadd.s32 $0xEDB8, s0;
	s24 =	sadd.s32 $0x70, s3;
	s10 =	sadd.s32 @!p0 $0x4, s7  }
0x157: {  	v20 =	vmul.u32 @!p0 $0xD0, v20;
	v21 =	vmov @!p0 s10;
	[hbm4b:s24+s2] =	stream.linear.scatter [tilespmem:s0], [sflag:$0x2], $0x80, $0x38;
	[tilespmem:$0x17200] =	vst v63  }
0x158: {  	v21 =	vand.u32 @!p0 $0x1FC, v21;
	_ =	swait.ge [sflag:s14], $0x2000  }
0x159: {  	v22 =	vadd.s32 @!p0 v20, v21;
	[sflag:s14] =	ssyncset.done $0x0  }
0x15a: {  	[sflag:s14] =	ssyncadd.s32 $0xFFFFE000  }
0x15b: {  	_ =	swait.ge [sflag:s14], $0x2000  }
0x15c: {  	[sflag:s14] =	ssyncset.done $0x0  }
0x15d: {  	s0 =	simm.s32 @!p0 $0x0;
	[sflag:s14] =	ssyncadd.s32 $0xFFFFE000  }
0x15e: {  	v23 =	vadd.s32 @!p0 $0xD00, v20;
	v22 =	vld.idx.msk @!p0 [tilespmem:v22+s0+$0x0], $0xffff  }
0x15f: {  	v24 =	vadd.s32 @!p0 v23, v21;
	_ =	sdelay $0x3  }
0x160: {  	[tilespmem:$0x6800] =	vst @!p0 v22  }
0x161: {  	v22 =	vld.idx.msk @!p0 [tilespmem:v24+s0+$0x0], $0xffff;
	v24 =	vadd.s32 @!p0 $0x1A00, v20  }
0x162: {  	v25 =	vadd.s32 @!p0 v24, v21;
	_ =	sdelay $0x3  }
0x163: {  	[tilespmem:$0x6810] =	vst @!p0 v22  }
0x164: {  	v22 =	vld.idx.msk @!p0 [tilespmem:v25+s0+$0x0], $0xffff;
	v25 =	vadd.s32 @!p0 $0x2700, v20  }
0x165: {  	v26 =	vadd.s32 @!p0 v25, v21;
	_ =	sdelay $0x3  }
0x166: {  	[tilespmem:$0x6820] =	vst @!p0 v22  }
0x167: {  	v22 =	vld.idx.msk @!p0 [tilespmem:v26+s0+$0x0], $0xffff;
	v26 =	vadd.s32 @!p0 $0x3400, v20  }
0x168: {  	v27 =	vadd.s32 @!p0 v26, v21;
	_ =	sdelay $0x3  }
0x169: {  	[tilespmem:$0x6830] =	vst @!p0 v22  }
0x16a: {  	v22 =	vld.idx.msk @!p0 [tilespmem:v27+s0+$0x0], $0xffff;
	v27 =	vadd.s32 @!p0 $0x4100, v20  }
0x16b: {  	v28 =	vadd.s32 @!p0 v27, v21;
	_ =	sdelay $0x3  }
0x16c: {  	[tilespmem:$0x6840] =	vst @!p0 v22  }
0x16d: {  	v22 =	vld.idx.msk @!p0 [tilespmem:v28+s0+$0x0], $0xffff;
	v28 =	vadd.s32 @!p0 $0x4E00, v20  }
0x16e: {  	v29 =	vadd.s32 @!p0 v28, v21;
	_ =	sdelay $0x3  }
0x16f: {  	[tilespmem:$0x6850] =	vst @!p0 v22  }
0x170: {  	v22 =	vld.idx.msk @!p0 [tilespmem:v29+s0+$0x0], $0xffff;
	v29 =	vadd.s32 @!p0 $0x5B00, v20  }
0x171: {  	v21 =	vadd.s32 @!p0 v29, v21;
	_ =	sdelay $0x2  }
0x172: {  	s3 =	sadd.s32 @!p0 $0x5, s7  }
0x173: {  	[tilespmem:$0x6860] =	vst @!p0 v22;
	v22 =	vmov @!p0 s3  }
0x174: {  	v21 =	vld.idx.msk @!p0 [tilespmem:v21+s0+$0x0], $0xffff;
	v22 =	vand.u32 @!p0 $0x1FD, v22  }
0x175: {  	v20 =	vadd.s32 @!p0 v20, v22;
	_ =	sdelay $0x3  }
0x176: {  	[tilespmem:$0x6870] =	vst @!p0 v21  }
0x177: {  	v20 =	vld.idx.msk @!p0 [tilespmem:v20+s0+$0x0], $0xffff  }
0x178: {  	v21 =	vadd.s32 @!p0 v23, v22;
	_ =	sdelay $0x3  }
0x179: {  	[tilespmem:$0x6880] =	vst @!p0 v20  }
0x17a: {  	v20 =	vld.idx.msk @!p0 [tilespmem:v21+s0+$0x0], $0xffff  }
0x17b: {  	v21 =	vadd.s32 @!p0 v24, v22;
	_ =	sdelay $0x3  }
0x17c: {  	[tilespmem:$0x6890] =	vst @!p0 v20  }
0x17d: {  	v20 =	vld.idx.msk @!p0 [tilespmem:v21+s0+$0x0], $0xffff  }
0x17e: {  	v21 =	vadd.s32 @!p0 v25, v22;
	_ =	sdelay $0x3  }
0x17f: {  	[tilespmem:$0x68A0] =	vst @!p0 v20  }
0x180: {  	v20 =	vld.idx.msk @!p0 [tilespmem:v21+s0+$0x0], $0xffff  }
0x181: {  	v21 =	vadd.s32 @!p0 v26, v22;
	_ =	sdelay $0x3  }
0x182: {  	[tilespmem:$0x68B0] =	vst @!p0 v20  }
0x183: {  	v20 =	vld.idx.msk @!p0 [tilespmem:v21+s0+$0x0], $0xffff  }
0x184: {  	v21 =	vadd.s32 @!p0 v27, v22;
	_ =	sdelay $0x3  }
0x185: {  	[tilespmem:$0x68C0] =	vst @!p0 v20  }
0x186: {  	v20 =	vld.idx.msk @!p0 [tilespmem:v21+s0+$0x0], $0xffff  }
0x187: {  	v21 =	vadd.s32 @!p0 v28, v22;
	_ =	sdelay $0x3  }
0x188: {  	[tilespmem:$0x68D0] =	vst @!p0 v20  }
0x189: {  	v20 =	vld.idx.msk @!p0 [tilespmem:v21+s0+$0x0], $0xffff  }
0x18a: {  	v21 =	vadd.s32 @!p0 v29, v22;
	_ =	sdelay $0x3  }
0x18b: {  	[tilespmem:$0x68E0] =	vst @!p0 v20  }
0x18c: {  	v20 =	vld.idx.msk @!p0 [tilespmem:v21+s0+$0x0], $0xffff;
	_ =	sdelay $0x4  }
0x18d: {  	s7 =	simm.s32 @!p0 $0x6A00;
	s3 =	simm.s32 @!p0 $0x6800;
	s0 =	simm.s32 @!p0 $0x80;
	[tilespmem:$0x68F0] =	vst @!p0 v20  }
0x18e: {  	[tilespmem:s7], [sflag:$0x1] =	stream.indirect.gather @!p0 [hbm4b:s4+s0], $0x40, s3, s0, $0xb8;
	[tilespmem:$0x17200] =	vst v63  }
0x18f: {  	p1 =	seq.s32 @!p0 s29, $0x0;
	s3 =	simm.s32 @!p0 $0x6880;
	s7 =	simm.s32 @!p0 $0x8A00  }
0x190: {  	[tilespmem:s7], [sflag:$0x1] =	stream.indirect.gather @!p0 [hbm4b:s4+s0], $0x40, s3, s0, $0xb8;
	[tilespmem:$0x17200] =	vst v63  }
0x191: {  	p0 =	por p0, !p1  }
0x192: {  	s7 =	simm.s32 $0x3;
	_ =	swait.ge @p0 [sflag:s23], $0x4000  }
0x193: {  	s10 =	simm.s32 $0x0;
	v20 =	vmov s7;
	[sflag:s23] =	ssyncset.done @p0 $0x0  }
0x194: {  	s24 =	simm.s32 $0x1;
	v21 =	vmov s10;
	s3 =	simm.s32 $0xAAF0;
	v20 =	vand.u32 $0x7F, v20;
	[sflag:s23] =	ssyncadd.s32 @p0 $0xFFFFC000  }
0x195: {  	v23 =	vmov s24;
	v21 =	vand.u32 $0x7C, v21;
	v25 =	vadd.s32 v13, v20;
	v22 =	vld [tilespmem:s3+$0xFFFFFFD0]  }
0x196: {  	v39 =	vand.u32 $0x7D, v23;
	v26 =	vadd.s32 v13, v21;
	v28 =	vld [tilespmem:s3+$0xFFFFFF10]  }
0x197: {  	v27 =	vadd.s32 v13, v39;
	s7 =	simm.s32 $0x2;
	v23 =	vld [tilespmem:s3+$0xFFFFFF50]  }
0x198: {  	v24 =	vmov s7  }
0x199: {  	v24 =	vand.u32 $0x7E, v24  }
0x19a: {  	v30 =	vld [tilespmem:s3+$0xFFFFFF90];
	v31 =	vadd.s32 v13, v24;
	[tilespmem:v25+s21+$0x0] =	vst.idx.msk $0xffff, v22  }
0x19b: {  	v29 =	vadd.s32 v17, v20;
	[tilespmem:v26+s21+$0x0] =	vst.idx.msk $0xffff, v28;
	v22 =	vld [tilespmem:s3+$0xFFFFFFE0]  }
0x19c: {  	s24 =	simm.s32 $0x4;
	v32 =	vadd.s32 v17, v21;
	[tilespmem:v27+s21+$0x0] =	vst.idx.msk $0xffff, v23;
	v34 =	vld [tilespmem:s3+$0xFFFFFF20]  }
0x19d: {  	v37 =	vmov s24;
	v33 =	vadd.s32 v17, v39;
	v23 =	vld [tilespmem:s3+$0xFFFFFF60]  }
0x19e: {  	v43 =	vand.u32 $0x7C, v37;
	s0 =	simm.s32 $0xABF0  }
0x19f: {  	v46 =	vadd.s32 v13, v43;
	v45 =	vld [tilespmem:s0+$0xFFFFFF10];
	[tilespmem:v31+s21+$0x0] =	vst.idx.msk $0xffff, v30  }
0x1a0: {  	v30 =	vadd.s32 v17, v24;
	v38 =	vld [tilespmem:s3+$0xFFFFFFA0];
	[tilespmem:v29+s21+$0x0] =	vst.idx.msk $0xffff, v22  }
0x1a1: {  	s10 =	simm.s32 $0x7;
	v28 =	vadd.s32 v18, v20;
	[tilespmem:v32+s21+$0x0] =	vst.idx.msk $0xffff, v34;
	v22 =	vld [tilespmem:s3+$0xFFFFFFF0]  }
0x1a2: {  	v35 =	vmov s10;
	v34 =	vadd.s32 v18, v21;
	[tilespmem:v33+s21+$0x0] =	vst.idx.msk $0xffff, v23;
	v40 =	vld [tilespmem:s3+$0xFFFFFF30]  }
0x1a3: {  	v23 =	vand.u32 $0x7F, v35;
	v35 =	vadd.s32 v18, v39;
	v42 =	vld [tilespmem:s3+$0xFFFFFF70]  }
0x1a4: {  	s10 =	simm.s32 $0x5;
	v44 =	vld [tilespmem:s0+$0xFFFFFFD0];
	[tilespmem:v46+s21+$0x0] =	vst.idx.msk $0xffff, v45;
	v36 =	vadd.s32 v13, v23  }
0x1a5: {  	s24 =	simm.s32 $0x6;
	v41 =	vmov s10;
	[tilespmem:v30+s21+$0x0] =	vst.idx.msk $0xffff, v38  }
0x1a6: {  	v59 =	vmov s24;
	v52 =	vadd.s32 v17, v43;
	v51 =	vld [tilespmem:s0+$0xFFFFFF20];
	[tilespmem:v28+s21+$0x0] =	vst.idx.msk $0xffff, v22;
	v22 =	vand.u32 $0x7D, v41  }
0x1a7: {  	v48 =	vld [tilespmem:s0+$0xFFFFFF50];
	v38 =	vadd.s32 v19, v20;
	v20 =	vand.u32 $0x7E, v59;
	[tilespmem:v34+s21+$0x0] =	vst.idx.msk $0xffff, v40;
	v40 =	vadd.s32 v13, v22  }
0x1a8: {  	v49 =	vld [tilespmem:s0+$0xFFFFFF90];
	v41 =	vadd.s32 v13, v20;
	[tilespmem:v35+s21+$0x0] =	vst.idx.msk $0xffff, v42  }
0x1a9: {  	v60 =	vld [tilespmem:s3+$0xFFFFFFB0];
	[tilespmem:v36+s21+$0x0] =	vst.idx.msk $0xffff, v44;
	v42 =	vadd.s32 v18, v24  }
0x1aa: {  	v62 =	vadd.s32 v17, v23;
	v61 =	vld [tilespmem:s0+$0xFFFFFFE0]  }
0x1ab: {  	[tilespmem:v52+s21+$0x0] =	vst.idx.msk $0xffff, v51;
	v47 =	vld [tilespmem:s3+$0x0]  }
0x1ac: {  	v39 =	vadd.s32 v19, v39;
	v63 =	vld [tilespmem:s3+$0xFFFFFF80];
	[tilespmem:v40+s21+$0x0] =	vst.idx.msk $0xffff, v48  }
0x1ad: {  	v57 =	vadd.s32 v17, v22;
	[tilespmem:v41+s21+$0x0] =	vst.idx.msk $0xffff, v49;
	v56 =	vld [tilespmem:s0+$0xFFFFFF60]  }
0x1ae: {  	v55 =	vadd.s32 v17, v20;
	[tilespmem:v42+s21+$0x0] =	vst.idx.msk $0xffff, v60;
	v53 =	vld [tilespmem:s0+$0xFFFFFFA0]  }
0x1af: {  	v54 =	vadd.s32 v19, v24;
	[tilespmem:v62+s21+$0x0] =	vst.idx.msk $0xffff, v61;
	v50 =	vld [tilespmem:s3+$0xFFFFFFC0]  }
0x1b0: {  	s31 =	simm.s32 $0x8;
	v52 =	vadd.s32 v18, v43;
	v51 =	vadd.s32 v18, v23;
	[tilespmem:v38+s21+$0x0] =	vst.idx.msk $0xffff, v47;
	v48 =	vld [tilespmem:s0+$0xFFFFFFF0]  }
0x1b1: {  	s24 =	simm.s32 $0xC;
	s10 =	simm.s32 $0xB;
	s7 =	simm.s32 $0x8;
	v46 =	vmovc v23;
	v44 =	vmov v20;
	v45 =	vmov v22;
	v49 =	vld [tilespmem:s0+$0xFFFFFF30];
	[tilespmem:v39+s21+$0x0] =	vst.idx.msk $0xffff, v63;
	v47 =	vmov v21  }
.LBB2_18:
0x1b2: {  	p0 =	slt.u32 s24, $0x7C;
	v58 =	vmov s10;
	[tilespmem:v57+s21+$0x0] =	vst.idx.msk $0xffff, v56;
	v56 =	vld [tilespmem:s3+$0xFFFFFF40];
	v57 =	vadd.s32 v19, v47;
	v47 =	vmov v43;
	s3 =	smov.u32 s0  }
0x1b3: {  	v43 =	vmov s7;
	v60 =	vadd.s32 v18, v45;
	s0 =	sadd.s32 $0x100, s0;
	v58 =	vand.u32 $0x7F, v58;
	v59 =	vld [tilespmem:s3+$0xFFFFFF70];
	[tilespmem:v55+s21+$0x0] =	vst.idx.msk $0xffff, v53  }
0x1b4: {  	s10 =	sadd.s32 $0x1, s7;
	v43 =	vand.u32 $0x7C, v43;
	v53 =	vld [tilespmem:s0+$0xFFFFFFD0];
	v55 =	vadd.s32 v13, v58;
	[tilespmem:v54+s21+$0x0] =	vst.idx.msk $0xffff, v50  }
0x1b5: {  	v61 =	vmov s10;
	s10 =	sadd.s32 $0x2, s7;
	s7 =	smov.u32 s24;
	v54 =	vadd.s32 v13, v43;
	v50 =	vld [tilespmem:s0+$0xFFFFFF10];
	[tilespmem:v51+s21+$0x0] =	vst.idx.msk $0xffff, v48  }
0x1b6: {  	v48 =	vand.u32 $0x7D, v61;
	v51 =	vmov s10;
	[tilespmem:v52+s21+$0x0] =	vst.idx.msk $0xffff, v49;
	v49 =	vld [tilespmem:s3+$0x0];
	v52 =	vadd.s32 v19, v46;
	v46 =	vmovc v58  }
0x1b7: {  	v61 =	vadd.s32 v13, v48;
	v51 =	vand.u32 $0x7E, v51;
	v58 =	vld [tilespmem:s0+$0xFFFFFF50];
	[tilespmem:v57+s21+$0x0] =	vst.idx.msk $0xffff, v56  }
0x1b8: {  	v63 =	vadd.s32 v13, v51;
	v62 =	vld [tilespmem:s0+$0xFFFFFF90];
	[tilespmem:v60+s21+$0x0] =	vst.idx.msk $0xffff, v59  }
0x1b9: {  	v60 =	vadd.s32 v18, v44;
	[tilespmem:v55+s21+$0x0] =	vst.idx.msk $0xffff, v53;
	v59 =	vld [tilespmem:s3+$0xFFFFFFB0]  }
0x1ba: {  	[tilespmem:v54+s21+$0x0] =	vst.idx.msk $0xffff, v50;
	v50 =	vld [tilespmem:s0+$0xFFFFFFE0];
	v54 =	vadd.s32 v17, v46  }
0x1bb: {  	v9 =	vadd.s32 v17, v43;
	v8 =	vld [tilespmem:s0+$0xFFFFFF20];
	[tilespmem:v52+s21+$0x0] =	vst.idx.msk $0xffff, v49  }
0x1bc: {  	[tilespmem:v61+s21+$0x0] =	vst.idx.msk $0xffff, v58;
	v58 =	vld [tilespmem:s3+$0xFFFFFF80];
	v61 =	vadd.s32 v19, v45;
	v45 =	vmov v48  }
.Ltmp11:
0x1bd: {  	v56 =	vld [tilespmem:s0+$0xFFFFFF60];
	v57 =	vadd.s32 v17, v45;
	[tilespmem:v63+s21+$0x0] =	vst.idx.msk $0xffff, v62;
	(pc) =	sbr.rel @p0 .LBB2_18-.Ltmp11, $4  }
0x1be: {  	v55 =	vadd.s32 v17, v51;
	v53 =	vld [tilespmem:s0+$0xFFFFFFA0];
	[tilespmem:v60+s21+$0x0] =	vst.idx.msk $0xffff, v59  }
0x1bf: {  	[tilespmem:v54+s21+$0x0] =	vst.idx.msk $0xffff, v50;
	v50 =	vld [tilespmem:s3+$0xFFFFFFC0];
	v54 =	vadd.s32 v19, v44;
	v44 =	vmov v51  }
0x1c0: {  	v51 =	vadd.s32 v18, v46;
	[tilespmem:v9+s21+$0x0] =	vst.idx.msk $0xffff, v8;
	v48 =	vld [tilespmem:s0+$0xFFFFFFF0]  }
0x1c1: {  	s24 =	sadd.s32 $0x4, s24;
	s10 =	sadd.s32 $0x3, s7;
	v52 =	vadd.s32 v18, v43;
	v49 =	vld [tilespmem:s0+$0xFFFFFF30];
	[tilespmem:v61+s21+$0x0] =	vst.idx.msk $0xffff, v58  }
0x1c2: {  	_ =	sdelay $0x2  }
0x1c3: {  	v8 =	vmov s10;
	s24 =	sadd.s32 $0x1, s7  }
0x1c4: {  	[tilespmem:v57+s21+$0x0] =	vst.idx.msk $0xffff, v56;
	v9 =	vld [tilespmem:s3+$0xFFFFFF40];
	v47 =	vadd.s32 v19, v47;
	s3 =	sadd.s32 $0x100, s0;
	v8 =	vand.u32 $0x7F, v8;
	v62 =	vmov s24;
	s24 =	sadd.s32 $0x2, s7  }
0x1c5: {  	[tilespmem:v55+s21+$0x0] =	vst.idx.msk $0xffff, v53;
	v53 =	vld [tilespmem:s3+$0xFFFFFFD0];
	v55 =	vadd.s32 v13, v8;
	v56 =	vand.u32 $0x7D, v62;
	v63 =	vmov s24  }
0x1c6: {  	v58 =	vmov s7;
	[tilespmem:v54+s21+$0x0] =	vst.idx.msk $0xffff, v50;
	v50 =	vld [tilespmem:s3+$0xFFFFFF50];
	v54 =	vadd.s32 v13, v56;
	v57 =	vand.u32 $0x7E, v63  }
0x1c7: {  	v58 =	vand.u32 $0x7C, v58;
	[tilespmem:v51+s21+$0x0] =	vst.idx.msk $0xffff, v48;
	v48 =	vld [tilespmem:s3+$0xFFFFFF90];
	v60 =	vadd.s32 v13, v57  }
0x1c8: {  	v59 =	vld [tilespmem:s3+$0xFFFFFF10];
	v61 =	vadd.s32 v13, v58;
	[tilespmem:v52+s21+$0x0] =	vst.idx.msk $0xffff, v49  }
0x1c9: {  	v62 =	vld [tilespmem:s0+$0xFFFFFF70];
	[tilespmem:v47+s21+$0x0] =	vst.idx.msk $0xffff, v9;
	v9 =	vadd.s32 v18, v45  }
0x1ca: {  	v46 =	vadd.s32 v19, v46;
	v63 =	vld [tilespmem:s0+$0x0];
	[tilespmem:v55+s21+$0x0] =	vst.idx.msk $0xffff, v53  }
0x1cb: {  	v55 =	vadd.s32 v17, v8;
	v53 =	vld [tilespmem:s3+$0xFFFFFFE0];
	[tilespmem:v54+s21+$0x0] =	vst.idx.msk $0xffff, v50  }
0x1cc: {  	v54 =	vadd.s32 v17, v56;
	v50 =	vld [tilespmem:s3+$0xFFFFFF60];
	[tilespmem:v60+s21+$0x0] =	vst.idx.msk $0xffff, v48  }
0x1cd: {  	v49 =	vadd.s32 v17, v57;
	[tilespmem:v61+s21+$0x0] =	vst.idx.msk $0xffff, v59;
	v48 =	vld [tilespmem:s3+$0xFFFFFFA0]  }
0x1ce: {  	v60 =	vadd.s32 v17, v58;
	[tilespmem:v9+s21+$0x0] =	vst.idx.msk $0xffff, v62;
	v9 =	vld [tilespmem:s3+$0xFFFFFF20]  }
0x1cf: {  	v61 =	vld [tilespmem:s0+$0xFFFFFFB0];
	[tilespmem:v46+s21+$0x0] =	vst.idx.msk $0xffff, v63;
	v62 =	vadd.s32 v18, v44  }
0x1d0: {  	v63 =	vadd.s32 v19, v45;
	v46 =	vld [tilespmem:s0+$0xFFFFFF80];
	[tilespmem:v55+s21+$0x0] =	vst.idx.msk $0xffff, v53  }
0x1d1: {  	v53 =	vadd.s32 v18, v8;
	v47 =	vld [tilespmem:s3+$0xFFFFFFF0];
	[tilespmem:v54+s21+$0x0] =	vst.idx.msk $0xffff, v50  }
0x1d2: {  	v54 =	vadd.s32 v18, v56;
	v50 =	vld [tilespmem:s3+$0xFFFFFF70];
	[tilespmem:v49+s21+$0x0] =	vst.idx.msk $0xffff, v48  }
0x1d3: {  	[tilespmem:v60+s21+$0x0] =	vst.idx.msk $0xffff, v9;
	v48 =	vadd.s32 v18, v57;
	v9 =	vld [tilespmem:s3+$0xFFFFFFB0]  }
0x1d4: {  	[tilespmem:v62+s21+$0x0] =	vst.idx.msk $0xffff, v61;
	v61 =	vadd.s32 v18, v58;
	v60 =	vld [tilespmem:s3+$0xFFFFFF30]  }
0x1d5: {  	v62 =	vadd.s32 v19, v44;
	v52 =	vld [tilespmem:s0+$0xFFFFFFC0];
	[tilespmem:v63+s21+$0x0] =	vst.idx.msk $0xffff, v46  }
0x1d6: {  	v43 =	vadd.s32 v19, v43;
	v63 =	vld [tilespmem:s0+$0xFFFFFF40];
	[tilespmem:v53+s21+$0x0] =	vst.idx.msk $0xffff, v47  }
0x1d7: {  	v8 =	vadd.s32 v19, v8;
	v53 =	vld [tilespmem:s3+$0x0];
	[tilespmem:v54+s21+$0x0] =	vst.idx.msk $0xffff, v50  }
0x1d8: {  	v56 =	vadd.s32 v19, v56;
	v55 =	vld [tilespmem:s3+$0xFFFFFF80];
	[tilespmem:v48+s21+$0x0] =	vst.idx.msk $0xffff, v9  }
0x1d9: {  	v57 =	vadd.s32 v19, v57;
	[tilespmem:v61+s21+$0x0] =	vst.idx.msk $0xffff, v60;
	v9 =	vld [tilespmem:s3+$0xFFFFFFC0]  }
0x1da: {  	[tilespmem:v62+s21+$0x0] =	vst.idx.msk $0xffff, v52;
	v60 =	vadd.s32 v19, v58;
	v59 =	vld [tilespmem:s3+$0xFFFFFF40]  }
0x1db: {  	[tilespmem:v43+s21+$0x0] =	vst.idx.msk $0xffff, v63  }
0x1dc: {  	[tilespmem:v8+s21+$0x0] =	vst.idx.msk $0xffff, v53  }
0x1dd: {  	[tilespmem:v56+s21+$0x0] =	vst.idx.msk $0xffff, v55  }
0x1de: {  	[tilespmem:v57+s21+$0x0] =	vst.idx.msk $0xffff, v9  }
0x1df: {  	s3 =	simm.s32 $0xCAF0;
	[tilespmem:v60+s21+$0x0] =	vst.idx.msk $0xffff, v59  }
0x1e0: {  	v8 =	vld [tilespmem:s3+$0xFFFFFFD0]  }
0x1e1: {  	v9 =	vld [tilespmem:s3+$0xFFFFFF10];
	_ =	sdelay $0x2  }
0x1e2: {  	v43 =	vld [tilespmem:s3+$0xFFFFFF50]  }
0x1e3: {  	[tilespmem:v25+s22+$0x0] =	vst.idx.msk $0xffff, v8  }
0x1e4: {  	[tilespmem:v26+s22+$0x0] =	vst.idx.msk $0xffff, v9;
	v8 =	vld [tilespmem:s3+$0xFFFFFFE0]  }
0x1e5: {  	v9 =	vld [tilespmem:s3+$0xFFFFFF20]  }
0x1e6: {  	v25 =	vld [tilespmem:s3+$0xFFFFFF90]  }
0x1e7: {  	[tilespmem:v27+s22+$0x0] =	vst.idx.msk $0xffff, v43  }
0x1e8: {  	v26 =	vld [tilespmem:s3+$0xFFFFFF60]  }
0x1e9: {  	[tilespmem:v29+s22+$0x0] =	vst.idx.msk $0xffff, v8  }
0x1ea: {  	[tilespmem:v32+s22+$0x0] =	vst.idx.msk $0xffff, v9;
	v8 =	vld [tilespmem:s3+$0xFFFFFFF0]  }
0x1eb: {  	[tilespmem:v31+s22+$0x0] =	vst.idx.msk $0xffff, v25;
	v9 =	vld [tilespmem:s3+$0xFFFFFF30]  }
0x1ec: {  	s0 =	simm.s32 $0xCBF0;
	v27 =	vld [tilespmem:s3+$0xFFFFFFA0]  }
0x1ed: {  	[tilespmem:v33+s22+$0x0] =	vst.idx.msk $0xffff, v26;
	v29 =	vld [tilespmem:s0+$0xFFFFFFD0]  }
0x1ee: {  	v25 =	vand.u32 $0x7C, v37;
	v26 =	vld [tilespmem:s3+$0xFFFFFF70]  }
0x1ef: {  	v31 =	vld [tilespmem:s0+$0xFFFFFF10];
	v61 =	vadd.s32 v13, v25;
	[tilespmem:v28+s22+$0x0] =	vst.idx.msk $0xffff, v8  }
0x1f0: {  	[tilespmem:v34+s22+$0x0] =	vst.idx.msk $0xffff, v9;
	v9 =	vld [tilespmem:s0+$0xFFFFFF50]  }
0x1f1: {  	[tilespmem:v30+s22+$0x0] =	vst.idx.msk $0xffff, v27;
	v8 =	vld [tilespmem:s3+$0x0]  }
0x1f2: {  	v27 =	vld [tilespmem:s0+$0xFFFFFF90];
	[tilespmem:v36+s22+$0x0] =	vst.idx.msk $0xffff, v29  }
0x1f3: {  	[tilespmem:v35+s22+$0x0] =	vst.idx.msk $0xffff, v26;
	v26 =	vld [tilespmem:s3+$0xFFFFFFB0]  }
0x1f4: {  	[tilespmem:v61+s22+$0x0] =	vst.idx.msk $0xffff, v31;
	v29 =	vadd.s32 v17, v23;
	v28 =	vld [tilespmem:s0+$0xFFFFFFE0]  }
0x1f5: {  	v63 =	vadd.s32 v17, v25;
	v62 =	vld [tilespmem:s0+$0xFFFFFF20];
	[tilespmem:v40+s22+$0x0] =	vst.idx.msk $0xffff, v9  }
0x1f6: {  	[tilespmem:v38+s22+$0x0] =	vst.idx.msk $0xffff, v8;
	v8 =	vld [tilespmem:s3+$0xFFFFFF80]  }
0x1f7: {  	v34 =	vadd.s32 v17, v22;
	[tilespmem:v41+s22+$0x0] =	vst.idx.msk $0xffff, v27;
	v33 =	vld [tilespmem:s0+$0xFFFFFF60]  }
0x1f8: {  	v32 =	vadd.s32 v17, v20;
	v31 =	vld [tilespmem:s0+$0xFFFFFFA0];
	[tilespmem:v42+s22+$0x0] =	vst.idx.msk $0xffff, v26  }
0x1f9: {  	v30 =	vadd.s32 v19, v24;
	[tilespmem:v29+s22+$0x0] =	vst.idx.msk $0xffff, v28;
	v27 =	vld [tilespmem:s3+$0xFFFFFFC0]  }
0x1fa: {  	[tilespmem:v63+s22+$0x0] =	vst.idx.msk $0xffff, v62;
	v28 =	vadd.s32 v18, v23;
	v24 =	vld [tilespmem:s0+$0xFFFFFFF0]  }
0x1fb: {  	s10 =	simm.s32 $0xB;
	s7 =	simm.s32 $0xC;
	v29 =	vadd.s32 v18, v25;
	v26 =	vld [tilespmem:s0+$0xFFFFFF30];
	[tilespmem:v39+s22+$0x0] =	vst.idx.msk $0xffff, v8  }
.LBB2_20:
0x1fc: {  	p0 =	slt.u32 s7, $0x7C;
	v8 =	vmov s10;
	[tilespmem:v34+s22+$0x0] =	vst.idx.msk $0xffff, v33;
	v9 =	vld [tilespmem:s3+$0xFFFFFF40];
	v33 =	vadd.s32 v19, v21;
	v21 =	vmov v25;
	s3 =	smov.u32 s0  }
0x1fd: {  	v25 =	vmov s31;
	v35 =	vadd.s32 v18, v22;
	s0 =	sadd.s32 $0x100, s0;
	v8 =	vand.u32 $0x7F, v8;
	v34 =	vld [tilespmem:s3+$0xFFFFFF70];
	[tilespmem:v32+s22+$0x0] =	vst.idx.msk $0xffff, v31  }
0x1fe: {  	s10 =	sadd.s32 $0x1, s31;
	v25 =	vand.u32 $0x7C, v25;
	v31 =	vld [tilespmem:s0+$0xFFFFFFD0];
	v32 =	vadd.s32 v13, v8;
	[tilespmem:v30+s22+$0x0] =	vst.idx.msk $0xffff, v27  }
0x1ff: {  	v36 =	vmov s10;
	s10 =	sadd.s32 $0x2, s31;
	s31 =	smov.u32 s7;
	v30 =	vadd.s32 v13, v25;
	v27 =	vld [tilespmem:s0+$0xFFFFFF10];
	[tilespmem:v28+s22+$0x0] =	vst.idx.msk $0xffff, v24  }
0x200: {  	v24 =	vand.u32 $0x7D, v36;
	v28 =	vmov s10;
	[tilespmem:v29+s22+$0x0] =	vst.idx.msk $0xffff, v26;
	v26 =	vld [tilespmem:s3+$0x0];
	v29 =	vadd.s32 v19, v23;
	v23 =	vmovc v8  }
0x201: {  	v36 =	vadd.s32 v13, v24;
	v28 =	vand.u32 $0x7E, v28;
	v8 =	vld [tilespmem:s0+$0xFFFFFF50];
	[tilespmem:v33+s22+$0x0] =	vst.idx.msk $0xffff, v9  }
0x202: {  	v37 =	vadd.s32 v13, v28;
	v9 =	vld [tilespmem:s0+$0xFFFFFF90];
	[tilespmem:v35+s22+$0x0] =	vst.idx.msk $0xffff, v34  }
0x203: {  	v38 =	vadd.s32 v18, v20;
	[tilespmem:v32+s22+$0x0] =	vst.idx.msk $0xffff, v31;
	v35 =	vld [tilespmem:s3+$0xFFFFFFB0]  }
0x204: {  	[tilespmem:v30+s22+$0x0] =	vst.idx.msk $0xffff, v27;
	v27 =	vld [tilespmem:s0+$0xFFFFFFE0];
	v30 =	vadd.s32 v17, v23  }
0x205: {  	v40 =	vadd.s32 v17, v25;
	v39 =	vld [tilespmem:s0+$0xFFFFFF20];
	[tilespmem:v29+s22+$0x0] =	vst.idx.msk $0xffff, v26  }
0x206: {  	[tilespmem:v36+s22+$0x0] =	vst.idx.msk $0xffff, v8;
	v8 =	vld [tilespmem:s3+$0xFFFFFF80];
	v36 =	vadd.s32 v19, v22;
	v22 =	vmov v24  }
.Ltmp12:
0x207: {  	v33 =	vld [tilespmem:s0+$0xFFFFFF60];
	v34 =	vadd.s32 v17, v22;
	[tilespmem:v37+s22+$0x0] =	vst.idx.msk $0xffff, v9;
	(pc) =	sbr.rel @p0 .LBB2_20-.Ltmp12, $4  }
0x208: {  	v32 =	vadd.s32 v17, v28;
	v31 =	vld [tilespmem:s0+$0xFFFFFFA0];
	[tilespmem:v38+s22+$0x0] =	vst.idx.msk $0xffff, v35  }
0x209: {  	[tilespmem:v30+s22+$0x0] =	vst.idx.msk $0xffff, v27;
	v27 =	vld [tilespmem:s3+$0xFFFFFFC0];
	v30 =	vadd.s32 v19, v20;
	v20 =	vmov v28  }
0x20a: {  	v28 =	vadd.s32 v18, v23;
	[tilespmem:v40+s22+$0x0] =	vst.idx.msk $0xffff, v39;
	v24 =	vld [tilespmem:s0+$0xFFFFFFF0]  }
0x20b: {  	s7 =	sadd.s32 $0x4, s7;
	s10 =	sadd.s32 $0x3, s31;
	v29 =	vadd.s32 v18, v25;
	v26 =	vld [tilespmem:s0+$0xFFFFFF30];
	[tilespmem:v36+s22+$0x0] =	vst.idx.msk $0xffff, v8  }
0x20c: {  	_ =	sdelay $0x2  }
0x20d: {  	v8 =	vmov s10;
	s7 =	sadd.s32 $0x1, s31  }
0x20e: {  	[tilespmem:v34+s22+$0x0] =	vst.idx.msk $0xffff, v33;
	v9 =	vld [tilespmem:s3+$0xFFFFFF40];
	v21 =	vadd.s32 v19, v21;
	s10 =	sadd.s32 $0x100, s0;
	s24 =	sadd.s32 $0x2, s31;
	v8 =	vand.u32 $0x7F, v8;
	v57 =	vmov s7  }
0x20f: {  	[tilespmem:v32+s22+$0x0] =	vst.idx.msk $0xffff, v31;
	v58 =	vld [tilespmem:s10+$0xFFFFFFD0];
	v60 =	vmov s24;
	v59 =	vadd.s32 v13, v8;
	v33 =	vand.u32 $0x7D, v57  }
0x210: {  	v35 =	vmov s31;
	v61 =	vld [tilespmem:s10+$0xFFFFFF50];
	[tilespmem:v30+s22+$0x0] =	vst.idx.msk $0xffff, v27;
	v34 =	vand.u32 $0x7E, v60;
	v62 =	vadd.s32 v13, v33  }
0x211: {  	v35 =	vand.u32 $0x7C, v35;
	v63 =	vld [tilespmem:s10+$0xFFFFFF90];
	[tilespmem:v28+s22+$0x0] =	vst.idx.msk $0xffff, v24;
	v40 =	vadd.s32 v13, v34  }
0x212: {  	v36 =	vld [tilespmem:s10+$0xFFFFFF10];
	v41 =	vadd.s32 v13, v35;
	[tilespmem:v29+s22+$0x0] =	vst.idx.msk $0xffff, v26  }
0x213: {  	v42 =	vld [tilespmem:s0+$0xFFFFFF70];
	[tilespmem:v21+s22+$0x0] =	vst.idx.msk $0xffff, v9;
	v9 =	vadd.s32 v18, v22  }
0x214: {  	v49 =	vadd.s32 v18, v20;
	v48 =	vld [tilespmem:s0+$0xFFFFFFB0];
	[tilespmem:v59+s22+$0x0] =	vst.idx.msk $0xffff, v58  }
0x215: {  	v44 =	vadd.s32 v17, v8;
	v31 =	vld [tilespmem:s10+$0xFFFFFFE0];
	[tilespmem:v62+s22+$0x0] =	vst.idx.msk $0xffff, v61  }
0x216: {  	v45 =	vadd.s32 v17, v33;
	[tilespmem:v40+s22+$0x0] =	vst.idx.msk $0xffff, v63;
	v27 =	vld [tilespmem:s10+$0xFFFFFF60]  }
0x217: {  	v46 =	vadd.s32 v17, v34;
	[tilespmem:v41+s22+$0x0] =	vst.idx.msk $0xffff, v36;
	v24 =	vld [tilespmem:s10+$0xFFFFFFA0]  }
0x218: {  	v47 =	vadd.s32 v17, v35;
	[tilespmem:v9+s22+$0x0] =	vst.idx.msk $0xffff, v42;
	v9 =	vld [tilespmem:s10+$0xFFFFFF20]  }
0x219: {  	v23 =	vadd.s32 v19, v23;
	v43 =	vld [tilespmem:s0+$0x0];
	[tilespmem:v49+s22+$0x0] =	vst.idx.msk $0xffff, v48  }
0x21a: {  	v58 =	vld [tilespmem:s0+$0xFFFFFF40];
	v59 =	vadd.s32 v19, v25;
	[tilespmem:v44+s22+$0x0] =	vst.idx.msk $0xffff, v31  }
0x21b: {  	v53 =	vadd.s32 v18, v8;
	v52 =	vld [tilespmem:s10+$0xFFFFFFF0];
	[tilespmem:v45+s22+$0x0] =	vst.idx.msk $0xffff, v27  }
0x21c: {  	v54 =	vadd.s32 v18, v33;
	[tilespmem:v46+s22+$0x0] =	vst.idx.msk $0xffff, v24;
	v27 =	vld [tilespmem:s10+$0xFFFFFF70]  }
0x21d: {  	v55 =	vadd.s32 v18, v34;
	[tilespmem:v47+s22+$0x0] =	vst.idx.msk $0xffff, v9;
	v9 =	vld [tilespmem:s10+$0xFFFFFFB0]  }
0x21e: {  	v57 =	vadd.s32 v18, v35;
	[tilespmem:v23+s22+$0x0] =	vst.idx.msk $0xffff, v43;
	v56 =	vld [tilespmem:s10+$0xFFFFFF30]  }
0x21f: {  	v20 =	vadd.s32 v19, v20;
	v29 =	vld [tilespmem:s0+$0xFFFFFFC0];
	[tilespmem:v59+s22+$0x0] =	vst.idx.msk $0xffff, v58  }
0x220: {  	v51 =	vadd.s32 v19, v22;
	v50 =	vld [tilespmem:s0+$0xFFFFFF80];
	[tilespmem:v53+s22+$0x0] =	vst.idx.msk $0xffff, v52  }
0x221: {  	v8 =	vadd.s32 v19, v8;
	v23 =	vld [tilespmem:s10+$0x0];
	[tilespmem:v54+s22+$0x0] =	vst.idx.msk $0xffff, v27  }
0x222: {  	v61 =	vadd.s32 v19, v33;
	[tilespmem:v55+s22+$0x0] =	vst.idx.msk $0xffff, v9;
	v60 =	vld [tilespmem:s10+$0xFFFFFF80]  }
0x223: {  	v62 =	vadd.s32 v19, v34;
	[tilespmem:v57+s22+$0x0] =	vst.idx.msk $0xffff, v56;
	v9 =	vld [tilespmem:s10+$0xFFFFFFC0]  }
0x224: {  	v63 =	vadd.s32 v19, v35;
	[tilespmem:v20+s22+$0x0] =	vst.idx.msk $0xffff, v29;
	v20 =	vld [tilespmem:s10+$0xFFFFFF40]  }
0x225: {  	[tilespmem:v51+s22+$0x0] =	vst.idx.msk $0xffff, v50  }
0x226: {  	s3 =	sshll.u32 s30, $0x15;
	[tilespmem:v8+s22+$0x0] =	vst.idx.msk $0xffff, v23  }
0x227: {  	s0 =	sadd.s32 s28, s3;
	[tilespmem:v61+s22+$0x0] =	vst.idx.msk $0xffff, v60  }
0x228: {  	s0 =	sshrl.u32 s0, $0x3;
	[tilespmem:v62+s22+$0x0] =	vst.idx.msk $0xffff, v9  }
0x229: {  	s7 =	simm.s32 $0x12E00;
	s3 =	sadd.s32 s1, s0;
	[tilespmem:v63+s22+$0x0] =	vst.idx.msk $0xffff, v20  }
0x22a: {  	[hbm4b:s3+s2] =	stream.linear.scatter [tilespmem:s7], [sflag:$0x2], $0x80, $0x38;
	[tilespmem:$0x17200] =	vst v63  }
0x22b: {  	s24 =	sadd.s32 $0x10, s3;
	s10 =	simm.s32 $0x12E88  }
0x22c: {  	[hbm4b:s24+s2] =	stream.linear.scatter [tilespmem:s10], [sflag:$0x2], $0x80, $0x38;
	[tilespmem:$0x17200] =	vst v63  }
0x22d: {  	s30 =	simm.s32 $0x12F10;
	s0 =	simm.s32 $0x440;
	s31 =	sadd.s32 $0x20, s3  }
0x22e: {  	[hbm4b:s31+s2] =	stream.linear.scatter [tilespmem:s30], [sflag:$0x2], $0x80, $0x38;
	[tilespmem:$0x17200] =	vst v63  }
0x22f: {  	s7 =	simm.s32 $0x2200;
	s10 =	simm.s32 $0x12F98;
	s24 =	sadd.s32 $0x30, s3  }
0x230: {  	[hbm4b:s24+s2] =	stream.linear.scatter [tilespmem:s10], [sflag:$0x2], $0x80, $0x38;
	[tilespmem:$0x17200] =	vst v63  }
0x231: {  	s30 =	simm.s32 $0x13020;
	s31 =	sadd.s32 $0x40, s3;
	s10 =	simm.s32 $0x130A8  }
0x232: {  	[hbm4b:s31+s2] =	stream.linear.scatter [tilespmem:s30], [sflag:$0x2], $0x80, $0x38;
	[tilespmem:$0x17200] =	vst v63  }
0x233: {  	s24 =	sadd.s32 $0x50, s3;
	s30 =	simm.s32 $0x13130;
	s31 =	sadd.s32 $0x60, s3  }
0x234: {  	[hbm4b:s24+s2] =	stream.linear.scatter [tilespmem:s10], [sflag:$0x2], $0x80, $0x38;
	[tilespmem:$0x17200] =	vst v63  }
0x235: {  	s10 =	simm.s32 $0x131B8;
	s24 =	sadd.s32 $0x70, s3;
	s3 =	sadd.s32 $0x4000, s3  }
0x236: {  	[hbm4b:s31+s2] =	stream.linear.scatter [tilespmem:s30], [sflag:$0x2], $0x80, $0x38;
	[tilespmem:$0x17200] =	vst v63  }
.LBB2_22:
0x237: {  	[hbm4b:s24+s2] =	stream.linear.scatter [tilespmem:s10], [sflag:$0x2], $0x80, $0x38;
	[tilespmem:$0x17200] =	vst v63  }
0x238: {  	s10 =	smov.u32 s0;
	s0 =	smov.u32 s7  }
0x239: {  	s30 =	sadd.s32 $0x1100, s7;
	s0 =	sshra.s32 s0, $0x2;
	s24 =	sadd.s32 $0x12E00, s10  }
0x23a: {  	[hbm4b:s3+s2] =	stream.linear.scatter [tilespmem:s24], [sflag:$0x2], $0x80, $0x38;
	[tilespmem:$0x17200] =	vst v63  }
0x23b: {  	p0 =	sne.s32 s7, $0xFF00;
	s7 =	sadd.s32 $0x12E88, s10;
	s24 =	sadd.s32 $0x10, s3  }
0x23c: {  	[hbm4b:s24+s2] =	stream.linear.scatter [tilespmem:s7], [sflag:$0x2], $0x80, $0x38;
	[tilespmem:$0x17200] =	vst v63  }
0x23d: {  	s7 =	sadd.s32 $0x12F10, s10;
	s24 =	sadd.s32 $0x20, s3  }
0x23e: {  	[hbm4b:s24+s2] =	stream.linear.scatter [tilespmem:s7], [sflag:$0x2], $0x80, $0x38;
	[tilespmem:$0x17200] =	vst v63  }
0x23f: {  	s7 =	sadd.s32 $0x12F98, s10;
	s24 =	sadd.s32 $0x30, s3  }
0x240: {  	[hbm4b:s24+s2] =	stream.linear.scatter [tilespmem:s7], [sflag:$0x2], $0x80, $0x38;
	[tilespmem:$0x17200] =	vst v63  }
0x241: {  	s7 =	sadd.s32 $0x13020, s10;
	s24 =	sadd.s32 $0x40, s3  }
0x242: {  	[hbm4b:s24+s2] =	stream.linear.scatter [tilespmem:s7], [sflag:$0x2], $0x80, $0x38;
	[tilespmem:$0x17200] =	vst v63  }
.Ltmp13:
0x243: {  	s7 =	sadd.s32 $0x130A8, s10;
	s24 =	sadd.s32 $0x50, s3;
	(pc) =	sbr.rel @p0 .LBB2_22-.Ltmp13, $4  }
0x244: {  	[hbm4b:s24+s2] =	stream.linear.scatter [tilespmem:s7], [sflag:$0x2], $0x80, $0x38;
	[tilespmem:$0x17200] =	vst v63  }
0x245: {  	s7 =	sadd.s32 $0x13130, s10;
	s24 =	sadd.s32 $0x60, s3;
	s10 =	sadd.s32 $0x131B8, s10  }
0x246: {  	[hbm4b:s24+s2] =	stream.linear.scatter [tilespmem:s7], [sflag:$0x2], $0x80, $0x38;
	[tilespmem:$0x17200] =	vst v63  }
0x247: {  	s24 =	sadd.s32 $0x70, s3;
	s3 =	sadd.s32 $0x4000, s3;
	s7 =	smov.u32 s30  }
0x248: {  	[hbm4b:s24+s2] =	stream.linear.scatter [tilespmem:s10], [sflag:$0x2], $0x80, $0x38;
	[tilespmem:$0x17200] =	vst v63  }
0x249: {  	s7 =	sadd.s32 $0x12E00, s0  }
0x24a: {  	[hbm4b:s3+s2] =	stream.linear.scatter [tilespmem:s7], [sflag:$0x2], $0x80, $0x38;
	[tilespmem:$0x17200] =	vst v63  }
0x24b: {  	s30 =	sadd.s32 $0x12E88, s0;
	s31 =	sadd.s32 $0x10, s3  }
0x24c: {  	[hbm4b:s31+s2] =	stream.linear.scatter [tilespmem:s30], [sflag:$0x2], $0x80, $0x38;
	[tilespmem:$0x17200] =	vst v63  }
0x24d: {  	s10 =	sadd.s32 $0x12F10, s0;
	s24 =	sadd.s32 $0x20, s3  }
0x24e: {  	[hbm4b:s24+s2] =	stream.linear.scatter [tilespmem:s10], [sflag:$0x2], $0x80, $0x38;
	[tilespmem:$0x17200] =	vst v63  }
0x24f: {  	s30 =	sadd.s32 $0x12F98, s0;
	s31 =	sadd.s32 $0x30, s3  }
0x250: {  	[hbm4b:s31+s2] =	stream.linear.scatter [tilespmem:s30], [sflag:$0x2], $0x80, $0x38;
	[tilespmem:$0x17200] =	vst v63  }
0x251: {  	s29 =	sadd.s32 $0x1, s29;
	s10 =	sadd.s32 $0x13020, s0;
	s24 =	sadd.s32 $0x40, s3  }
0x252: {  	[hbm4b:s24+s2] =	stream.linear.scatter [tilespmem:s10], [sflag:$0x2], $0x80, $0x38;
	[tilespmem:$0x17200] =	vst v63  }
0x253: {  	p0 =	sne.s32 s29, $0x32;
	s30 =	sadd.s32 $0x130A8, s0;
	s31 =	sadd.s32 $0x50, s3  }
0x254: {  	[hbm4b:s31+s2] =	stream.linear.scatter [tilespmem:s30], [sflag:$0x2], $0x80, $0x38;
	[tilespmem:$0x17200] =	vst v63  }
.Ltmp14:
0x255: {  	_ = 	snop;
	(pc) =	sbr.rel @p0 .LBB2_5-.Ltmp14, $4  }
.Ltmp15:
0x256: {  	s10 =	sadd.s32 $0x13130, s0;
	s24 =	sadd.s32 $0x60, s3;
	(pc) =	sbr.rel @!p0 .LBB2_24-.Ltmp15, $4  }
0x257: {  	[hbm4b:s24+s2] =	stream.linear.scatter [tilespmem:s10], [sflag:$0x2], $0x80, $0x38;
	[tilespmem:$0x17200] =	vst v63  }
0x258: {  	s30 =	sadd.s32 $0x131B8, s0;
	s31 =	sadd.s32 $0x70, s3  }
0x259: {  	[hbm4b:s31+s2] =	stream.linear.scatter [tilespmem:s30], [sflag:$0x2], $0x80, $0x38;
	[tilespmem:$0x17200] =	vst v63  }
0x25a: {  	_ = 	snop  }
.LBB2_8:
.Ltmp16:
0x25b: {  	(pc) =	sbr.rel .LBB2_15-.Ltmp16, $2  }
0x25c: {  	_ =	sdelay $0x2  }
0x25d: {  	s3 =	simm.s32 $0x8AF0  }
.LBB2_10:
.Ltmp17:
0x25e: {  	(pc) =	sbr.rel .LBB2_15-.Ltmp17, $2  }
0x25f: {  	_ =	sdelay $0x2  }
0x260: {  	s3 =	simm.s32 $0x8AF0;
	s0 =	simm.s32 $0x4  }
.LBB2_12:
.Ltmp18:
0x261: {  	(pc) =	sbr.rel .LBB2_15-.Ltmp18, $2  }
0x262: {  	_ =	sdelay $0x2  }
0x263: {  	v38 =	vmovc v20;
	s7 =	simm.s32 $0x8AF0;
	v20 =	vmovc v25;
	v23 =	vmov v24;
	v29 =	vmov v22;
	v21 =	vmov v26  }
.LBB2_26:
0x264: {  	_ =	sfence.sel $0x180000  }
0x265: {  	[bflag:$0x0] =	sbarrier.arrive $0xFFFF  }
0x266: {  	_ =	strace $0x90000047  }
0x267: {  	s0 =	stileid.u32;
	[bflag:$0x2] =	sbarrier.arrive $0xFFFF  }
0x268: {  	p0 =	sne.s32 s0, $0x0;
	s0 =	rddreg [dreg:$0x2]  }
0x269: {  	s0 =	sadd.s32 @!p0 $0x100000, s0  }
0x26a: {  	[sflag:s0] =	ssyncadd.tile.s32 @!p0 $0x1;
	_ =	shalt  }
.Lfunc_end2:
_tile_overlayer_lowered:
.L_overlay_start_2:
0x26b: {  	(tag) =	ssettag $0x2  }
0x26c: {  	s0 =	rddreg [dreg:$0x0];
	s2 =	stileid.u32  }
0x26d: {  	s1 =	rddreg [dreg:$0x1];
	p0 =	sne.s32 s2, $0x0  }
0x26e: {  	s3 =	rddreg [dreg:$0x2];
	[bflag:$0x3] =	sbarrier.arrive $0xFFFF;
	s2 =	simm.s32 @!p0 $0x1C03  }
0x26f: {  	[timem:s3], [sflag:s2] =	dma.local @!p0 [hbm:s0], s1  }
0x270: {  	s0 =	simm.s32 @!p0 $0x3  }
0x271: {  	_ =	swait.ge @!p0 [sflag:s0], s1  }
0x272: {  	s1 =	ssub.s32 @!p0 $0x0, s1;
	[sflag:s0] =	ssyncset.done @!p0 $0x0  }
0x273: {  	[sflag:s0] =	ssyncadd.s32 @!p0 s1  }
0x274: {  	[bflag:$0x3] =	sbarrier.arrive $0xFFFF  }
0x275: {  	_ =	shalt  }

</sc_bundles>
